<compile_context>
chip_gen: v7x
topology: tpu7x:2x2x1
jax: 0.10.2.dev20260603
libtpu: 0.0.44.dev20260713+nightly
codegen_flags: <defaults>
</compile_context>

<pallas_src>
import jax
import jax.numpy as jnp
from jax import lax
from jax.experimental import pallas as pl
from jax.experimental.pallas import tpu as pltpu
from jax.experimental.pallas import tpu_sc as plsc

_BATCH = 16384
_FEAT = 64
_CLASSES = 100000
_LANES = 16
_NC = 2
_NS = 16
_NW = _NC * _NS
_DPW = _FEAT // _NW
_TCHUNK = 4096
_NTC = _BATCH // _TCHUNK
_UNROLL = 4
_NSEG = 4
_SEG = 25088
_TSTAGE = _BATCH // _NS


def _tec_body(ft_hbm, tgt_hbm, ct_hbm, out_hbm,
              crow_v, frow_v, tgt_v, part_v, tgt_sh, sems, fsem, tsem):
    c = lax.axis_index("c")
    s = lax.axis_index("s")
    wid = s * _NC + c

    pltpu.sync_copy(tgt_hbm.at[pl.ds(s * _TSTAGE, _TSTAGE)],
                    tgt_sh.at[pl.ds(s * _TSTAGE, _TSTAGE)])
    plsc.subcore_barrier()

    acc = (jnp.zeros((_LANES,), jnp.float32),) * _UNROLL
    for j in range(_DPW):
        d = wid * _DPW + j
        cps = []
        for g in range(_NSEG):
            lo = g * _SEG
            ln = min(_SEG, _CLASSES - lo)
            cps.append(pltpu.async_copy(
                ct_hbm.at[pl.ds(d, 1), pl.ds(lo, ln)],
                crow_v.at[pl.ds(0, 1), pl.ds(lo, ln)], sems[g]))
        cp_f = pltpu.async_copy(ft_hbm.at[wid * _DPW + j], frow_v, fsem)
        cp_t = pltpu.async_copy(tgt_sh.at[pl.ds(0, _TCHUNK)], tgt_v.at[0],
                                tsem)
        for cp in cps:
            cp.wait()
        cp_f.wait()
        for t in range(_NTC):
            cp_t.wait()
            if t + 1 < _NTC:
                cp_t = pltpu.async_copy(
                    tgt_sh.at[pl.ds((t + 1) * _TCHUNK, _TCHUNK)],
                    tgt_v.at[(t + 1) % 2], tsem)

            def step(k, a, _t=t):
                i0 = k * (_LANES * _UNROLL)
                res = []
                for v in range(_UNROLL):
                    off = i0 + v * _LANES
                    tv = tgt_v[_t % 2, pl.ds(off, _LANES)]
                    fv = frow_v[pl.ds(_t * _TCHUNK + off, _LANES)]
                    cv = plsc.load_gather(crow_v.at[0], [tv])
                    dv = fv - cv
                    res.append(a[v] + dv * dv)
                return tuple(res)

            acc = lax.fori_loop(0, _TCHUNK // (_LANES * _UNROLL), step, acc)

    part = ((acc[0] + acc[1]) + (acc[2] + acc[3])) * (0.5 / _BATCH)
    part_v[...] = part
    pltpu.sync_copy(part_v, out_hbm.at[wid])


def _center_loss(features_t, targets, centers_t):
    mesh = plsc.VectorSubcoreMesh(core_axis_name="c", subcore_axis_name="s")
    run = pl.kernel(
        _tec_body,
        mesh=mesh,
        out_type=jax.ShapeDtypeStruct((_NW, _LANES), jnp.float32),
        scratch_types=[
            pltpu.VMEM((1, _CLASSES), jnp.float32),
            pltpu.VMEM((_BATCH,), jnp.float32),
            pltpu.VMEM((2, _TCHUNK), jnp.int32),
            pltpu.VMEM((_LANES,), jnp.float32),
            pltpu.VMEM_SHARED((_BATCH,), jnp.int32),
            [pltpu.SemaphoreType.DMA] * _NSEG,
            pltpu.SemaphoreType.DMA,
            pltpu.SemaphoreType.DMA,
        ],
        compiler_params=pltpu.CompilerParams(needs_layout_passes=False),
    )
    parts = run(features_t, targets, centers_t)
    return jnp.sum(parts)


def kernel(features, targets, centers):
    return _center_loss(features.T, targets.astype(jnp.int32), centers.T)

# --- scband reference (transcript-rebuilt; emitter-appended) ---
"""Pipeline reference for scband-center-loss-51402168598699 (READ-ONLY COPY).

The authoritative reference and input builder live on the scoring server;
editing this copy changes nothing except your own understanding.
"""

import jax, jax.numpy as jnp
import numpy as np

NUM_CLASSES = 100000
FEAT_DIM = 64
BATCH = 16384

def setup_inputs(seed: int = 0) -> dict:
    key = jax.random.key(seed)
    k_feat, k_tgt, k_cent = jax.random.split(key, 3)
    features = jax.random.normal(k_feat, (BATCH, FEAT_DIM), dtype=jnp.float32)
    targets = jax.random.randint(k_tgt, (BATCH,), 0, NUM_CLASSES, dtype=jnp.int64 if jax.config.read('jax_enable_x64') else jnp.int32)
    centers = jax.random.normal(k_cent, (NUM_CLASSES, FEAT_DIM), dtype=jnp.float32)
    return {"features": features, "targets": targets, "centers": centers}

def reference(features, targets, centers):
    batch_size = features.shape[0]
    centers_batch = jnp.take(centers, targets, axis=0)
    diff = features - centers_batch
    loss = 0.5 * jnp.sum(jnp.square(diff)) / batch_size
    return loss

if __name__ == "__main__":
    import jax
    _d = setup_inputs()
    print(jax.jit(kernel)(*tuple(_d.values())))

</pallas_src>

<mosaic_0001>
#map = affine_map<(d0, d1) -> (0, 0)>
#map1 = affine_map<(d0, d1) -> (0)>
module attributes {stable_mosaic.version = 14 : i64} {
  func.func @_tec_body(%arg0: i32, %arg1: i32, %arg2: memref<64x16384xf32, #tpu.memory_space<hbm>>, %arg3: memref<16384xi32, #tpu.memory_space<hbm>>, %arg4: memref<64x100000xf32, #tpu.memory_space<hbm>>, %arg5: memref<32x16xf32, #tpu.memory_space<hbm>>, %arg6: memref<1x100000xf32, #tpu.memory_space<vmem>>, %arg7: memref<16384xf32, #tpu.memory_space<vmem>>, %arg8: memref<2x4096xi32, #tpu.memory_space<vmem>>, %arg9: memref<16xf32, #tpu.memory_space<vmem>>, %arg10: memref<16384xi32, #tpu.memory_space<vmem_shared>>, %arg11: memref<!tpu.dma_semaphore, #tpu.memory_space<semaphore_mem>>, %arg12: memref<!tpu.dma_semaphore, #tpu.memory_space<semaphore_mem>>, %arg13: memref<!tpu.dma_semaphore, #tpu.memory_space<semaphore_mem>>, %arg14: memref<!tpu.dma_semaphore, #tpu.memory_space<semaphore_mem>>, %arg15: memref<!tpu.dma_semaphore, #tpu.memory_space<semaphore_mem>>, %arg16: memref<!tpu.dma_semaphore, #tpu.memory_space<semaphore_mem>>) attributes {dimension_semantics = [#tpu.dimension_semantics<core_parallel>, #tpu.dimension_semantics<subcore_parallel>], iteration_bounds = array<i64: 2, 16>, scalar_prefetch = 0 : i64, scratch_operands = 11 : i64, tpu.core_type = #tpu.core_type<sc_vector_subcore>, window_params = [{transform_indices = #map}, {transform_indices = #map1}, {transform_indices = #map}, {transform_indices = #map}]} {
    %mul3A = arith.constant 2 : i32
    %mul3A_0 = arith.muli %arg1, %mul3A : i32
    %add3A = arith.addi %mul3A_0, %arg0 : i32
    %mul3A_1 = arith.constant 1024 : i32
    %mul3A_2 = arith.muli %arg1, %mul3A_1 : i32
    %mul3A_3 = arith.constant 1024 : i32
    %mul3A_4 = arith.muli %arg1, %mul3A_3 : i32
    "tpu.region"() ({
      %run_scoped3A = tpu.sem_alloc : memref<!tpu.dma_semaphore, #tpu.memory_space<semaphore_mem>>
      %dma_start3A_434 = tpu.memref_slice %arg10[%mul3A_4] : memref<16384xi32, #tpu.memory_space<vmem_shared>> -> memref<1024xi32, #tpu.memory_space<vmem_shared>>
      %dma_start3A_435 = tpu.memref_slice %arg3[%mul3A_2] : memref<16384xi32, #tpu.memory_space<hbm>> -> memref<1024xi32, #tpu.memory_space<hbm>>
      tpu.enqueue_dma source(%dma_start3A_435 : memref<1024xi32, #tpu.memory_space<hbm>>) target(%dma_start3A_434 : memref<1024xi32, #tpu.memory_space<vmem_shared>>) target_semaphore(%run_scoped3A : memref<!tpu.dma_semaphore, #tpu.memory_space<semaphore_mem>>)
      %dma_wait3A_436 = tpu.memref_slice %arg10[%mul3A_4] : memref<16384xi32, #tpu.memory_space<vmem_shared>> -> memref<1024xi32, #tpu.memory_space<vmem_shared>>
      %dma_wait3A_437 = tpu.memref_slice %arg3[%mul3A_2] : memref<16384xi32, #tpu.memory_space<hbm>> -> memref<1024xi32, #tpu.memory_space<hbm>>
      tpu.wait_dma2 semaphore(%run_scoped3A : memref<!tpu.dma_semaphore, #tpu.memory_space<semaphore_mem>>) src(%dma_wait3A_437 : memref<1024xi32, #tpu.memory_space<hbm>>) dst(%dma_wait3A_436 : memref<1024xi32, #tpu.memory_space<vmem_shared>>)
      tpu.yield
    }) : () -> ()
    %barrier3A = arith.constant 0 : index
    tpu.barrier barrier_id(%barrier3A)
    %broadcast_in_dim3A = arith.constant 0.000000e+00 : f32
    %broadcast_in_dim3A_5 = vector.broadcast %broadcast_in_dim3A : f32 to vector<16xf32>
    %mul3A_6 = arith.constant 2 : i32
    %mul3A_7 = arith.muli %add3A, %mul3A_6 : i32
    %add3A_8 = arith.constant 0 : i32
    %add3A_9 = arith.addi %mul3A_7, %add3A_8 : i32
    %dma_start3A = arith.constant 0 : i32
    %dma_start3A_10 = arith.constant 0 : i32
    %dma_start3A_11 = tpu.memref_slice %arg6[%dma_start3A, %dma_start3A_10] : memref<1x100000xf32, #tpu.memory_space<vmem>> -> memref<1x25088xf32, #tpu.memory_space<vmem>>
    %dma_start3A_12 = arith.constant 0 : i32
    %dma_start3A_13 = tpu.memref_slice %arg4[%add3A_9, %dma_start3A_12] : memref<64x100000xf32, #tpu.memory_space<hbm>> -> memref<1x25088xf32, #tpu.memory_space<hbm>>
    %dma_start3A_14 = arith.constant 0 : i32
    %dma_start3A_15 = arith.constant 0 : i32
    %dma_start3A_16 = tpu.memref_slice %arg6[%dma_start3A_14, %dma_start3A_15] : memref<1x100000xf32, #tpu.memory_space<vmem>> -> memref<1x25088xf32, #tpu.memory_space<vmem>>
    %dma_start3A_17 = arith.constant 0 : i32
    %dma_start3A_18 = tpu.memref_slice %arg4[%add3A_9, %dma_start3A_17] : memref<64x100000xf32, #tpu.memory_space<hbm>> -> memref<1x25088xf32, #tpu.memory_space<hbm>>
    tpu.enqueue_dma source(%dma_start3A_18 : memref<1x25088xf32, #tpu.memory_space<hbm>>) target(%dma_start3A_16 : memref<1x25088xf32, #tpu.memory_space<vmem>>) target_semaphore(%arg11 : memref<!tpu.dma_semaphore, #tpu.memory_space<semaphore_mem>>)
    %dma_start3A_19 = arith.constant 0 : i32
    %dma_start3A_20 = arith.constant 25088 : i32
    %dma_start3A_21 = tpu.memref_slice %arg6[%dma_start3A_19, %dma_start3A_20] : memref<1x100000xf32, #tpu.memory_space<vmem>> -> memref<1x25088xf32, #tpu.memory_space<vmem>>
    %dma_start3A_22 = arith.constant 25088 : i32
    %dma_start3A_23 = tpu.memref_slice %arg4[%add3A_9, %dma_start3A_22] : memref<64x100000xf32, #tpu.memory_space<hbm>> -> memref<1x25088xf32, #tpu.memory_space<hbm>>
    %dma_start3A_24 = arith.constant 0 : i32
    %dma_start3A_25 = arith.constant 25088 : i32
    %dma_start3A_26 = tpu.memref_slice %arg6[%dma_start3A_24, %dma_start3A_25] : memref<1x100000xf32, #tpu.memory_space<vmem>> -> memref<1x25088xf32, #tpu.memory_space<vmem>>
    %dma_start3A_27 = arith.constant 25088 : i32
    %dma_start3A_28 = tpu.memref_slice %arg4[%add3A_9, %dma_start3A_27] : memref<64x100000xf32, #tpu.memory_space<hbm>> -> memref<1x25088xf32, #tpu.memory_space<hbm>>
    tpu.enqueue_dma source(%dma_start3A_28 : memref<1x25088xf32, #tpu.memory_space<hbm>>) target(%dma_start3A_26 : memref<1x25088xf32, #tpu.memory_space<vmem>>) target_semaphore(%arg12 : memref<!tpu.dma_semaphore, #tpu.memory_space<semaphore_mem>>)
    %dma_start3A_29 = arith.constant 0 : i32
    %dma_start3A_30 = arith.constant 50176 : i32
    %dma_start3A_31 = tpu.memref_slice %arg6[%dma_start3A_29, %dma_start3A_30] : memref<1x100000xf32, #tpu.memory_space<vmem>> -> memref<1x25088xf32, #tpu.memory_space<vmem>>
    %dma_start3A_32 = arith.constant 50176 : i32
    %dma_start3A_33 = tpu.memref_slice %arg4[%add3A_9, %dma_start3A_32] : memref<64x100000xf32, #tpu.memory_space<hbm>> -> memref<1x25088xf32, #tpu.memory_space<hbm>>
    %dma_start3A_34 = arith.constant 0 : i32
    %dma_start3A_35 = arith.constant 50176 : i32
    %dma_start3A_36 = tpu.memref_slice %arg6[%dma_start3A_34, %dma_start3A_35] : memref<1x100000xf32, #tpu.memory_space<vmem>> -> memref<1x25088xf32, #tpu.memory_space<vmem>>
    %dma_start3A_37 = arith.constant 50176 : i32
    %dma_start3A_38 = tpu.memref_slice %arg4[%add3A_9, %dma_start3A_37] : memref<64x100000xf32, #tpu.memory_space<hbm>> -> memref<1x25088xf32, #tpu.memory_space<hbm>>
    tpu.enqueue_dma source(%dma_start3A_38 : memref<1x25088xf32, #tpu.memory_space<hbm>>) target(%dma_start3A_36 : memref<1x25088xf32, #tpu.memory_space<vmem>>) target_semaphore(%arg13 : memref<!tpu.dma_semaphore, #tpu.memory_space<semaphore_mem>>)
    %dma_start3A_39 = arith.constant 0 : i32
    %dma_start3A_40 = arith.constant 75264 : i32
    %dma_start3A_41 = tpu.memref_slice %arg6[%dma_start3A_39, %dma_start3A_40] : memref<1x100000xf32, #tpu.memory_space<vmem>> -> memref<1x24736xf32, #tpu.memory_space<vmem>>
    %dma_start3A_42 = arith.constant 75264 : i32
    %dma_start3A_43 = tpu.memref_slice %arg4[%add3A_9, %dma_start3A_42] : memref<64x100000xf32, #tpu.memory_space<hbm>> -> memref<1x24736xf32, #tpu.memory_space<hbm>>
    %dma_start3A_44 = arith.constant 0 : i32
    %dma_start3A_45 = arith.constant 75264 : i32
    %dma_start3A_46 = tpu.memref_slice %arg6[%dma_start3A_44, %dma_start3A_45] : memref<1x100000xf32, #tpu.memory_space<vmem>> -> memref<1x24736xf32, #tpu.memory_space<vmem>>
    %dma_start3A_47 = arith.constant 75264 : i32
    %dma_start3A_48 = tpu.memref_slice %arg4[%add3A_9, %dma_start3A_47] : memref<64x100000xf32, #tpu.memory_space<hbm>> -> memref<1x24736xf32, #tpu.memory_space<hbm>>
    tpu.enqueue_dma source(%dma_start3A_48 : memref<1x24736xf32, #tpu.memory_space<hbm>>) target(%dma_start3A_46 : memref<1x24736xf32, #tpu.memory_space<vmem>>) target_semaphore(%arg14 : memref<!tpu.dma_semaphore, #tpu.memory_space<semaphore_mem>>)
    %mul3A_49 = arith.constant 2 : i32
    %mul3A_50 = arith.muli %add3A, %mul3A_49 : i32
    %add3A_51 = arith.constant 0 : i32
    %add3A_52 = arith.addi %mul3A_50, %add3A_51 : i32
    %dma_start3A_53 = arith.constant 0 : i32
    %dma_start3A_54 = tpu.memref_slice %arg2[%add3A_52, %dma_start3A_53] : memref<64x16384xf32, #tpu.memory_space<hbm>> -> memref<1x16384xf32, #tpu.memory_space<hbm>>
    %dma_start3A_55 = tpu.memref_squeeze %dma_start3A_54 : memref<1x16384xf32, #tpu.memory_space<hbm>> -> memref<16384xf32, #tpu.memory_space<hbm>>
    %dma_start3A_56 = arith.constant 0 : i32
    %dma_start3A_57 = tpu.memref_slice %arg2[%add3A_52, %dma_start3A_56] : memref<64x16384xf32, #tpu.memory_space<hbm>> -> memref<1x16384xf32, #tpu.memory_space<hbm>>
    %dma_start3A_58 = tpu.memref_squeeze %dma_start3A_57 : memref<1x16384xf32, #tpu.memory_space<hbm>> -> memref<16384xf32, #tpu.memory_space<hbm>>
    tpu.enqueue_dma source(%dma_start3A_58 : memref<16384xf32, #tpu.memory_space<hbm>>) target(%arg7 : memref<16384xf32, #tpu.memory_space<vmem>>) target_semaphore(%arg15 : memref<!tpu.dma_semaphore, #tpu.memory_space<semaphore_mem>>)
    %dma_start3A_59 = arith.constant 0 : i32
    %dma_start3A_60 = arith.constant 0 : i32
    %dma_start3A_61 = tpu.memref_slice %arg8[%dma_start3A_59, %dma_start3A_60] : memref<2x4096xi32, #tpu.memory_space<vmem>> -> memref<1x4096xi32, #tpu.memory_space<vmem>>
    %dma_start3A_62 = tpu.memref_squeeze %dma_start3A_61 : memref<1x4096xi32, #tpu.memory_space<vmem>> -> memref<4096xi32, #tpu.memory_space<vmem>>
    %dma_start3A_63 = arith.constant 0 : i32
    %dma_start3A_64 = tpu.memref_slice %arg10[%dma_start3A_63] : memref<16384xi32, #tpu.memory_space<vmem_shared>> -> memref<4096xi32, #tpu.memory_space<vmem_shared>>
    %dma_start3A_65 = arith.constant 0 : i32
    %dma_start3A_66 = tpu.memref_slice %arg8[%dma_start3A_59, %dma_start3A_65] : memref<2x4096xi32, #tpu.memory_space<vmem>> -> memref<1x4096xi32, #tpu.memory_space<vmem>>
    %dma_start3A_67 = tpu.memref_squeeze %dma_start3A_66 : memref<1x4096xi32, #tpu.memory_space<vmem>> -> memref<4096xi32, #tpu.memory_space<vmem>>
    %dma_start3A_68 = arith.constant 0 : i32
    %dma_start3A_69 = tpu.memref_slice %arg10[%dma_start3A_68] : memref<16384xi32, #tpu.memory_space<vmem_shared>> -> memref<4096xi32, #tpu.memory_space<vmem_shared>>
    tpu.enqueue_dma source(%dma_start3A_69 : memref<4096xi32, #tpu.memory_space<vmem_shared>>) target(%dma_start3A_67 : memref<4096xi32, #tpu.memory_space<vmem>>) target_semaphore(%arg16 : memref<!tpu.dma_semaphore, #tpu.memory_space<semaphore_mem>>)
    %dma_wait3A = arith.constant 0 : i32
    %dma_wait3A_70 = arith.constant 0 : i32
    %dma_wait3A_71 = tpu.memref_slice %arg6[%dma_wait3A, %dma_wait3A_70] : memref<1x100000xf32, #tpu.memory_space<vmem>> -> memref<1x25088xf32, #tpu.memory_space<vmem>>
    %dma_wait3A_72 = arith.constant 0 : i32
    %dma_wait3A_73 = tpu.memref_slice %arg4[%add3A_9, %dma_wait3A_72] : memref<64x100000xf32, #tpu.memory_space<hbm>> -> memref<1x25088xf32, #tpu.memory_space<hbm>>
    %dma_wait3A_74 = arith.constant 0 : i32
    %dma_wait3A_75 = arith.constant 0 : i32
    %dma_wait3A_76 = tpu.memref_slice %arg6[%dma_wait3A_74, %dma_wait3A_75] : memref<1x100000xf32, #tpu.memory_space<vmem>> -> memref<1x25088xf32, #tpu.memory_space<vmem>>
    %dma_wait3A_77 = arith.constant 0 : i32
    %dma_wait3A_78 = tpu.memref_slice %arg4[%add3A_9, %dma_wait3A_77] : memref<64x100000xf32, #tpu.memory_space<hbm>> -> memref<1x25088xf32, #tpu.memory_space<hbm>>
    tpu.wait_dma2 semaphore(%arg11 : memref<!tpu.dma_semaphore, #tpu.memory_space<semaphore_mem>>) src(%dma_wait3A_78 : memref<1x25088xf32, #tpu.memory_space<hbm>>) dst(%dma_wait3A_76 : memref<1x25088xf32, #tpu.memory_space<vmem>>)
    %dma_wait3A_79 = arith.constant 0 : i32
    %dma_wait3A_80 = arith.constant 25088 : i32
    %dma_wait3A_81 = tpu.memref_slice %arg6[%dma_wait3A_79, %dma_wait3A_80] : memref<1x100000xf32, #tpu.memory_space<vmem>> -> memref<1x25088xf32, #tpu.memory_space<vmem>>
    %dma_wait3A_82 = arith.constant 25088 : i32
    %dma_wait3A_83 = tpu.memref_slice %arg4[%add3A_9, %dma_wait3A_82] : memref<64x100000xf32, #tpu.memory_space<hbm>> -> memref<1x25088xf32, #tpu.memory_space<hbm>>
    %dma_wait3A_84 = arith.constant 0 : i32
    %dma_wait3A_85 = arith.constant 25088 : i32
    %dma_wait3A_86 = tpu.memref_slice %arg6[%dma_wait3A_84, %dma_wait3A_85] : memref<1x100000xf32, #tpu.memory_space<vmem>> -> memref<1x25088xf32, #tpu.memory_space<vmem>>
    %dma_wait3A_87 = arith.constant 25088 : i32
    %dma_wait3A_88 = tpu.memref_slice %arg4[%add3A_9, %dma_wait3A_87] : memref<64x100000xf32, #tpu.memory_space<hbm>> -> memref<1x25088xf32, #tpu.memory_space<hbm>>
    tpu.wait_dma2 semaphore(%arg12 : memref<!tpu.dma_semaphore, #tpu.memory_space<semaphore_mem>>) src(%dma_wait3A_88 : memref<1x25088xf32, #tpu.memory_space<hbm>>) dst(%dma_wait3A_86 : memref<1x25088xf32, #tpu.memory_space<vmem>>)
    %dma_wait3A_89 = arith.constant 0 : i32
    %dma_wait3A_90 = arith.constant 50176 : i32
    %dma_wait3A_91 = tpu.memref_slice %arg6[%dma_wait3A_89, %dma_wait3A_90] : memref<1x100000xf32, #tpu.memory_space<vmem>> -> memref<1x25088xf32, #tpu.memory_space<vmem>>
    %dma_wait3A_92 = arith.constant 50176 : i32
    %dma_wait3A_93 = tpu.memref_slice %arg4[%add3A_9, %dma_wait3A_92] : memref<64x100000xf32, #tpu.memory_space<hbm>> -> memref<1x25088xf32, #tpu.memory_space<hbm>>
    %dma_wait3A_94 = arith.constant 0 : i32
    %dma_wait3A_95 = arith.constant 50176 : i32
    %dma_wait3A_96 = tpu.memref_slice %arg6[%dma_wait3A_94, %dma_wait3A_95] : memref<1x100000xf32, #tpu.memory_space<vmem>> -> memref<1x25088xf32, #tpu.memory_space<vmem>>
    %dma_wait3A_97 = arith.constant 50176 : i32
    %dma_wait3A_98 = tpu.memref_slice %arg4[%add3A_9, %dma_wait3A_97] : memref<64x100000xf32, #tpu.memory_space<hbm>> -> memref<1x25088xf32, #tpu.memory_space<hbm>>
    tpu.wait_dma2 semaphore(%arg13 : memref<!tpu.dma_semaphore, #tpu.memory_space<semaphore_mem>>) src(%dma_wait3A_98 : memref<1x25088xf32, #tpu.memory_space<hbm>>) dst(%dma_wait3A_96 : memref<1x25088xf32, #tpu.memory_space<vmem>>)
    %dma_wait3A_99 = arith.constant 0 : i32
    %dma_wait3A_100 = arith.constant 75264 : i32
    %dma_wait3A_101 = tpu.memref_slice %arg6[%dma_wait3A_99, %dma_wait3A_100] : memref<1x100000xf32, #tpu.memory_space<vmem>> -> memref<1x24736xf32, #tpu.memory_space<vmem>>
    %dma_wait3A_102 = arith.constant 75264 : i32
    %dma_wait3A_103 = tpu.memref_slice %arg4[%add3A_9, %dma_wait3A_102] : memref<64x100000xf32, #tpu.memory_space<hbm>> -> memref<1x24736xf32, #tpu.memory_space<hbm>>
    %dma_wait3A_104 = arith.constant 0 : i32
    %dma_wait3A_105 = arith.constant 75264 : i32
    %dma_wait3A_106 = tpu.memref_slice %arg6[%dma_wait3A_104, %dma_wait3A_105] : memref<1x100000xf32, #tpu.memory_space<vmem>> -> memref<1x24736xf32, #tpu.memory_space<vmem>>
    %dma_wait3A_107 = arith.constant 75264 : i32
    %dma_wait3A_108 = tpu.memref_slice %arg4[%add3A_9, %dma_wait3A_107] : memref<64x100000xf32, #tpu.memory_space<hbm>> -> memref<1x24736xf32, #tpu.memory_space<hbm>>
    tpu.wait_dma2 semaphore(%arg14 : memref<!tpu.dma_semaphore, #tpu.memory_space<semaphore_mem>>) src(%dma_wait3A_108 : memref<1x24736xf32, #tpu.memory_space<hbm>>) dst(%dma_wait3A_106 : memref<1x24736xf32, #tpu.memory_space<vmem>>)
    %dma_wait3A_109 = arith.constant 0 : i32
    %dma_wait3A_110 = tpu.memref_slice %arg2[%add3A_52, %dma_wait3A_109] : memref<64x16384xf32, #tpu.memory_space<hbm>> -> memref<1x16384xf32, #tpu.memory_space<hbm>>
    %dma_wait3A_111 = tpu.memref_squeeze %dma_wait3A_110 : memref<1x16384xf32, #tpu.memory_space<hbm>> -> memref<16384xf32, #tpu.memory_space<hbm>>
    %dma_wait3A_112 = arith.constant 0 : i32
    %dma_wait3A_113 = tpu.memref_slice %arg2[%add3A_52, %dma_wait3A_112] : memref<64x16384xf32, #tpu.memory_space<hbm>> -> memref<1x16384xf32, #tpu.memory_space<hbm>>
    %dma_wait3A_114 = tpu.memref_squeeze %dma_wait3A_113 : memref<1x16384xf32, #tpu.memory_space<hbm>> -> memref<16384xf32, #tpu.memory_space<hbm>>
    tpu.wait_dma2 semaphore(%arg15 : memref<!tpu.dma_semaphore, #tpu.memory_space<semaphore_mem>>) src(%dma_wait3A_114 : memref<16384xf32, #tpu.memory_space<hbm>>) dst(%arg7 : memref<16384xf32, #tpu.memory_space<vmem>>)
    %dma_wait3A_115 = arith.constant 0 : i32
    %dma_wait3A_116 = arith.constant 0 : i32
    %dma_wait3A_117 = tpu.memref_slice %arg8[%dma_wait3A_115, %dma_wait3A_116] : memref<2x4096xi32, #tpu.memory_space<vmem>> -> memref<1x4096xi32, #tpu.memory_space<vmem>>
    %dma_wait3A_118 = tpu.memref_squeeze %dma_wait3A_117 : memref<1x4096xi32, #tpu.memory_space<vmem>> -> memref<4096xi32, #tpu.memory_space<vmem>>
    %dma_wait3A_119 = arith.constant 0 : i32
    %dma_wait3A_120 = tpu.memref_slice %arg10[%dma_wait3A_119] : memref<16384xi32, #tpu.memory_space<vmem_shared>> -> memref<4096xi32, #tpu.memory_space<vmem_shared>>
    %dma_wait3A_121 = arith.constant 0 : i32
    %dma_wait3A_122 = tpu.memref_slice %arg8[%dma_wait3A_115, %dma_wait3A_121] : memref<2x4096xi32, #tpu.memory_space<vmem>> -> memref<1x4096xi32, #tpu.memory_space<vmem>>
    %dma_wait3A_123 = tpu.memref_squeeze %dma_wait3A_122 : memref<1x4096xi32, #tpu.memory_space<vmem>> -> memref<4096xi32, #tpu.memory_space<vmem>>
    %dma_wait3A_124 = arith.constant 0 : i32
    %dma_wait3A_125 = tpu.memref_slice %arg10[%dma_wait3A_124] : memref<16384xi32, #tpu.memory_space<vmem_shared>> -> memref<4096xi32, #tpu.memory_space<vmem_shared>>
    tpu.wait_dma2 semaphore(%arg16 : memref<!tpu.dma_semaphore, #tpu.memory_space<semaphore_mem>>) src(%dma_wait3A_125 : memref<4096xi32, #tpu.memory_space<vmem_shared>>) dst(%dma_wait3A_123 : memref<4096xi32, #tpu.memory_space<vmem>>)
    %dma_start3A_126 = arith.constant 1 : i32
    %dma_start3A_127 = arith.constant 0 : i32
    %dma_start3A_128 = tpu.memref_slice %arg8[%dma_start3A_126, %dma_start3A_127] : memref<2x4096xi32, #tpu.memory_space<vmem>> -> memref<1x4096xi32, #tpu.memory_space<vmem>>
    %dma_start3A_129 = tpu.memref_squeeze %dma_start3A_128 : memref<1x4096xi32, #tpu.memory_space<vmem>> -> memref<4096xi32, #tpu.memory_space<vmem>>
    %dma_start3A_130 = arith.constant 4096 : i32
    %dma_start3A_131 = tpu.memref_slice %arg10[%dma_start3A_130] : memref<16384xi32, #tpu.memory_space<vmem_shared>> -> memref<4096xi32, #tpu.memory_space<vmem_shared>>
    %dma_start3A_132 = arith.constant 0 : i32
    %dma_start3A_133 = tpu.memref_slice %arg8[%dma_start3A_126, %dma_start3A_132] : memref<2x4096xi32, #tpu.memory_space<vmem>> -> memref<1x4096xi32, #tpu.memory_space<vmem>>
    %dma_start3A_134 = tpu.memref_squeeze %dma_start3A_133 : memref<1x4096xi32, #tpu.memory_space<vmem>> -> memref<4096xi32, #tpu.memory_space<vmem>>
    %dma_start3A_135 = arith.constant 4096 : i32
    %dma_start3A_136 = tpu.memref_slice %arg10[%dma_start3A_135] : memref<16384xi32, #tpu.memory_space<vmem_shared>> -> memref<4096xi32, #tpu.memory_space<vmem_shared>>
    tpu.enqueue_dma source(%dma_start3A_136 : memref<4096xi32, #tpu.memory_space<vmem_shared>>) target(%dma_start3A_134 : memref<4096xi32, #tpu.memory_space<vmem>>) target_semaphore(%arg16 : memref<!tpu.dma_semaphore, #tpu.memory_space<semaphore_mem>>)
    %scan3A = arith.constant 0 : i32
    %scan3A_137 = arith.constant 64 : i32
    %scan3A_138 = arith.addi %scan3A, %scan3A_137 : i32
    %scan3A_139 = arith.constant 1 : i32
    %scan3A_140:4 = scf.for %scan3A_434 = %scan3A to %scan3A_138 step %scan3A_139 iter_args(%scan3A_435 = %broadcast_in_dim3A_5, %scan3A_436 = %broadcast_in_dim3A_5, %scan3A_437 = %broadcast_in_dim3A_5, %scan3A_438 = %broadcast_in_dim3A_5) -> (vector<16xf32>, vector<16xf32>, vector<16xf32>, vector<16xf32>)  : i32 {
      %mul3A_439 = arith.constant 64 : i32
      %mul3A_440 = arith.muli %scan3A_434, %mul3A_439 : i32
      %add3A_441 = arith.constant 0 : i32
      %add3A_442 = arith.addi %mul3A_440, %add3A_441 : i32
      %get3A = arith.constant 0 : i32
      %get3A_443 = arith.index_cast %get3A : i32 to index
      %get3A_444 = arith.index_cast %add3A_442 : i32 to index
      %get3A_445 = tpu.vector_load %arg8[%get3A_443, %get3A_444] {strides = array<i32>} : memref<2x4096xi32, #tpu.memory_space<vmem>>, vector<16xi32>,
      %add3A_446 = arith.constant 0 : i32
      %add3A_447 = arith.addi %add3A_446, %add3A_442 : i32
      %get3A_448 = arith.index_cast %add3A_447 : i32 to index
      %get3A_449 = tpu.vector_load %arg7[%get3A_448] {strides = array<i32>} : memref<16384xf32, #tpu.memory_space<vmem>>, vector<16xf32>,
      %gather3A = arith.constant 0 : i32
      %gather3A_450 = arith.constant 0 : i32
      %gather3A_451 = tpu.memref_slice %arg6[%gather3A, %gather3A_450] : memref<1x100000xf32, #tpu.memory_space<vmem>> -> memref<1x100000xf32, #tpu.memory_space<vmem>>
      %gather3A_452 = tpu.memref_squeeze %gather3A_451 : memref<1x100000xf32, #tpu.memory_space<vmem>> -> memref<100000xf32, #tpu.memory_space<vmem>>
      %gather3A_453 = tpu.vector_load_idx %gather3A_452[%get3A_445] : memref<100000xf32, #tpu.memory_space<vmem>>[vector<16xi32>], vector<16xf32>,
      %sub3A = arith.subf %get3A_449, %gather3A_453 : vector<16xf32>
      %mul3A_454 = arith.mulf %sub3A, %sub3A : vector<16xf32>
      %add3A_455 = arith.addf %scan3A_435, %mul3A_454 : vector<16xf32>
      %add3A_456 = arith.constant 16 : i32
      %add3A_457 = arith.addi %mul3A_440, %add3A_456 : i32
      %get3A_458 = arith.constant 0 : i32
      %get3A_459 = arith.index_cast %get3A_458 : i32 to index
      %get3A_460 = arith.index_cast %add3A_457 : i32 to index
      %get3A_461 = tpu.vector_load %arg8[%get3A_459, %get3A_460] {strides = array<i32>} : memref<2x4096xi32, #tpu.memory_space<vmem>>, vector<16xi32>,
      %add3A_462 = arith.constant 0 : i32
      %add3A_463 = arith.addi %add3A_462, %add3A_457 : i32
      %get3A_464 = arith.index_cast %add3A_463 : i32 to index
      %get3A_465 = tpu.vector_load %arg7[%get3A_464] {strides = array<i32>} : memref<16384xf32, #tpu.memory_space<vmem>>, vector<16xf32>,
      %gather3A_466 = arith.constant 0 : i32
      %gather3A_467 = arith.constant 0 : i32
      %gather3A_468 = tpu.memref_slice %arg6[%gather3A_466, %gather3A_467] : memref<1x100000xf32, #tpu.memory_space<vmem>> -> memref<1x100000xf32, #tpu.memory_space<vmem>>
      %gather3A_469 = tpu.memref_squeeze %gather3A_468 : memref<1x100000xf32, #tpu.memory_space<vmem>> -> memref<100000xf32, #tpu.memory_space<vmem>>
      %gather3A_470 = tpu.vector_load_idx %gather3A_469[%get3A_461] : memref<100000xf32, #tpu.memory_space<vmem>>[vector<16xi32>], vector<16xf32>,
      %sub3A_471 = arith.subf %get3A_465, %gather3A_470 : vector<16xf32>
      %mul3A_472 = arith.mulf %sub3A_471, %sub3A_471 : vector<16xf32>
      %add3A_473 = arith.addf %scan3A_436, %mul3A_472 : vector<16xf32>
      %add3A_474 = arith.constant 32 : i32
      %add3A_475 = arith.addi %mul3A_440, %add3A_474 : i32
      %get3A_476 = arith.constant 0 : i32
      %get3A_477 = arith.index_cast %get3A_476 : i32 to index
      %get3A_478 = arith.index_cast %add3A_475 : i32 to index
      %get3A_479 = tpu.vector_load %arg8[%get3A_477, %get3A_478] {strides = array<i32>} : memref<2x4096xi32, #tpu.memory_space<vmem>>, vector<16xi32>,
      %add3A_480 = arith.constant 0 : i32
      %add3A_481 = arith.addi %add3A_480, %add3A_475 : i32
      %get3A_482 = arith.index_cast %add3A_481 : i32 to index
      %get3A_483 = tpu.vector_load %arg7[%get3A_482] {strides = array<i32>} : memref<16384xf32, #tpu.memory_space<vmem>>, vector<16xf32>,
      %gather3A_484 = arith.constant 0 : i32
      %gather3A_485 = arith.constant 0 : i32
      %gather3A_486 = tpu.memref_slice %arg6[%gather3A_484, %gather3A_485] : memref<1x100000xf32, #tpu.memory_space<vmem>> -> memref<1x100000xf32, #tpu.memory_space<vmem>>
      %gather3A_487 = tpu.memref_squeeze %gather3A_486 : memref<1x100000xf32, #tpu.memory_space<vmem>> -> memref<100000xf32, #tpu.memory_space<vmem>>
      %gather3A_488 = tpu.vector_load_idx %gather3A_487[%get3A_479] : memref<100000xf32, #tpu.memory_space<vmem>>[vector<16xi32>], vector<16xf32>,
      %sub3A_489 = arith.subf %get3A_483, %gather3A_488 : vector<16xf32>
      %mul3A_490 = arith.mulf %sub3A_489, %sub3A_489 : vector<16xf32>
      %add3A_491 = arith.addf %scan3A_437, %mul3A_490 : vector<16xf32>
      %add3A_492 = arith.constant 48 : i32
      %add3A_493 = arith.addi %mul3A_440, %add3A_492 : i32
      %get3A_494 = arith.constant 0 : i32
      %get3A_495 = arith.index_cast %get3A_494 : i32 to index
      %get3A_496 = arith.index_cast %add3A_493 : i32 to index
      %get3A_497 = tpu.vector_load %arg8[%get3A_495, %get3A_496] {strides = array<i32>} : memref<2x4096xi32, #tpu.memory_space<vmem>>, vector<16xi32>,
      %add3A_498 = arith.constant 0 : i32
      %add3A_499 = arith.addi %add3A_498, %add3A_493 : i32
      %get3A_500 = arith.index_cast %add3A_499 : i32 to index
      %get3A_501 = tpu.vector_load %arg7[%get3A_500] {strides = array<i32>} : memref<16384xf32, #tpu.memory_space<vmem>>, vector<16xf32>,
      %gather3A_502 = arith.constant 0 : i32
      %gather3A_503 = arith.constant 0 : i32
      %gather3A_504 = tpu.memref_slice %arg6[%gather3A_502, %gather3A_503] : memref<1x100000xf32, #tpu.memory_space<vmem>> -> memref<1x100000xf32, #tpu.memory_space<vmem>>
      %gather3A_505 = tpu.memref_squeeze %gather3A_504 : memref<1x100000xf32, #tpu.memory_space<vmem>> -> memref<100000xf32, #tpu.memory_space<vmem>>
      %gather3A_506 = tpu.vector_load_idx %gather3A_505[%get3A_497] : memref<100000xf32, #tpu.memory_space<vmem>>[vector<16xi32>], vector<16xf32>,
      %sub3A_507 = arith.subf %get3A_501, %gather3A_506 : vector<16xf32>
      %mul3A_508 = arith.mulf %sub3A_507, %sub3A_507 : vector<16xf32>
      %add3A_509 = arith.addf %scan3A_438, %mul3A_508 : vector<16xf32>
      scf.yield %add3A_455, %add3A_473, %add3A_491, %add3A_509 : vector<16xf32>, vector<16xf32>, vector<16xf32>, vector<16xf32>
    }
    %scan3A_141 = arith.constant 64 : i32
    %dma_wait3A_142 = arith.constant 1 : i32
    %dma_wait3A_143 = arith.constant 0 : i32
    %dma_wait3A_144 = tpu.memref_slice %arg8[%dma_wait3A_142, %dma_wait3A_143] : memref<2x4096xi32, #tpu.memory_space<vmem>> -> memref<1x4096xi32, #tpu.memory_space<vmem>>
    %dma_wait3A_145 = tpu.memref_squeeze %dma_wait3A_144 : memref<1x4096xi32, #tpu.memory_space<vmem>> -> memref<4096xi32, #tpu.memory_space<vmem>>
    %dma_wait3A_146 = arith.constant 4096 : i32
    %dma_wait3A_147 = tpu.memref_slice %arg10[%dma_wait3A_146] : memref<16384xi32, #tpu.memory_space<vmem_shared>> -> memref<4096xi32, #tpu.memory_space<vmem_shared>>
    %dma_wait3A_148 = arith.constant 0 : i32
    %dma_wait3A_149 = tpu.memref_slice %arg8[%dma_wait3A_142, %dma_wait3A_148] : memref<2x4096xi32, #tpu.memory_space<vmem>> -> memref<1x4096xi32, #tpu.memory_space<vmem>>
    %dma_wait3A_150 = tpu.memref_squeeze %dma_wait3A_149 : memref<1x4096xi32, #tpu.memory_space<vmem>> -> memref<4096xi32, #tpu.memory_space<vmem>>
    %dma_wait3A_151 = arith.constant 4096 : i32
    %dma_wait3A_152 = tpu.memref_slice %arg10[%dma_wait3A_151] : memref<16384xi32, #tpu.memory_space<vmem_shared>> -> memref<4096xi32, #tpu.memory_space<vmem_shared>>
    tpu.wait_dma2 semaphore(%arg16 : memref<!tpu.dma_semaphore, #tpu.memory_space<semaphore_mem>>) src(%dma_wait3A_152 : memref<4096xi32, #tpu.memory_space<vmem_shared>>) dst(%dma_wait3A_150 : memref<4096xi32, #tpu.memory_space<vmem>>)
    %dma_start3A_153 = arith.constant 0 : i32
    %dma_start3A_154 = arith.constant 0 : i32
    %dma_start3A_155 = tpu.memref_slice %arg8[%dma_start3A_153, %dma_start3A_154] : memref<2x4096xi32, #tpu.memory_space<vmem>> -> memref<1x4096xi32, #tpu.memory_space<vmem>>
    %dma_start3A_156 = tpu.memref_squeeze %dma_start3A_155 : memref<1x4096xi32, #tpu.memory_space<vmem>> -> memref<4096xi32, #tpu.memory_space<vmem>>
    %dma_start3A_157 = arith.constant 8192 : i32
    %dma_start3A_158 = tpu.memref_slice %arg10[%dma_start3A_157] : memref<16384xi32, #tpu.memory_space<vmem_shared>> -> memref<4096xi32, #tpu.memory_space<vmem_shared>>
    %dma_start3A_159 = arith.constant 0 : i32
    %dma_start3A_160 = tpu.memref_slice %arg8[%dma_start3A_153, %dma_start3A_159] : memref<2x4096xi32, #tpu.memory_space<vmem>> -> memref<1x4096xi32, #tpu.memory_space<vmem>>
    %dma_start3A_161 = tpu.memref_squeeze %dma_start3A_160 : memref<1x4096xi32, #tpu.memory_space<vmem>> -> memref<4096xi32, #tpu.memory_space<vmem>>
    %dma_start3A_162 = arith.constant 8192 : i32
    %dma_start3A_163 = tpu.memref_slice %arg10[%dma_start3A_162] : memref<16384xi32, #tpu.memory_space<vmem_shared>> -> memref<4096xi32, #tpu.memory_space<vmem_shared>>
    tpu.enqueue_dma source(%dma_start3A_163 : memref<4096xi32, #tpu.memory_space<vmem_shared>>) target(%dma_start3A_161 : memref<4096xi32, #tpu.memory_space<vmem>>) target_semaphore(%arg16 : memref<!tpu.dma_semaphore, #tpu.memory_space<semaphore_mem>>)
    %scan3A_164 = arith.constant 0 : i32
    %scan3A_165 = arith.constant 64 : i32
    %scan3A_166 = arith.addi %scan3A_164, %scan3A_165 : i32
    %scan3A_167 = arith.constant 1 : i32
    %scan3A_168:4 = scf.for %scan3A_434 = %scan3A_164 to %scan3A_166 step %scan3A_167 iter_args(%scan3A_435 = %scan3A_140#0, %scan3A_436 = %scan3A_140#1, %scan3A_437 = %scan3A_140#2, %scan3A_438 = %scan3A_140#3) -> (vector<16xf32>, vector<16xf32>, vector<16xf32>, vector<16xf32>)  : i32 {
      %mul3A_439 = arith.constant 64 : i32
      %mul3A_440 = arith.muli %scan3A_434, %mul3A_439 : i32
      %add3A_441 = arith.constant 0 : i32
      %add3A_442 = arith.addi %mul3A_440, %add3A_441 : i32
      %get3A = arith.constant 1 : i32
      %get3A_443 = arith.index_cast %get3A : i32 to index
      %get3A_444 = arith.index_cast %add3A_442 : i32 to index
      %get3A_445 = tpu.vector_load %arg8[%get3A_443, %get3A_444] {strides = array<i32>} : memref<2x4096xi32, #tpu.memory_space<vmem>>, vector<16xi32>,
      %add3A_446 = arith.constant 4096 : i32
      %add3A_447 = arith.addi %add3A_446, %add3A_442 : i32
      %get3A_448 = arith.index_cast %add3A_447 : i32 to index
      %get3A_449 = tpu.vector_load %arg7[%get3A_448] {strides = array<i32>} : memref<16384xf32, #tpu.memory_space<vmem>>, vector<16xf32>,
      %gather3A = arith.constant 0 : i32
      %gather3A_450 = arith.constant 0 : i32
      %gather3A_451 = tpu.memref_slice %arg6[%gather3A, %gather3A_450] : memref<1x100000xf32, #tpu.memory_space<vmem>> -> memref<1x100000xf32, #tpu.memory_space<vmem>>
      %gather3A_452 = tpu.memref_squeeze %gather3A_451 : memref<1x100000xf32, #tpu.memory_space<vmem>> -> memref<100000xf32, #tpu.memory_space<vmem>>
      %gather3A_453 = tpu.vector_load_idx %gather3A_452[%get3A_445] : memref<100000xf32, #tpu.memory_space<vmem>>[vector<16xi32>], vector<16xf32>,
      %sub3A = arith.subf %get3A_449, %gather3A_453 : vector<16xf32>
      %mul3A_454 = arith.mulf %sub3A, %sub3A : vector<16xf32>
      %add3A_455 = arith.addf %scan3A_435, %mul3A_454 : vector<16xf32>
      %add3A_456 = arith.constant 16 : i32
      %add3A_457 = arith.addi %mul3A_440, %add3A_456 : i32
      %get3A_458 = arith.constant 1 : i32
      %get3A_459 = arith.index_cast %get3A_458 : i32 to index
      %get3A_460 = arith.index_cast %add3A_457 : i32 to index
      %get3A_461 = tpu.vector_load %arg8[%get3A_459, %get3A_460] {strides = array<i32>} : memref<2x4096xi32, #tpu.memory_space<vmem>>, vector<16xi32>,
      %add3A_462 = arith.constant 4096 : i32
      %add3A_463 = arith.addi %add3A_462, %add3A_457 : i32
      %get3A_464 = arith.index_cast %add3A_463 : i32 to index
      %get3A_465 = tpu.vector_load %arg7[%get3A_464] {strides = array<i32>} : memref<16384xf32, #tpu.memory_space<vmem>>, vector<16xf32>,
      %gather3A_466 = arith.constant 0 : i32
      %gather3A_467 = arith.constant 0 : i32
      %gather3A_468 = tpu.memref_slice %arg6[%gather3A_466, %gather3A_467] : memref<1x100000xf32, #tpu.memory_space<vmem>> -> memref<1x100000xf32, #tpu.memory_space<vmem>>
      %gather3A_469 = tpu.memref_squeeze %gather3A_468 : memref<1x100000xf32, #tpu.memory_space<vmem>> -> memref<100000xf32, #tpu.memory_space<vmem>>
      %gather3A_470 = tpu.vector_load_idx %gather3A_469[%get3A_461] : memref<100000xf32, #tpu.memory_space<vmem>>[vector<16xi32>], vector<16xf32>,
      %sub3A_471 = arith.subf %get3A_465, %gather3A_470 : vector<16xf32>
      %mul3A_472 = arith.mulf %sub3A_471, %sub3A_471 : vector<16xf32>
      %add3A_473 = arith.addf %scan3A_436, %mul3A_472 : vector<16xf32>
      %add3A_474 = arith.constant 32 : i32
      %add3A_475 = arith.addi %mul3A_440, %add3A_474 : i32
      %get3A_476 = arith.constant 1 : i32
      %get3A_477 = arith.index_cast %get3A_476 : i32 to index
      %get3A_478 = arith.index_cast %add3A_475 : i32 to index
      %get3A_479 = tpu.vector_load %arg8[%get3A_477, %get3A_478] {strides = array<i32>} : memref<2x4096xi32, #tpu.memory_space<vmem>>, vector<16xi32>,
      %add3A_480 = arith.constant 4096 : i32
      %add3A_481 = arith.addi %add3A_480, %add3A_475 : i32
      %get3A_482 = arith.index_cast %add3A_481 : i32 to index
      %get3A_483 = tpu.vector_load %arg7[%get3A_482] {strides = array<i32>} : memref<16384xf32, #tpu.memory_space<vmem>>, vector<16xf32>,
      %gather3A_484 = arith.constant 0 : i32
      %gather3A_485 = arith.constant 0 : i32
      %gather3A_486 = tpu.memref_slice %arg6[%gather3A_484, %gather3A_485] : memref<1x100000xf32, #tpu.memory_space<vmem>> -> memref<1x100000xf32, #tpu.memory_space<vmem>>
      %gather3A_487 = tpu.memref_squeeze %gather3A_486 : memref<1x100000xf32, #tpu.memory_space<vmem>> -> memref<100000xf32, #tpu.memory_space<vmem>>
      %gather3A_488 = tpu.vector_load_idx %gather3A_487[%get3A_479] : memref<100000xf32, #tpu.memory_space<vmem>>[vector<16xi32>], vector<16xf32>,
      %sub3A_489 = arith.subf %get3A_483, %gather3A_488 : vector<16xf32>
      %mul3A_490 = arith.mulf %sub3A_489, %sub3A_489 : vector<16xf32>
      %add3A_491 = arith.addf %scan3A_437, %mul3A_490 : vector<16xf32>
      %add3A_492 = arith.constant 48 : i32
      %add3A_493 = arith.addi %mul3A_440, %add3A_492 : i32
      %get3A_494 = arith.constant 1 : i32
      %get3A_495 = arith.index_cast %get3A_494 : i32 to index
      %get3A_496 = arith.index_cast %add3A_493 : i32 to index
      %get3A_497 = tpu.vector_load %arg8[%get3A_495, %get3A_496] {strides = array<i32>} : memref<2x4096xi32, #tpu.memory_space<vmem>>, vector<16xi32>,
      %add3A_498 = arith.constant 4096 : i32
      %add3A_499 = arith.addi %add3A_498, %add3A_493 : i32
      %get3A_500 = arith.index_cast %add3A_499 : i32 to index
      %get3A_501 = tpu.vector_load %arg7[%get3A_500] {strides = array<i32>} : memref<16384xf32, #tpu.memory_space<vmem>>, vector<16xf32>,
      %gather3A_502 = arith.constant 0 : i32
      %gather3A_503 = arith.constant 0 : i32
      %gather3A_504 = tpu.memref_slice %arg6[%gather3A_502, %gather3A_503] : memref<1x100000xf32, #tpu.memory_space<vmem>> -> memref<1x100000xf32, #tpu.memory_space<vmem>>
      %gather3A_505 = tpu.memref_squeeze %gather3A_504 : memref<1x100000xf32, #tpu.memory_space<vmem>> -> memref<100000xf32, #tpu.memory_space<vmem>>
      %gather3A_506 = tpu.vector_load_idx %gather3A_505[%get3A_497] : memref<100000xf32, #tpu.memory_space<vmem>>[vector<16xi32>], vector<16xf32>,
      %sub3A_507 = arith.subf %get3A_501, %gather3A_506 : vector<16xf32>
      %mul3A_508 = arith.mulf %sub3A_507, %sub3A_507 : vector<16xf32>
      %add3A_509 = arith.addf %scan3A_438, %mul3A_508 : vector<16xf32>
      scf.yield %add3A_455, %add3A_473, %add3A_491, %add3A_509 : vector<16xf32>, vector<16xf32>, vector<16xf32>, vector<16xf32>
    }
    %scan3A_169 = arith.constant 64 : i32
    %dma_wait3A_170 = arith.constant 0 : i32
    %dma_wait3A_171 = arith.constant 0 : i32
    %dma_wait3A_172 = tpu.memref_slice %arg8[%dma_wait3A_170, %dma_wait3A_171] : memref<2x4096xi32, #tpu.memory_space<vmem>> -> memref<1x4096xi32, #tpu.memory_space<vmem>>
    %dma_wait3A_173 = tpu.memref_squeeze %dma_wait3A_172 : memref<1x4096xi32, #tpu.memory_space<vmem>> -> memref<4096xi32, #tpu.memory_space<vmem>>
    %dma_wait3A_174 = arith.constant 8192 : i32
    %dma_wait3A_175 = tpu.memref_slice %arg10[%dma_wait3A_174] : memref<16384xi32, #tpu.memory_space<vmem_shared>> -> memref<4096xi32, #tpu.memory_space<vmem_shared>>
    %dma_wait3A_176 = arith.constant 0 : i32
    %dma_wait3A_177 = tpu.memref_slice %arg8[%dma_wait3A_170, %dma_wait3A_176] : memref<2x4096xi32, #tpu.memory_space<vmem>> -> memref<1x4096xi32, #tpu.memory_space<vmem>>
    %dma_wait3A_178 = tpu.memref_squeeze %dma_wait3A_177 : memref<1x4096xi32, #tpu.memory_space<vmem>> -> memref<4096xi32, #tpu.memory_space<vmem>>
    %dma_wait3A_179 = arith.constant 8192 : i32
    %dma_wait3A_180 = tpu.memref_slice %arg10[%dma_wait3A_179] : memref<16384xi32, #tpu.memory_space<vmem_shared>> -> memref<4096xi32, #tpu.memory_space<vmem_shared>>
    tpu.wait_dma2 semaphore(%arg16 : memref<!tpu.dma_semaphore, #tpu.memory_space<semaphore_mem>>) src(%dma_wait3A_180 : memref<4096xi32, #tpu.memory_space<vmem_shared>>) dst(%dma_wait3A_178 : memref<4096xi32, #tpu.memory_space<vmem>>)
    %dma_start3A_181 = arith.constant 1 : i32
    %dma_start3A_182 = arith.constant 0 : i32
    %dma_start3A_183 = tpu.memref_slice %arg8[%dma_start3A_181, %dma_start3A_182] : memref<2x4096xi32, #tpu.memory_space<vmem>> -> memref<1x4096xi32, #tpu.memory_space<vmem>>
    %dma_start3A_184 = tpu.memref_squeeze %dma_start3A_183 : memref<1x4096xi32, #tpu.memory_space<vmem>> -> memref<4096xi32, #tpu.memory_space<vmem>>
    %dma_start3A_185 = arith.constant 12288 : i32
    %dma_start3A_186 = tpu.memref_slice %arg10[%dma_start3A_185] : memref<16384xi32, #tpu.memory_space<vmem_shared>> -> memref<4096xi32, #tpu.memory_space<vmem_shared>>
    %dma_start3A_187 = arith.constant 0 : i32
    %dma_start3A_188 = tpu.memref_slice %arg8[%dma_start3A_181, %dma_start3A_187] : memref<2x4096xi32, #tpu.memory_space<vmem>> -> memref<1x4096xi32, #tpu.memory_space<vmem>>
    %dma_start3A_189 = tpu.memref_squeeze %dma_start3A_188 : memref<1x4096xi32, #tpu.memory_space<vmem>> -> memref<4096xi32, #tpu.memory_space<vmem>>
    %dma_start3A_190 = arith.constant 12288 : i32
    %dma_start3A_191 = tpu.memref_slice %arg10[%dma_start3A_190] : memref<16384xi32, #tpu.memory_space<vmem_shared>> -> memref<4096xi32, #tpu.memory_space<vmem_shared>>
    tpu.enqueue_dma source(%dma_start3A_191 : memref<4096xi32, #tpu.memory_space<vmem_shared>>) target(%dma_start3A_189 : memref<4096xi32, #tpu.memory_space<vmem>>) target_semaphore(%arg16 : memref<!tpu.dma_semaphore, #tpu.memory_space<semaphore_mem>>)
    %scan3A_192 = arith.constant 0 : i32
    %scan3A_193 = arith.constant 64 : i32
    %scan3A_194 = arith.addi %scan3A_192, %scan3A_193 : i32
    %scan3A_195 = arith.constant 1 : i32
    %scan3A_196:4 = scf.for %scan3A_434 = %scan3A_192 to %scan3A_194 step %scan3A_195 iter_args(%scan3A_435 = %scan3A_168#0, %scan3A_436 = %scan3A_168#1, %scan3A_437 = %scan3A_168#2, %scan3A_438 = %scan3A_168#3) -> (vector<16xf32>, vector<16xf32>, vector<16xf32>, vector<16xf32>)  : i32 {
      %mul3A_439 = arith.constant 64 : i32
      %mul3A_440 = arith.muli %scan3A_434, %mul3A_439 : i32
      %add3A_441 = arith.constant 0 : i32
      %add3A_442 = arith.addi %mul3A_440, %add3A_441 : i32
      %get3A = arith.constant 0 : i32
      %get3A_443 = arith.index_cast %get3A : i32 to index
      %get3A_444 = arith.index_cast %add3A_442 : i32 to index
      %get3A_445 = tpu.vector_load %arg8[%get3A_443, %get3A_444] {strides = array<i32>} : memref<2x4096xi32, #tpu.memory_space<vmem>>, vector<16xi32>,
      %add3A_446 = arith.constant 8192 : i32
      %add3A_447 = arith.addi %add3A_446, %add3A_442 : i32
      %get3A_448 = arith.index_cast %add3A_447 : i32 to index
      %get3A_449 = tpu.vector_load %arg7[%get3A_448] {strides = array<i32>} : memref<16384xf32, #tpu.memory_space<vmem>>, vector<16xf32>,
      %gather3A = arith.constant 0 : i32
      %gather3A_450 = arith.constant 0 : i32
      %gather3A_451 = tpu.memref_slice %arg6[%gather3A, %gather3A_450] : memref<1x100000xf32, #tpu.memory_space<vmem>> -> memref<1x100000xf32, #tpu.memory_space<vmem>>
      %gather3A_452 = tpu.memref_squeeze %gather3A_451 : memref<1x100000xf32, #tpu.memory_space<vmem>> -> memref<100000xf32, #tpu.memory_space<vmem>>
      %gather3A_453 = tpu.vector_load_idx %gather3A_452[%get3A_445] : memref<100000xf32, #tpu.memory_space<vmem>>[vector<16xi32>], vector<16xf32>,
      %sub3A = arith.subf %get3A_449, %gather3A_453 : vector<16xf32>
      %mul3A_454 = arith.mulf %sub3A, %sub3A : vector<16xf32>
      %add3A_455 = arith.addf %scan3A_435, %mul3A_454 : vector<16xf32>
      %add3A_456 = arith.constant 16 : i32
      %add3A_457 = arith.addi %mul3A_440, %add3A_456 : i32
      %get3A_458 = arith.constant 0 : i32
      %get3A_459 = arith.index_cast %get3A_458 : i32 to index
      %get3A_460 = arith.index_cast %add3A_457 : i32 to index
      %get3A_461 = tpu.vector_load %arg8[%get3A_459, %get3A_460] {strides = array<i32>} : memref<2x4096xi32, #tpu.memory_space<vmem>>, vector<16xi32>,
      %add3A_462 = arith.constant 8192 : i32
      %add3A_463 = arith.addi %add3A_462, %add3A_457 : i32
      %get3A_464 = arith.index_cast %add3A_463 : i32 to index
      %get3A_465 = tpu.vector_load %arg7[%get3A_464] {strides = array<i32>} : memref<16384xf32, #tpu.memory_space<vmem>>, vector<16xf32>,
      %gather3A_466 = arith.constant 0 : i32
      %gather3A_467 = arith.constant 0 : i32
      %gather3A_468 = tpu.memref_slice %arg6[%gather3A_466, %gather3A_467] : memref<1x100000xf32, #tpu.memory_space<vmem>> -> memref<1x100000xf32, #tpu.memory_space<vmem>>
      %gather3A_469 = tpu.memref_squeeze %gather3A_468 : memref<1x100000xf32, #tpu.memory_space<vmem>> -> memref<100000xf32, #tpu.memory_space<vmem>>
      %gather3A_470 = tpu.vector_load_idx %gather3A_469[%get3A_461] : memref<100000xf32, #tpu.memory_space<vmem>>[vector<16xi32>], vector<16xf32>,
      %sub3A_471 = arith.subf %get3A_465, %gather3A_470 : vector<16xf32>
      %mul3A_472 = arith.mulf %sub3A_471, %sub3A_471 : vector<16xf32>
      %add3A_473 = arith.addf %scan3A_436, %mul3A_472 : vector<16xf32>
      %add3A_474 = arith.constant 32 : i32
      %add3A_475 = arith.addi %mul3A_440, %add3A_474 : i32
      %get3A_476 = arith.constant 0 : i32
      %get3A_477 = arith.index_cast %get3A_476 : i32 to index
      %get3A_478 = arith.index_cast %add3A_475 : i32 to index
      %get3A_479 = tpu.vector_load %arg8[%get3A_477, %get3A_478] {strides = array<i32>} : memref<2x4096xi32, #tpu.memory_space<vmem>>, vector<16xi32>,
      %add3A_480 = arith.constant 8192 : i32
      %add3A_481 = arith.addi %add3A_480, %add3A_475 : i32
      %get3A_482 = arith.index_cast %add3A_481 : i32 to index
      %get3A_483 = tpu.vector_load %arg7[%get3A_482] {strides = array<i32>} : memref<16384xf32, #tpu.memory_space<vmem>>, vector<16xf32>,
      %gather3A_484 = arith.constant 0 : i32
      %gather3A_485 = arith.constant 0 : i32
      %gather3A_486 = tpu.memref_slice %arg6[%gather3A_484, %gather3A_485] : memref<1x100000xf32, #tpu.memory_space<vmem>> -> memref<1x100000xf32, #tpu.memory_space<vmem>>
      %gather3A_487 = tpu.memref_squeeze %gather3A_486 : memref<1x100000xf32, #tpu.memory_space<vmem>> -> memref<100000xf32, #tpu.memory_space<vmem>>
      %gather3A_488 = tpu.vector_load_idx %gather3A_487[%get3A_479] : memref<100000xf32, #tpu.memory_space<vmem>>[vector<16xi32>], vector<16xf32>,
      %sub3A_489 = arith.subf %get3A_483, %gather3A_488 : vector<16xf32>
      %mul3A_490 = arith.mulf %sub3A_489, %sub3A_489 : vector<16xf32>
      %add3A_491 = arith.addf %scan3A_437, %mul3A_490 : vector<16xf32>
      %add3A_492 = arith.constant 48 : i32
      %add3A_493 = arith.addi %mul3A_440, %add3A_492 : i32
      %get3A_494 = arith.constant 0 : i32
      %get3A_495 = arith.index_cast %get3A_494 : i32 to index
      %get3A_496 = arith.index_cast %add3A_493 : i32 to index
      %get3A_497 = tpu.vector_load %arg8[%get3A_495, %get3A_496] {strides = array<i32>} : memref<2x4096xi32, #tpu.memory_space<vmem>>, vector<16xi32>,
      %add3A_498 = arith.constant 8192 : i32
      %add3A_499 = arith.addi %add3A_498, %add3A_493 : i32
      %get3A_500 = arith.index_cast %add3A_499 : i32 to index
      %get3A_501 = tpu.vector_load %arg7[%get3A_500] {strides = array<i32>} : memref<16384xf32, #tpu.memory_space<vmem>>, vector<16xf32>,
      %gather3A_502 = arith.constant 0 : i32
      %gather3A_503 = arith.constant 0 : i32
      %gather3A_504 = tpu.memref_slice %arg6[%gather3A_502, %gather3A_503] : memref<1x100000xf32, #tpu.memory_space<vmem>> -> memref<1x100000xf32, #tpu.memory_space<vmem>>
      %gather3A_505 = tpu.memref_squeeze %gather3A_504 : memref<1x100000xf32, #tpu.memory_space<vmem>> -> memref<100000xf32, #tpu.memory_space<vmem>>
      %gather3A_506 = tpu.vector_load_idx %gather3A_505[%get3A_497] : memref<100000xf32, #tpu.memory_space<vmem>>[vector<16xi32>], vector<16xf32>,
      %sub3A_507 = arith.subf %get3A_501, %gather3A_506 : vector<16xf32>
      %mul3A_508 = arith.mulf %sub3A_507, %sub3A_507 : vector<16xf32>
      %add3A_509 = arith.addf %scan3A_438, %mul3A_508 : vector<16xf32>
      scf.yield %add3A_455, %add3A_473, %add3A_491, %add3A_509 : vector<16xf32>, vector<16xf32>, vector<16xf32>, vector<16xf32>
    }
    %scan3A_197 = arith.constant 64 : i32
    %dma_wait3A_198 = arith.constant 1 : i32
    %dma_wait3A_199 = arith.constant 0 : i32
    %dma_wait3A_200 = tpu.memref_slice %arg8[%dma_wait3A_198, %dma_wait3A_199] : memref<2x4096xi32, #tpu.memory_space<vmem>> -> memref<1x4096xi32, #tpu.memory_space<vmem>>
    %dma_wait3A_201 = tpu.memref_squeeze %dma_wait3A_200 : memref<1x4096xi32, #tpu.memory_space<vmem>> -> memref<4096xi32, #tpu.memory_space<vmem>>
    %dma_wait3A_202 = arith.constant 12288 : i32
    %dma_wait3A_203 = tpu.memref_slice %arg10[%dma_wait3A_202] : memref<16384xi32, #tpu.memory_space<vmem_shared>> -> memref<4096xi32, #tpu.memory_space<vmem_shared>>
    %dma_wait3A_204 = arith.constant 0 : i32
    %dma_wait3A_205 = tpu.memref_slice %arg8[%dma_wait3A_198, %dma_wait3A_204] : memref<2x4096xi32, #tpu.memory_space<vmem>> -> memref<1x4096xi32, #tpu.memory_space<vmem>>
    %dma_wait3A_206 = tpu.memref_squeeze %dma_wait3A_205 : memref<1x4096xi32, #tpu.memory_space<vmem>> -> memref<4096xi32, #tpu.memory_space<vmem>>
    %dma_wait3A_207 = arith.constant 12288 : i32
    %dma_wait3A_208 = tpu.memref_slice %arg10[%dma_wait3A_207] : memref<16384xi32, #tpu.memory_space<vmem_shared>> -> memref<4096xi32, #tpu.memory_space<vmem_shared>>
    tpu.wait_dma2 semaphore(%arg16 : memref<!tpu.dma_semaphore, #tpu.memory_space<semaphore_mem>>) src(%dma_wait3A_208 : memref<4096xi32, #tpu.memory_space<vmem_shared>>) dst(%dma_wait3A_206 : memref<4096xi32, #tpu.memory_space<vmem>>)
    %scan3A_209 = arith.constant 0 : i32
    %scan3A_210 = arith.constant 64 : i32
    %scan3A_211 = arith.addi %scan3A_209, %scan3A_210 : i32
    %scan3A_212 = arith.constant 1 : i32
    %scan3A_213:4 = scf.for %scan3A_434 = %scan3A_209 to %scan3A_211 step %scan3A_212 iter_args(%scan3A_435 = %scan3A_196#0, %scan3A_436 = %scan3A_196#1, %scan3A_437 = %scan3A_196#2, %scan3A_438 = %scan3A_196#3) -> (vector<16xf32>, vector<16xf32>, vector<16xf32>, vector<16xf32>)  : i32 {
      %mul3A_439 = arith.constant 64 : i32
      %mul3A_440 = arith.muli %scan3A_434, %mul3A_439 : i32
      %add3A_441 = arith.constant 0 : i32
      %add3A_442 = arith.addi %mul3A_440, %add3A_441 : i32
      %get3A = arith.constant 1 : i32
      %get3A_443 = arith.index_cast %get3A : i32 to index
      %get3A_444 = arith.index_cast %add3A_442 : i32 to index
      %get3A_445 = tpu.vector_load %arg8[%get3A_443, %get3A_444] {strides = array<i32>} : memref<2x4096xi32, #tpu.memory_space<vmem>>, vector<16xi32>,
      %add3A_446 = arith.constant 12288 : i32
      %add3A_447 = arith.addi %add3A_446, %add3A_442 : i32
      %get3A_448 = arith.index_cast %add3A_447 : i32 to index
      %get3A_449 = tpu.vector_load %arg7[%get3A_448] {strides = array<i32>} : memref<16384xf32, #tpu.memory_space<vmem>>, vector<16xf32>,
      %gather3A = arith.constant 0 : i32
      %gather3A_450 = arith.constant 0 : i32
      %gather3A_451 = tpu.memref_slice %arg6[%gather3A, %gather3A_450] : memref<1x100000xf32, #tpu.memory_space<vmem>> -> memref<1x100000xf32, #tpu.memory_space<vmem>>
      %gather3A_452 = tpu.memref_squeeze %gather3A_451 : memref<1x100000xf32, #tpu.memory_space<vmem>> -> memref<100000xf32, #tpu.memory_space<vmem>>
      %gather3A_453 = tpu.vector_load_idx %gather3A_452[%get3A_445] : memref<100000xf32, #tpu.memory_space<vmem>>[vector<16xi32>], vector<16xf32>,
      %sub3A = arith.subf %get3A_449, %gather3A_453 : vector<16xf32>
      %mul3A_454 = arith.mulf %sub3A, %sub3A : vector<16xf32>
      %add3A_455 = arith.addf %scan3A_435, %mul3A_454 : vector<16xf32>
      %add3A_456 = arith.constant 16 : i32
      %add3A_457 = arith.addi %mul3A_440, %add3A_456 : i32
      %get3A_458 = arith.constant 1 : i32
      %get3A_459 = arith.index_cast %get3A_458 : i32 to index
      %get3A_460 = arith.index_cast %add3A_457 : i32 to index
      %get3A_461 = tpu.vector_load %arg8[%get3A_459, %get3A_460] {strides = array<i32>} : memref<2x4096xi32, #tpu.memory_space<vmem>>, vector<16xi32>,
      %add3A_462 = arith.constant 12288 : i32
      %add3A_463 = arith.addi %add3A_462, %add3A_457 : i32
      %get3A_464 = arith.index_cast %add3A_463 : i32 to index
      %get3A_465 = tpu.vector_load %arg7[%get3A_464] {strides = array<i32>} : memref<16384xf32, #tpu.memory_space<vmem>>, vector<16xf32>,
      %gather3A_466 = arith.constant 0 : i32
      %gather3A_467 = arith.constant 0 : i32
      %gather3A_468 = tpu.memref_slice %arg6[%gather3A_466, %gather3A_467] : memref<1x100000xf32, #tpu.memory_space<vmem>> -> memref<1x100000xf32, #tpu.memory_space<vmem>>
      %gather3A_469 = tpu.memref_squeeze %gather3A_468 : memref<1x100000xf32, #tpu.memory_space<vmem>> -> memref<100000xf32, #tpu.memory_space<vmem>>
      %gather3A_470 = tpu.vector_load_idx %gather3A_469[%get3A_461] : memref<100000xf32, #tpu.memory_space<vmem>>[vector<16xi32>], vector<16xf32>,
      %sub3A_471 = arith.subf %get3A_465, %gather3A_470 : vector<16xf32>
      %mul3A_472 = arith.mulf %sub3A_471, %sub3A_471 : vector<16xf32>
      %add3A_473 = arith.addf %scan3A_436, %mul3A_472 : vector<16xf32>
      %add3A_474 = arith.constant 32 : i32
      %add3A_475 = arith.addi %mul3A_440, %add3A_474 : i32
      %get3A_476 = arith.constant 1 : i32
      %get3A_477 = arith.index_cast %get3A_476 : i32 to index
      %get3A_478 = arith.index_cast %add3A_475 : i32 to index
      %get3A_479 = tpu.vector_load %arg8[%get3A_477, %get3A_478] {strides = array<i32>} : memref<2x4096xi32, #tpu.memory_space<vmem>>, vector<16xi32>,
      %add3A_480 = arith.constant 12288 : i32
      %add3A_481 = arith.addi %add3A_480, %add3A_475 : i32
      %get3A_482 = arith.index_cast %add3A_481 : i32 to index
      %get3A_483 = tpu.vector_load %arg7[%get3A_482] {strides = array<i32>} : memref<16384xf32, #tpu.memory_space<vmem>>, vector<16xf32>,
      %gather3A_484 = arith.constant 0 : i32
      %gather3A_485 = arith.constant 0 : i32
      %gather3A_486 = tpu.memref_slice %arg6[%gather3A_484, %gather3A_485] : memref<1x100000xf32, #tpu.memory_space<vmem>> -> memref<1x100000xf32, #tpu.memory_space<vmem>>
      %gather3A_487 = tpu.memref_squeeze %gather3A_486 : memref<1x100000xf32, #tpu.memory_space<vmem>> -> memref<100000xf32, #tpu.memory_space<vmem>>
      %gather3A_488 = tpu.vector_load_idx %gather3A_487[%get3A_479] : memref<100000xf32, #tpu.memory_space<vmem>>[vector<16xi32>], vector<16xf32>,
      %sub3A_489 = arith.subf %get3A_483, %gather3A_488 : vector<16xf32>
      %mul3A_490 = arith.mulf %sub3A_489, %sub3A_489 : vector<16xf32>
      %add3A_491 = arith.addf %scan3A_437, %mul3A_490 : vector<16xf32>
      %add3A_492 = arith.constant 48 : i32
      %add3A_493 = arith.addi %mul3A_440, %add3A_492 : i32
      %get3A_494 = arith.constant 1 : i32
      %get3A_495 = arith.index_cast %get3A_494 : i32 to index
      %get3A_496 = arith.index_cast %add3A_493 : i32 to index
      %get3A_497 = tpu.vector_load %arg8[%get3A_495, %get3A_496] {strides = array<i32>} : memref<2x4096xi32, #tpu.memory_space<vmem>>, vector<16xi32>,
      %add3A_498 = arith.constant 12288 : i32
      %add3A_499 = arith.addi %add3A_498, %add3A_493 : i32
      %get3A_500 = arith.index_cast %add3A_499 : i32 to index
      %get3A_501 = tpu.vector_load %arg7[%get3A_500] {strides = array<i32>} : memref<16384xf32, #tpu.memory_space<vmem>>, vector<16xf32>,
      %gather3A_502 = arith.constant 0 : i32
      %gather3A_503 = arith.constant 0 : i32
      %gather3A_504 = tpu.memref_slice %arg6[%gather3A_502, %gather3A_503] : memref<1x100000xf32, #tpu.memory_space<vmem>> -> memref<1x100000xf32, #tpu.memory_space<vmem>>
      %gather3A_505 = tpu.memref_squeeze %gather3A_504 : memref<1x100000xf32, #tpu.memory_space<vmem>> -> memref<100000xf32, #tpu.memory_space<vmem>>
      %gather3A_506 = tpu.vector_load_idx %gather3A_505[%get3A_497] : memref<100000xf32, #tpu.memory_space<vmem>>[vector<16xi32>], vector<16xf32>,
      %sub3A_507 = arith.subf %get3A_501, %gather3A_506 : vector<16xf32>
      %mul3A_508 = arith.mulf %sub3A_507, %sub3A_507 : vector<16xf32>
      %add3A_509 = arith.addf %scan3A_438, %mul3A_508 : vector<16xf32>
      scf.yield %add3A_455, %add3A_473, %add3A_491, %add3A_509 : vector<16xf32>, vector<16xf32>, vector<16xf32>, vector<16xf32>
    }
    %scan3A_214 = arith.constant 64 : i32
    %mul3A_215 = arith.constant 2 : i32
    %mul3A_216 = arith.muli %add3A, %mul3A_215 : i32
    %add3A_217 = arith.constant 1 : i32
    %add3A_218 = arith.addi %mul3A_216, %add3A_217 : i32
    %dma_start3A_219 = arith.constant 0 : i32
    %dma_start3A_220 = arith.constant 0 : i32
    %dma_start3A_221 = tpu.memref_slice %arg6[%dma_start3A_219, %dma_start3A_220] : memref<1x100000xf32, #tpu.memory_space<vmem>> -> memref<1x25088xf32, #tpu.memory_space<vmem>>
    %dma_start3A_222 = arith.constant 0 : i32
    %dma_start3A_223 = tpu.memref_slice %arg4[%add3A_218, %dma_start3A_222] : memref<64x100000xf32, #tpu.memory_space<hbm>> -> memref<1x25088xf32, #tpu.memory_space<hbm>>
    %dma_start3A_224 = arith.constant 0 : i32
    %dma_start3A_225 = arith.constant 0 : i32
    %dma_start3A_226 = tpu.memref_slice %arg6[%dma_start3A_224, %dma_start3A_225] : memref<1x100000xf32, #tpu.memory_space<vmem>> -> memref<1x25088xf32, #tpu.memory_space<vmem>>
    %dma_start3A_227 = arith.constant 0 : i32
    %dma_start3A_228 = tpu.memref_slice %arg4[%add3A_218, %dma_start3A_227] : memref<64x100000xf32, #tpu.memory_space<hbm>> -> memref<1x25088xf32, #tpu.memory_space<hbm>>
    tpu.enqueue_dma source(%dma_start3A_228 : memref<1x25088xf32, #tpu.memory_space<hbm>>) target(%dma_start3A_226 : memref<1x25088xf32, #tpu.memory_space<vmem>>) target_semaphore(%arg11 : memref<!tpu.dma_semaphore, #tpu.memory_space<semaphore_mem>>)
    %dma_start3A_229 = arith.constant 0 : i32
    %dma_start3A_230 = arith.constant 25088 : i32
    %dma_start3A_231 = tpu.memref_slice %arg6[%dma_start3A_229, %dma_start3A_230] : memref<1x100000xf32, #tpu.memory_space<vmem>> -> memref<1x25088xf32, #tpu.memory_space<vmem>>
    %dma_start3A_232 = arith.constant 25088 : i32
    %dma_start3A_233 = tpu.memref_slice %arg4[%add3A_218, %dma_start3A_232] : memref<64x100000xf32, #tpu.memory_space<hbm>> -> memref<1x25088xf32, #tpu.memory_space<hbm>>
    %dma_start3A_234 = arith.constant 0 : i32
    %dma_start3A_235 = arith.constant 25088 : i32
    %dma_start3A_236 = tpu.memref_slice %arg6[%dma_start3A_234, %dma_start3A_235] : memref<1x100000xf32, #tpu.memory_space<vmem>> -> memref<1x25088xf32, #tpu.memory_space<vmem>>
    %dma_start3A_237 = arith.constant 25088 : i32
    %dma_start3A_238 = tpu.memref_slice %arg4[%add3A_218, %dma_start3A_237] : memref<64x100000xf32, #tpu.memory_space<hbm>> -> memref<1x25088xf32, #tpu.memory_space<hbm>>
    tpu.enqueue_dma source(%dma_start3A_238 : memref<1x25088xf32, #tpu.memory_space<hbm>>) target(%dma_start3A_236 : memref<1x25088xf32, #tpu.memory_space<vmem>>) target_semaphore(%arg12 : memref<!tpu.dma_semaphore, #tpu.memory_space<semaphore_mem>>)
    %dma_start3A_239 = arith.constant 0 : i32
    %dma_start3A_240 = arith.constant 50176 : i32
    %dma_start3A_241 = tpu.memref_slice %arg6[%dma_start3A_239, %dma_start3A_240] : memref<1x100000xf32, #tpu.memory_space<vmem>> -> memref<1x25088xf32, #tpu.memory_space<vmem>>
    %dma_start3A_242 = arith.constant 50176 : i32
    %dma_start3A_243 = tpu.memref_slice %arg4[%add3A_218, %dma_start3A_242] : memref<64x100000xf32, #tpu.memory_space<hbm>> -> memref<1x25088xf32, #tpu.memory_space<hbm>>
    %dma_start3A_244 = arith.constant 0 : i32
    %dma_start3A_245 = arith.constant 50176 : i32
    %dma_start3A_246 = tpu.memref_slice %arg6[%dma_start3A_244, %dma_start3A_245] : memref<1x100000xf32, #tpu.memory_space<vmem>> -> memref<1x25088xf32, #tpu.memory_space<vmem>>
    %dma_start3A_247 = arith.constant 50176 : i32
    %dma_start3A_248 = tpu.memref_slice %arg4[%add3A_218, %dma_start3A_247] : memref<64x100000xf32, #tpu.memory_space<hbm>> -> memref<1x25088xf32, #tpu.memory_space<hbm>>
    tpu.enqueue_dma source(%dma_start3A_248 : memref<1x25088xf32, #tpu.memory_space<hbm>>) target(%dma_start3A_246 : memref<1x25088xf32, #tpu.memory_space<vmem>>) target_semaphore(%arg13 : memref<!tpu.dma_semaphore, #tpu.memory_space<semaphore_mem>>)
    %dma_start3A_249 = arith.constant 0 : i32
    %dma_start3A_250 = arith.constant 75264 : i32
    %dma_start3A_251 = tpu.memref_slice %arg6[%dma_start3A_249, %dma_start3A_250] : memref<1x100000xf32, #tpu.memory_space<vmem>> -> memref<1x24736xf32, #tpu.memory_space<vmem>>
    %dma_start3A_252 = arith.constant 75264 : i32
    %dma_start3A_253 = tpu.memref_slice %arg4[%add3A_218, %dma_start3A_252] : memref<64x100000xf32, #tpu.memory_space<hbm>> -> memref<1x24736xf32, #tpu.memory_space<hbm>>
    %dma_start3A_254 = arith.constant 0 : i32
    %dma_start3A_255 = arith.constant 75264 : i32
    %dma_start3A_256 = tpu.memref_slice %arg6[%dma_start3A_254, %dma_start3A_255] : memref<1x100000xf32, #tpu.memory_space<vmem>> -> memref<1x24736xf32, #tpu.memory_space<vmem>>
    %dma_start3A_257 = arith.constant 75264 : i32
    %dma_start3A_258 = tpu.memref_slice %arg4[%add3A_218, %dma_start3A_257] : memref<64x100000xf32, #tpu.memory_space<hbm>> -> memref<1x24736xf32, #tpu.memory_space<hbm>>
    tpu.enqueue_dma source(%dma_start3A_258 : memref<1x24736xf32, #tpu.memory_space<hbm>>) target(%dma_start3A_256 : memref<1x24736xf32, #tpu.memory_space<vmem>>) target_semaphore(%arg14 : memref<!tpu.dma_semaphore, #tpu.memory_space<semaphore_mem>>)
    %mul3A_259 = arith.constant 2 : i32
    %mul3A_260 = arith.muli %add3A, %mul3A_259 : i32
    %add3A_261 = arith.constant 1 : i32
    %add3A_262 = arith.addi %mul3A_260, %add3A_261 : i32
    %dma_start3A_263 = arith.constant 0 : i32
    %dma_start3A_264 = tpu.memref_slice %arg2[%add3A_262, %dma_start3A_263] : memref<64x16384xf32, #tpu.memory_space<hbm>> -> memref<1x16384xf32, #tpu.memory_space<hbm>>
    %dma_start3A_265 = tpu.memref_squeeze %dma_start3A_264 : memref<1x16384xf32, #tpu.memory_space<hbm>> -> memref<16384xf32, #tpu.memory_space<hbm>>
    %dma_start3A_266 = arith.constant 0 : i32
    %dma_start3A_267 = tpu.memref_slice %arg2[%add3A_262, %dma_start3A_266] : memref<64x16384xf32, #tpu.memory_space<hbm>> -> memref<1x16384xf32, #tpu.memory_space<hbm>>
    %dma_start3A_268 = tpu.memref_squeeze %dma_start3A_267 : memref<1x16384xf32, #tpu.memory_space<hbm>> -> memref<16384xf32, #tpu.memory_space<hbm>>
    tpu.enqueue_dma source(%dma_start3A_268 : memref<16384xf32, #tpu.memory_space<hbm>>) target(%arg7 : memref<16384xf32, #tpu.memory_space<vmem>>) target_semaphore(%arg15 : memref<!tpu.dma_semaphore, #tpu.memory_space<semaphore_mem>>)
    %dma_start3A_269 = arith.constant 0 : i32
    %dma_start3A_270 = arith.constant 0 : i32
    %dma_start3A_271 = tpu.memref_slice %arg8[%dma_start3A_269, %dma_start3A_270] : memref<2x4096xi32, #tpu.memory_space<vmem>> -> memref<1x4096xi32, #tpu.memory_space<vmem>>
    %dma_start3A_272 = tpu.memref_squeeze %dma_start3A_271 : memref<1x4096xi32, #tpu.memory_space<vmem>> -> memref<4096xi32, #tpu.memory_space<vmem>>
    %dma_start3A_273 = arith.constant 0 : i32
    %dma_start3A_274 = tpu.memref_slice %arg10[%dma_start3A_273] : memref<16384xi32, #tpu.memory_space<vmem_shared>> -> memref<4096xi32, #tpu.memory_space<vmem_shared>>
    %dma_start3A_275 = arith.constant 0 : i32
    %dma_start3A_276 = tpu.memref_slice %arg8[%dma_start3A_269, %dma_start3A_275] : memref<2x4096xi32, #tpu.memory_space<vmem>> -> memref<1x4096xi32, #tpu.memory_space<vmem>>
    %dma_start3A_277 = tpu.memref_squeeze %dma_start3A_276 : memref<1x4096xi32, #tpu.memory_space<vmem>> -> memref<4096xi32, #tpu.memory_space<vmem>>
    %dma_start3A_278 = arith.constant 0 : i32
    %dma_start3A_279 = tpu.memref_slice %arg10[%dma_start3A_278] : memref<16384xi32, #tpu.memory_space<vmem_shared>> -> memref<4096xi32, #tpu.memory_space<vmem_shared>>
    tpu.enqueue_dma source(%dma_start3A_279 : memref<4096xi32, #tpu.memory_space<vmem_shared>>) target(%dma_start3A_277 : memref<4096xi32, #tpu.memory_space<vmem>>) target_semaphore(%arg16 : memref<!tpu.dma_semaphore, #tpu.memory_space<semaphore_mem>>)
    %dma_wait3A_280 = arith.constant 0 : i32
    %dma_wait3A_281 = arith.constant 0 : i32
    %dma_wait3A_282 = tpu.memref_slice %arg6[%dma_wait3A_280, %dma_wait3A_281] : memref<1x100000xf32, #tpu.memory_space<vmem>> -> memref<1x25088xf32, #tpu.memory_space<vmem>>
    %dma_wait3A_283 = arith.constant 0 : i32
    %dma_wait3A_284 = tpu.memref_slice %arg4[%add3A_218, %dma_wait3A_283] : memref<64x100000xf32, #tpu.memory_space<hbm>> -> memref<1x25088xf32, #tpu.memory_space<hbm>>
    %dma_wait3A_285 = arith.constant 0 : i32
    %dma_wait3A_286 = arith.constant 0 : i32
    %dma_wait3A_287 = tpu.memref_slice %arg6[%dma_wait3A_285, %dma_wait3A_286] : memref<1x100000xf32, #tpu.memory_space<vmem>> -> memref<1x25088xf32, #tpu.memory_space<vmem>>
    %dma_wait3A_288 = arith.constant 0 : i32
    %dma_wait3A_289 = tpu.memref_slice %arg4[%add3A_218, %dma_wait3A_288] : memref<64x100000xf32, #tpu.memory_space<hbm>> -> memref<1x25088xf32, #tpu.memory_space<hbm>>
    tpu.wait_dma2 semaphore(%arg11 : memref<!tpu.dma_semaphore, #tpu.memory_space<semaphore_mem>>) src(%dma_wait3A_289 : memref<1x25088xf32, #tpu.memory_space<hbm>>) dst(%dma_wait3A_287 : memref<1x25088xf32, #tpu.memory_space<vmem>>)
    %dma_wait3A_290 = arith.constant 0 : i32
    %dma_wait3A_291 = arith.constant 25088 : i32
    %dma_wait3A_292 = tpu.memref_slice %arg6[%dma_wait3A_290, %dma_wait3A_291] : memref<1x100000xf32, #tpu.memory_space<vmem>> -> memref<1x25088xf32, #tpu.memory_space<vmem>>
    %dma_wait3A_293 = arith.constant 25088 : i32
    %dma_wait3A_294 = tpu.memref_slice %arg4[%add3A_218, %dma_wait3A_293] : memref<64x100000xf32, #tpu.memory_space<hbm>> -> memref<1x25088xf32, #tpu.memory_space<hbm>>
    %dma_wait3A_295 = arith.constant 0 : i32
    %dma_wait3A_296 = arith.constant 25088 : i32
    %dma_wait3A_297 = tpu.memref_slice %arg6[%dma_wait3A_295, %dma_wait3A_296] : memref<1x100000xf32, #tpu.memory_space<vmem>> -> memref<1x25088xf32, #tpu.memory_space<vmem>>
    %dma_wait3A_298 = arith.constant 25088 : i32
    %dma_wait3A_299 = tpu.memref_slice %arg4[%add3A_218, %dma_wait3A_298] : memref<64x100000xf32, #tpu.memory_space<hbm>> -> memref<1x25088xf32, #tpu.memory_space<hbm>>
    tpu.wait_dma2 semaphore(%arg12 : memref<!tpu.dma_semaphore, #tpu.memory_space<semaphore_mem>>) src(%dma_wait3A_299 : memref<1x25088xf32, #tpu.memory_space<hbm>>) dst(%dma_wait3A_297 : memref<1x25088xf32, #tpu.memory_space<vmem>>)
    %dma_wait3A_300 = arith.constant 0 : i32
    %dma_wait3A_301 = arith.constant 50176 : i32
    %dma_wait3A_302 = tpu.memref_slice %arg6[%dma_wait3A_300, %dma_wait3A_301] : memref<1x100000xf32, #tpu.memory_space<vmem>> -> memref<1x25088xf32, #tpu.memory_space<vmem>>
    %dma_wait3A_303 = arith.constant 50176 : i32
    %dma_wait3A_304 = tpu.memref_slice %arg4[%add3A_218, %dma_wait3A_303] : memref<64x100000xf32, #tpu.memory_space<hbm>> -> memref<1x25088xf32, #tpu.memory_space<hbm>>
    %dma_wait3A_305 = arith.constant 0 : i32
    %dma_wait3A_306 = arith.constant 50176 : i32
    %dma_wait3A_307 = tpu.memref_slice %arg6[%dma_wait3A_305, %dma_wait3A_306] : memref<1x100000xf32, #tpu.memory_space<vmem>> -> memref<1x25088xf32, #tpu.memory_space<vmem>>
    %dma_wait3A_308 = arith.constant 50176 : i32
    %dma_wait3A_309 = tpu.memref_slice %arg4[%add3A_218, %dma_wait3A_308] : memref<64x100000xf32, #tpu.memory_space<hbm>> -> memref<1x25088xf32, #tpu.memory_space<hbm>>
    tpu.wait_dma2 semaphore(%arg13 : memref<!tpu.dma_semaphore, #tpu.memory_space<semaphore_mem>>) src(%dma_wait3A_309 : memref<1x25088xf32, #tpu.memory_space<hbm>>) dst(%dma_wait3A_307 : memref<1x25088xf32, #tpu.memory_space<vmem>>)
    %dma_wait3A_310 = arith.constant 0 : i32
    %dma_wait3A_311 = arith.constant 75264 : i32
    %dma_wait3A_312 = tpu.memref_slice %arg6[%dma_wait3A_310, %dma_wait3A_311] : memref<1x100000xf32, #tpu.memory_space<vmem>> -> memref<1x24736xf32, #tpu.memory_space<vmem>>
    %dma_wait3A_313 = arith.constant 75264 : i32
    %dma_wait3A_314 = tpu.memref_slice %arg4[%add3A_218, %dma_wait3A_313] : memref<64x100000xf32, #tpu.memory_space<hbm>> -> memref<1x24736xf32, #tpu.memory_space<hbm>>
    %dma_wait3A_315 = arith.constant 0 : i32
    %dma_wait3A_316 = arith.constant 75264 : i32
    %dma_wait3A_317 = tpu.memref_slice %arg6[%dma_wait3A_315, %dma_wait3A_316] : memref<1x100000xf32, #tpu.memory_space<vmem>> -> memref<1x24736xf32, #tpu.memory_space<vmem>>
    %dma_wait3A_318 = arith.constant 75264 : i32
    %dma_wait3A_319 = tpu.memref_slice %arg4[%add3A_218, %dma_wait3A_318] : memref<64x100000xf32, #tpu.memory_space<hbm>> -> memref<1x24736xf32, #tpu.memory_space<hbm>>
    tpu.wait_dma2 semaphore(%arg14 : memref<!tpu.dma_semaphore, #tpu.memory_space<semaphore_mem>>) src(%dma_wait3A_319 : memref<1x24736xf32, #tpu.memory_space<hbm>>) dst(%dma_wait3A_317 : memref<1x24736xf32, #tpu.memory_space<vmem>>)
    %dma_wait3A_320 = arith.constant 0 : i32
    %dma_wait3A_321 = tpu.memref_slice %arg2[%add3A_262, %dma_wait3A_320] : memref<64x16384xf32, #tpu.memory_space<hbm>> -> memref<1x16384xf32, #tpu.memory_space<hbm>>
    %dma_wait3A_322 = tpu.memref_squeeze %dma_wait3A_321 : memref<1x16384xf32, #tpu.memory_space<hbm>> -> memref<16384xf32, #tpu.memory_space<hbm>>
    %dma_wait3A_323 = arith.constant 0 : i32
    %dma_wait3A_324 = tpu.memref_slice %arg2[%add3A_262, %dma_wait3A_323] : memref<64x16384xf32, #tpu.memory_space<hbm>> -> memref<1x16384xf32, #tpu.memory_space<hbm>>
    %dma_wait3A_325 = tpu.memref_squeeze %dma_wait3A_324 : memref<1x16384xf32, #tpu.memory_space<hbm>> -> memref<16384xf32, #tpu.memory_space<hbm>>
    tpu.wait_dma2 semaphore(%arg15 : memref<!tpu.dma_semaphore, #tpu.memory_space<semaphore_mem>>) src(%dma_wait3A_325 : memref<16384xf32, #tpu.memory_space<hbm>>) dst(%arg7 : memref<16384xf32, #tpu.memory_space<vmem>>)
    %dma_wait3A_326 = arith.constant 0 : i32
    %dma_wait3A_327 = arith.constant 0 : i32
    %dma_wait3A_328 = tpu.memref_slice %arg8[%dma_wait3A_326, %dma_wait3A_327] : memref<2x4096xi32, #tpu.memory_space<vmem>> -> memref<1x4096xi32, #tpu.memory_space<vmem>>
    %dma_wait3A_329 = tpu.memref_squeeze %dma_wait3A_328 : memref<1x4096xi32, #tpu.memory_space<vmem>> -> memref<4096xi32, #tpu.memory_space<vmem>>
    %dma_wait3A_330 = arith.constant 0 : i32
    %dma_wait3A_331 = tpu.memref_slice %arg10[%dma_wait3A_330] : memref<16384xi32, #tpu.memory_space<vmem_shared>> -> memref<4096xi32, #tpu.memory_space<vmem_shared>>
    %dma_wait3A_332 = arith.constant 0 : i32
    %dma_wait3A_333 = tpu.memref_slice %arg8[%dma_wait3A_326, %dma_wait3A_332] : memref<2x4096xi32, #tpu.memory_space<vmem>> -> memref<1x4096xi32, #tpu.memory_space<vmem>>
    %dma_wait3A_334 = tpu.memref_squeeze %dma_wait3A_333 : memref<1x4096xi32, #tpu.memory_space<vmem>> -> memref<4096xi32, #tpu.memory_space<vmem>>
    %dma_wait3A_335 = arith.constant 0 : i32
    %dma_wait3A_336 = tpu.memref_slice %arg10[%dma_wait3A_335] : memref<16384xi32, #tpu.memory_space<vmem_shared>> -> memref<4096xi32, #tpu.memory_space<vmem_shared>>
    tpu.wait_dma2 semaphore(%arg16 : memref<!tpu.dma_semaphore, #tpu.memory_space<semaphore_mem>>) src(%dma_wait3A_336 : memref<4096xi32, #tpu.memory_space<vmem_shared>>) dst(%dma_wait3A_334 : memref<4096xi32, #tpu.memory_space<vmem>>)
    %dma_start3A_337 = arith.constant 1 : i32
    %dma_start3A_338 = arith.constant 0 : i32
    %dma_start3A_339 = tpu.memref_slice %arg8[%dma_start3A_337, %dma_start3A_338] : memref<2x4096xi32, #tpu.memory_space<vmem>> -> memref<1x4096xi32, #tpu.memory_space<vmem>>
    %dma_start3A_340 = tpu.memref_squeeze %dma_start3A_339 : memref<1x4096xi32, #tpu.memory_space<vmem>> -> memref<4096xi32, #tpu.memory_space<vmem>>
    %dma_start3A_341 = arith.constant 4096 : i32
    %dma_start3A_342 = tpu.memref_slice %arg10[%dma_start3A_341] : memref<16384xi32, #tpu.memory_space<vmem_shared>> -> memref<4096xi32, #tpu.memory_space<vmem_shared>>
    %dma_start3A_343 = arith.constant 0 : i32
    %dma_start3A_344 = tpu.memref_slice %arg8[%dma_start3A_337, %dma_start3A_343] : memref<2x4096xi32, #tpu.memory_space<vmem>> -> memref<1x4096xi32, #tpu.memory_space<vmem>>
    %dma_start3A_345 = tpu.memref_squeeze %dma_start3A_344 : memref<1x4096xi32, #tpu.memory_space<vmem>> -> memref<4096xi32, #tpu.memory_space<vmem>>
    %dma_start3A_346 = arith.constant 4096 : i32
    %dma_start3A_347 = tpu.memref_slice %arg10[%dma_start3A_346] : memref<16384xi32, #tpu.memory_space<vmem_shared>> -> memref<4096xi32, #tpu.memory_space<vmem_shared>>
    tpu.enqueue_dma source(%dma_start3A_347 : memref<4096xi32, #tpu.memory_space<vmem_shared>>) target(%dma_start3A_345 : memref<4096xi32, #tpu.memory_space<vmem>>) target_semaphore(%arg16 : memref<!tpu.dma_semaphore, #tpu.memory_space<semaphore_mem>>)
    %scan3A_348 = arith.constant 0 : i32
    %scan3A_349 = arith.constant 64 : i32
    %scan3A_350 = arith.addi %scan3A_348, %scan3A_349 : i32
    %scan3A_351 = arith.constant 1 : i32
    %scan3A_352:4 = scf.for %scan3A_434 = %scan3A_348 to %scan3A_350 step %scan3A_351 iter_args(%scan3A_435 = %scan3A_213#0, %scan3A_436 = %scan3A_213#1, %scan3A_437 = %scan3A_213#2, %scan3A_438 = %scan3A_213#3) -> (vector<16xf32>, vector<16xf32>, vector<16xf32>, vector<16xf32>)  : i32 {
      %mul3A_439 = arith.constant 64 : i32
      %mul3A_440 = arith.muli %scan3A_434, %mul3A_439 : i32
      %add3A_441 = arith.constant 0 : i32
      %add3A_442 = arith.addi %mul3A_440, %add3A_441 : i32
      %get3A = arith.constant 0 : i32
      %get3A_443 = arith.index_cast %get3A : i32 to index
      %get3A_444 = arith.index_cast %add3A_442 : i32 to index
      %get3A_445 = tpu.vector_load %arg8[%get3A_443, %get3A_444] {strides = array<i32>} : memref<2x4096xi32, #tpu.memory_space<vmem>>, vector<16xi32>,
      %add3A_446 = arith.constant 0 : i32
      %add3A_447 = arith.addi %add3A_446, %add3A_442 : i32
      %get3A_448 = arith.index_cast %add3A_447 : i32 to index
      %get3A_449 = tpu.vector_load %arg7[%get3A_448] {strides = array<i32>} : memref<16384xf32, #tpu.memory_space<vmem>>, vector<16xf32>,
      %gather3A = arith.constant 0 : i32
      %gather3A_450 = arith.constant 0 : i32
      %gather3A_451 = tpu.memref_slice %arg6[%gather3A, %gather3A_450] : memref<1x100000xf32, #tpu.memory_space<vmem>> -> memref<1x100000xf32, #tpu.memory_space<vmem>>
      %gather3A_452 = tpu.memref_squeeze %gather3A_451 : memref<1x100000xf32, #tpu.memory_space<vmem>> -> memref<100000xf32, #tpu.memory_space<vmem>>
      %gather3A_453 = tpu.vector_load_idx %gather3A_452[%get3A_445] : memref<100000xf32, #tpu.memory_space<vmem>>[vector<16xi32>], vector<16xf32>,
      %sub3A = arith.subf %get3A_449, %gather3A_453 : vector<16xf32>
      %mul3A_454 = arith.mulf %sub3A, %sub3A : vector<16xf32>
      %add3A_455 = arith.addf %scan3A_435, %mul3A_454 : vector<16xf32>
      %add3A_456 = arith.constant 16 : i32
      %add3A_457 = arith.addi %mul3A_440, %add3A_456 : i32
      %get3A_458 = arith.constant 0 : i32
      %get3A_459 = arith.index_cast %get3A_458 : i32 to index
      %get3A_460 = arith.index_cast %add3A_457 : i32 to index
      %get3A_461 = tpu.vector_load %arg8[%get3A_459, %get3A_460] {strides = array<i32>} : memref<2x4096xi32, #tpu.memory_space<vmem>>, vector<16xi32>,
      %add3A_462 = arith.constant 0 : i32
      %add3A_463 = arith.addi %add3A_462, %add3A_457 : i32
      %get3A_464 = arith.index_cast %add3A_463 : i32 to index
      %get3A_465 = tpu.vector_load %arg7[%get3A_464] {strides = array<i32>} : memref<16384xf32, #tpu.memory_space<vmem>>, vector<16xf32>,
      %gather3A_466 = arith.constant 0 : i32
      %gather3A_467 = arith.constant 0 : i32
      %gather3A_468 = tpu.memref_slice %arg6[%gather3A_466, %gather3A_467] : memref<1x100000xf32, #tpu.memory_space<vmem>> -> memref<1x100000xf32, #tpu.memory_space<vmem>>
      %gather3A_469 = tpu.memref_squeeze %gather3A_468 : memref<1x100000xf32, #tpu.memory_space<vmem>> -> memref<100000xf32, #tpu.memory_space<vmem>>
      %gather3A_470 = tpu.vector_load_idx %gather3A_469[%get3A_461] : memref<100000xf32, #tpu.memory_space<vmem>>[vector<16xi32>], vector<16xf32>,
      %sub3A_471 = arith.subf %get3A_465, %gather3A_470 : vector<16xf32>
      %mul3A_472 = arith.mulf %sub3A_471, %sub3A_471 : vector<16xf32>
      %add3A_473 = arith.addf %scan3A_436, %mul3A_472 : vector<16xf32>
      %add3A_474 = arith.constant 32 : i32
      %add3A_475 = arith.addi %mul3A_440, %add3A_474 : i32
      %get3A_476 = arith.constant 0 : i32
      %get3A_477 = arith.index_cast %get3A_476 : i32 to index
      %get3A_478 = arith.index_cast %add3A_475 : i32 to index
      %get3A_479 = tpu.vector_load %arg8[%get3A_477, %get3A_478] {strides = array<i32>} : memref<2x4096xi32, #tpu.memory_space<vmem>>, vector<16xi32>,
      %add3A_480 = arith.constant 0 : i32
      %add3A_481 = arith.addi %add3A_480, %add3A_475 : i32
      %get3A_482 = arith.index_cast %add3A_481 : i32 to index
      %get3A_483 = tpu.vector_load %arg7[%get3A_482] {strides = array<i32>} : memref<16384xf32, #tpu.memory_space<vmem>>, vector<16xf32>,
      %gather3A_484 = arith.constant 0 : i32
      %gather3A_485 = arith.constant 0 : i32
      %gather3A_486 = tpu.memref_slice %arg6[%gather3A_484, %gather3A_485] : memref<1x100000xf32, #tpu.memory_space<vmem>> -> memref<1x100000xf32, #tpu.memory_space<vmem>>
      %gather3A_487 = tpu.memref_squeeze %gather3A_486 : memref<1x100000xf32, #tpu.memory_space<vmem>> -> memref<100000xf32, #tpu.memory_space<vmem>>
      %gather3A_488 = tpu.vector_load_idx %gather3A_487[%get3A_479] : memref<100000xf32, #tpu.memory_space<vmem>>[vector<16xi32>], vector<16xf32>,
      %sub3A_489 = arith.subf %get3A_483, %gather3A_488 : vector<16xf32>
      %mul3A_490 = arith.mulf %sub3A_489, %sub3A_489 : vector<16xf32>
      %add3A_491 = arith.addf %scan3A_437, %mul3A_490 : vector<16xf32>
      %add3A_492 = arith.constant 48 : i32
      %add3A_493 = arith.addi %mul3A_440, %add3A_492 : i32
      %get3A_494 = arith.constant 0 : i32
      %get3A_495 = arith.index_cast %get3A_494 : i32 to index
      %get3A_496 = arith.index_cast %add3A_493 : i32 to index
      %get3A_497 = tpu.vector_load %arg8[%get3A_495, %get3A_496] {strides = array<i32>} : memref<2x4096xi32, #tpu.memory_space<vmem>>, vector<16xi32>,
      %add3A_498 = arith.constant 0 : i32
      %add3A_499 = arith.addi %add3A_498, %add3A_493 : i32
      %get3A_500 = arith.index_cast %add3A_499 : i32 to index
      %get3A_501 = tpu.vector_load %arg7[%get3A_500] {strides = array<i32>} : memref<16384xf32, #tpu.memory_space<vmem>>, vector<16xf32>,
      %gather3A_502 = arith.constant 0 : i32
      %gather3A_503 = arith.constant 0 : i32
      %gather3A_504 = tpu.memref_slice %arg6[%gather3A_502, %gather3A_503] : memref<1x100000xf32, #tpu.memory_space<vmem>> -> memref<1x100000xf32, #tpu.memory_space<vmem>>
      %gather3A_505 = tpu.memref_squeeze %gather3A_504 : memref<1x100000xf32, #tpu.memory_space<vmem>> -> memref<100000xf32, #tpu.memory_space<vmem>>
      %gather3A_506 = tpu.vector_load_idx %gather3A_505[%get3A_497] : memref<100000xf32, #tpu.memory_space<vmem>>[vector<16xi32>], vector<16xf32>,
      %sub3A_507 = arith.subf %get3A_501, %gather3A_506 : vector<16xf32>
      %mul3A_508 = arith.mulf %sub3A_507, %sub3A_507 : vector<16xf32>
      %add3A_509 = arith.addf %scan3A_438, %mul3A_508 : vector<16xf32>
      scf.yield %add3A_455, %add3A_473, %add3A_491, %add3A_509 : vector<16xf32>, vector<16xf32>, vector<16xf32>, vector<16xf32>
    }
    %scan3A_353 = arith.constant 64 : i32
    %dma_wait3A_354 = arith.constant 1 : i32
    %dma_wait3A_355 = arith.constant 0 : i32
    %dma_wait3A_356 = tpu.memref_slice %arg8[%dma_wait3A_354, %dma_wait3A_355] : memref<2x4096xi32, #tpu.memory_space<vmem>> -> memref<1x4096xi32, #tpu.memory_space<vmem>>
    %dma_wait3A_357 = tpu.memref_squeeze %dma_wait3A_356 : memref<1x4096xi32, #tpu.memory_space<vmem>> -> memref<4096xi32, #tpu.memory_space<vmem>>
    %dma_wait3A_358 = arith.constant 4096 : i32
    %dma_wait3A_359 = tpu.memref_slice %arg10[%dma_wait3A_358] : memref<16384xi32, #tpu.memory_space<vmem_shared>> -> memref<4096xi32, #tpu.memory_space<vmem_shared>>
    %dma_wait3A_360 = arith.constant 0 : i32
    %dma_wait3A_361 = tpu.memref_slice %arg8[%dma_wait3A_354, %dma_wait3A_360] : memref<2x4096xi32, #tpu.memory_space<vmem>> -> memref<1x4096xi32, #tpu.memory_space<vmem>>
    %dma_wait3A_362 = tpu.memref_squeeze %dma_wait3A_361 : memref<1x4096xi32, #tpu.memory_space<vmem>> -> memref<4096xi32, #tpu.memory_space<vmem>>
    %dma_wait3A_363 = arith.constant 4096 : i32
    %dma_wait3A_364 = tpu.memref_slice %arg10[%dma_wait3A_363] : memref<16384xi32, #tpu.memory_space<vmem_shared>> -> memref<4096xi32, #tpu.memory_space<vmem_shared>>
    tpu.wait_dma2 semaphore(%arg16 : memref<!tpu.dma_semaphore, #tpu.memory_space<semaphore_mem>>) src(%dma_wait3A_364 : memref<4096xi32, #tpu.memory_space<vmem_shared>>) dst(%dma_wait3A_362 : memref<4096xi32, #tpu.memory_space<vmem>>)
    %dma_start3A_365 = arith.constant 0 : i32
    %dma_start3A_366 = arith.constant 0 : i32
    %dma_start3A_367 = tpu.memref_slice %arg8[%dma_start3A_365, %dma_start3A_366] : memref<2x4096xi32, #tpu.memory_space<vmem>> -> memref<1x4096xi32, #tpu.memory_space<vmem>>
    %dma_start3A_368 = tpu.memref_squeeze %dma_start3A_367 : memref<1x4096xi32, #tpu.memory_space<vmem>> -> memref<4096xi32, #tpu.memory_space<vmem>>
    %dma_start3A_369 = arith.constant 8192 : i32
    %dma_start3A_370 = tpu.memref_slice %arg10[%dma_start3A_369] : memref<16384xi32, #tpu.memory_space<vmem_shared>> -> memref<4096xi32, #tpu.memory_space<vmem_shared>>
    %dma_start3A_371 = arith.constant 0 : i32
    %dma_start3A_372 = tpu.memref_slice %arg8[%dma_start3A_365, %dma_start3A_371] : memref<2x4096xi32, #tpu.memory_space<vmem>> -> memref<1x4096xi32, #tpu.memory_space<vmem>>
    %dma_start3A_373 = tpu.memref_squeeze %dma_start3A_372 : memref<1x4096xi32, #tpu.memory_space<vmem>> -> memref<4096xi32, #tpu.memory_space<vmem>>
    %dma_start3A_374 = arith.constant 8192 : i32
    %dma_start3A_375 = tpu.memref_slice %arg10[%dma_start3A_374] : memref<16384xi32, #tpu.memory_space<vmem_shared>> -> memref<4096xi32, #tpu.memory_space<vmem_shared>>
    tpu.enqueue_dma source(%dma_start3A_375 : memref<4096xi32, #tpu.memory_space<vmem_shared>>) target(%dma_start3A_373 : memref<4096xi32, #tpu.memory_space<vmem>>) target_semaphore(%arg16 : memref<!tpu.dma_semaphore, #tpu.memory_space<semaphore_mem>>)
    %scan3A_376 = arith.constant 0 : i32
    %scan3A_377 = arith.constant 64 : i32
    %scan3A_378 = arith.addi %scan3A_376, %scan3A_377 : i32
    %scan3A_379 = arith.constant 1 : i32
    %scan3A_380:4 = scf.for %scan3A_434 = %scan3A_376 to %scan3A_378 step %scan3A_379 iter_args(%scan3A_435 = %scan3A_352#0, %scan3A_436 = %scan3A_352#1, %scan3A_437 = %scan3A_352#2, %scan3A_438 = %scan3A_352#3) -> (vector<16xf32>, vector<16xf32>, vector<16xf32>, vector<16xf32>)  : i32 {
      %mul3A_439 = arith.constant 64 : i32
      %mul3A_440 = arith.muli %scan3A_434, %mul3A_439 : i32
      %add3A_441 = arith.constant 0 : i32
      %add3A_442 = arith.addi %mul3A_440, %add3A_441 : i32
      %get3A = arith.constant 1 : i32
      %get3A_443 = arith.index_cast %get3A : i32 to index
      %get3A_444 = arith.index_cast %add3A_442 : i32 to index
      %get3A_445 = tpu.vector_load %arg8[%get3A_443, %get3A_444] {strides = array<i32>} : memref<2x4096xi32, #tpu.memory_space<vmem>>, vector<16xi32>,
      %add3A_446 = arith.constant 4096 : i32
      %add3A_447 = arith.addi %add3A_446, %add3A_442 : i32
      %get3A_448 = arith.index_cast %add3A_447 : i32 to index
      %get3A_449 = tpu.vector_load %arg7[%get3A_448] {strides = array<i32>} : memref<16384xf32, #tpu.memory_space<vmem>>, vector<16xf32>,
      %gather3A = arith.constant 0 : i32
      %gather3A_450 = arith.constant 0 : i32
      %gather3A_451 = tpu.memref_slice %arg6[%gather3A, %gather3A_450] : memref<1x100000xf32, #tpu.memory_space<vmem>> -> memref<1x100000xf32, #tpu.memory_space<vmem>>
      %gather3A_452 = tpu.memref_squeeze %gather3A_451 : memref<1x100000xf32, #tpu.memory_space<vmem>> -> memref<100000xf32, #tpu.memory_space<vmem>>
      %gather3A_453 = tpu.vector_load_idx %gather3A_452[%get3A_445] : memref<100000xf32, #tpu.memory_space<vmem>>[vector<16xi32>], vector<16xf32>,
      %sub3A = arith.subf %get3A_449, %gather3A_453 : vector<16xf32>
      %mul3A_454 = arith.mulf %sub3A, %sub3A : vector<16xf32>
      %add3A_455 = arith.addf %scan3A_435, %mul3A_454 : vector<16xf32>
      %add3A_456 = arith.constant 16 : i32
      %add3A_457 = arith.addi %mul3A_440, %add3A_456 : i32
      %get3A_458 = arith.constant 1 : i32
      %get3A_459 = arith.index_cast %get3A_458 : i32 to index
      %get3A_460 = arith.index_cast %add3A_457 : i32 to index
      %get3A_461 = tpu.vector_load %arg8[%get3A_459, %get3A_460] {strides = array<i32>} : memref<2x4096xi32, #tpu.memory_space<vmem>>, vector<16xi32>,
      %add3A_462 = arith.constant 4096 : i32
      %add3A_463 = arith.addi %add3A_462, %add3A_457 : i32
      %get3A_464 = arith.index_cast %add3A_463 : i32 to index
      %get3A_465 = tpu.vector_load %arg7[%get3A_464] {strides = array<i32>} : memref<16384xf32, #tpu.memory_space<vmem>>, vector<16xf32>,
      %gather3A_466 = arith.constant 0 : i32
      %gather3A_467 = arith.constant 0 : i32
      %gather3A_468 = tpu.memref_slice %arg6[%gather3A_466, %gather3A_467] : memref<1x100000xf32, #tpu.memory_space<vmem>> -> memref<1x100000xf32, #tpu.memory_space<vmem>>
      %gather3A_469 = tpu.memref_squeeze %gather3A_468 : memref<1x100000xf32, #tpu.memory_space<vmem>> -> memref<100000xf32, #tpu.memory_space<vmem>>
      %gather3A_470 = tpu.vector_load_idx %gather3A_469[%get3A_461] : memref<100000xf32, #tpu.memory_space<vmem>>[vector<16xi32>], vector<16xf32>,
      %sub3A_471 = arith.subf %get3A_465, %gather3A_470 : vector<16xf32>
      %mul3A_472 = arith.mulf %sub3A_471, %sub3A_471 : vector<16xf32>
      %add3A_473 = arith.addf %scan3A_436, %mul3A_472 : vector<16xf32>
      %add3A_474 = arith.constant 32 : i32
      %add3A_475 = arith.addi %mul3A_440, %add3A_474 : i32
      %get3A_476 = arith.constant 1 : i32
      %get3A_477 = arith.index_cast %get3A_476 : i32 to index
      %get3A_478 = arith.index_cast %add3A_475 : i32 to index
      %get3A_479 = tpu.vector_load %arg8[%get3A_477, %get3A_478] {strides = array<i32>} : memref<2x4096xi32, #tpu.memory_space<vmem>>, vector<16xi32>,
      %add3A_480 = arith.constant 4096 : i32
      %add3A_481 = arith.addi %add3A_480, %add3A_475 : i32
      %get3A_482 = arith.index_cast %add3A_481 : i32 to index
      %get3A_483 = tpu.vector_load %arg7[%get3A_482] {strides = array<i32>} : memref<16384xf32, #tpu.memory_space<vmem>>, vector<16xf32>,
      %gather3A_484 = arith.constant 0 : i32
      %gather3A_485 = arith.constant 0 : i32
      %gather3A_486 = tpu.memref_slice %arg6[%gather3A_484, %gather3A_485] : memref<1x100000xf32, #tpu.memory_space<vmem>> -> memref<1x100000xf32, #tpu.memory_space<vmem>>
      %gather3A_487 = tpu.memref_squeeze %gather3A_486 : memref<1x100000xf32, #tpu.memory_space<vmem>> -> memref<100000xf32, #tpu.memory_space<vmem>>
      %gather3A_488 = tpu.vector_load_idx %gather3A_487[%get3A_479] : memref<100000xf32, #tpu.memory_space<vmem>>[vector<16xi32>], vector<16xf32>,
      %sub3A_489 = arith.subf %get3A_483, %gather3A_488 : vector<16xf32>
      %mul3A_490 = arith.mulf %sub3A_489, %sub3A_489 : vector<16xf32>
      %add3A_491 = arith.addf %scan3A_437, %mul3A_490 : vector<16xf32>
      %add3A_492 = arith.constant 48 : i32
      %add3A_493 = arith.addi %mul3A_440, %add3A_492 : i32
      %get3A_494 = arith.constant 1 : i32
      %get3A_495 = arith.index_cast %get3A_494 : i32 to index
      %get3A_496 = arith.index_cast %add3A_493 : i32 to index
      %get3A_497 = tpu.vector_load %arg8[%get3A_495, %get3A_496] {strides = array<i32>} : memref<2x4096xi32, #tpu.memory_space<vmem>>, vector<16xi32>,
      %add3A_498 = arith.constant 4096 : i32
      %add3A_499 = arith.addi %add3A_498, %add3A_493 : i32
      %get3A_500 = arith.index_cast %add3A_499 : i32 to index
      %get3A_501 = tpu.vector_load %arg7[%get3A_500] {strides = array<i32>} : memref<16384xf32, #tpu.memory_space<vmem>>, vector<16xf32>,
      %gather3A_502 = arith.constant 0 : i32
      %gather3A_503 = arith.constant 0 : i32
      %gather3A_504 = tpu.memref_slice %arg6[%gather3A_502, %gather3A_503] : memref<1x100000xf32, #tpu.memory_space<vmem>> -> memref<1x100000xf32, #tpu.memory_space<vmem>>
      %gather3A_505 = tpu.memref_squeeze %gather3A_504 : memref<1x100000xf32, #tpu.memory_space<vmem>> -> memref<100000xf32, #tpu.memory_space<vmem>>
      %gather3A_506 = tpu.vector_load_idx %gather3A_505[%get3A_497] : memref<100000xf32, #tpu.memory_space<vmem>>[vector<16xi32>], vector<16xf32>,
      %sub3A_507 = arith.subf %get3A_501, %gather3A_506 : vector<16xf32>
      %mul3A_508 = arith.mulf %sub3A_507, %sub3A_507 : vector<16xf32>
      %add3A_509 = arith.addf %scan3A_438, %mul3A_508 : vector<16xf32>
      scf.yield %add3A_455, %add3A_473, %add3A_491, %add3A_509 : vector<16xf32>, vector<16xf32>, vector<16xf32>, vector<16xf32>
    }
    %scan3A_381 = arith.constant 64 : i32
    %dma_wait3A_382 = arith.constant 0 : i32
    %dma_wait3A_383 = arith.constant 0 : i32
    %dma_wait3A_384 = tpu.memref_slice %arg8[%dma_wait3A_382, %dma_wait3A_383] : memref<2x4096xi32, #tpu.memory_space<vmem>> -> memref<1x4096xi32, #tpu.memory_space<vmem>>
    %dma_wait3A_385 = tpu.memref_squeeze %dma_wait3A_384 : memref<1x4096xi32, #tpu.memory_space<vmem>> -> memref<4096xi32, #tpu.memory_space<vmem>>
    %dma_wait3A_386 = arith.constant 8192 : i32
    %dma_wait3A_387 = tpu.memref_slice %arg10[%dma_wait3A_386] : memref<16384xi32, #tpu.memory_space<vmem_shared>> -> memref<4096xi32, #tpu.memory_space<vmem_shared>>
    %dma_wait3A_388 = arith.constant 0 : i32
    %dma_wait3A_389 = tpu.memref_slice %arg8[%dma_wait3A_382, %dma_wait3A_388] : memref<2x4096xi32, #tpu.memory_space<vmem>> -> memref<1x4096xi32, #tpu.memory_space<vmem>>
    %dma_wait3A_390 = tpu.memref_squeeze %dma_wait3A_389 : memref<1x4096xi32, #tpu.memory_space<vmem>> -> memref<4096xi32, #tpu.memory_space<vmem>>
    %dma_wait3A_391 = arith.constant 8192 : i32
    %dma_wait3A_392 = tpu.memref_slice %arg10[%dma_wait3A_391] : memref<16384xi32, #tpu.memory_space<vmem_shared>> -> memref<4096xi32, #tpu.memory_space<vmem_shared>>
    tpu.wait_dma2 semaphore(%arg16 : memref<!tpu.dma_semaphore, #tpu.memory_space<semaphore_mem>>) src(%dma_wait3A_392 : memref<4096xi32, #tpu.memory_space<vmem_shared>>) dst(%dma_wait3A_390 : memref<4096xi32, #tpu.memory_space<vmem>>)
    %dma_start3A_393 = arith.constant 1 : i32
    %dma_start3A_394 = arith.constant 0 : i32
    %dma_start3A_395 = tpu.memref_slice %arg8[%dma_start3A_393, %dma_start3A_394] : memref<2x4096xi32, #tpu.memory_space<vmem>> -> memref<1x4096xi32, #tpu.memory_space<vmem>>
    %dma_start3A_396 = tpu.memref_squeeze %dma_start3A_395 : memref<1x4096xi32, #tpu.memory_space<vmem>> -> memref<4096xi32, #tpu.memory_space<vmem>>
    %dma_start3A_397 = arith.constant 12288 : i32
    %dma_start3A_398 = tpu.memref_slice %arg10[%dma_start3A_397] : memref<16384xi32, #tpu.memory_space<vmem_shared>> -> memref<4096xi32, #tpu.memory_space<vmem_shared>>
    %dma_start3A_399 = arith.constant 0 : i32
    %dma_start3A_400 = tpu.memref_slice %arg8[%dma_start3A_393, %dma_start3A_399] : memref<2x4096xi32, #tpu.memory_space<vmem>> -> memref<1x4096xi32, #tpu.memory_space<vmem>>
    %dma_start3A_401 = tpu.memref_squeeze %dma_start3A_400 : memref<1x4096xi32, #tpu.memory_space<vmem>> -> memref<4096xi32, #tpu.memory_space<vmem>>
    %dma_start3A_402 = arith.constant 12288 : i32
    %dma_start3A_403 = tpu.memref_slice %arg10[%dma_start3A_402] : memref<16384xi32, #tpu.memory_space<vmem_shared>> -> memref<4096xi32, #tpu.memory_space<vmem_shared>>
    tpu.enqueue_dma source(%dma_start3A_403 : memref<4096xi32, #tpu.memory_space<vmem_shared>>) target(%dma_start3A_401 : memref<4096xi32, #tpu.memory_space<vmem>>) target_semaphore(%arg16 : memref<!tpu.dma_semaphore, #tpu.memory_space<semaphore_mem>>)
    %scan3A_404 = arith.constant 0 : i32
    %scan3A_405 = arith.constant 64 : i32
    %scan3A_406 = arith.addi %scan3A_404, %scan3A_405 : i32
    %scan3A_407 = arith.constant 1 : i32
    %scan3A_408:4 = scf.for %scan3A_434 = %scan3A_404 to %scan3A_406 step %scan3A_407 iter_args(%scan3A_435 = %scan3A_380#0, %scan3A_436 = %scan3A_380#1, %scan3A_437 = %scan3A_380#2, %scan3A_438 = %scan3A_380#3) -> (vector<16xf32>, vector<16xf32>, vector<16xf32>, vector<16xf32>)  : i32 {
      %mul3A_439 = arith.constant 64 : i32
      %mul3A_440 = arith.muli %scan3A_434, %mul3A_439 : i32
      %add3A_441 = arith.constant 0 : i32
      %add3A_442 = arith.addi %mul3A_440, %add3A_441 : i32
      %get3A = arith.constant 0 : i32
      %get3A_443 = arith.index_cast %get3A : i32 to index
      %get3A_444 = arith.index_cast %add3A_442 : i32 to index
      %get3A_445 = tpu.vector_load %arg8[%get3A_443, %get3A_444] {strides = array<i32>} : memref<2x4096xi32, #tpu.memory_space<vmem>>, vector<16xi32>,
      %add3A_446 = arith.constant 8192 : i32
      %add3A_447 = arith.addi %add3A_446, %add3A_442 : i32
      %get3A_448 = arith.index_cast %add3A_447 : i32 to index
      %get3A_449 = tpu.vector_load %arg7[%get3A_448] {strides = array<i32>} : memref<16384xf32, #tpu.memory_space<vmem>>, vector<16xf32>,
      %gather3A = arith.constant 0 : i32
      %gather3A_450 = arith.constant 0 : i32
      %gather3A_451 = tpu.memref_slice %arg6[%gather3A, %gather3A_450] : memref<1x100000xf32, #tpu.memory_space<vmem>> -> memref<1x100000xf32, #tpu.memory_space<vmem>>
      %gather3A_452 = tpu.memref_squeeze %gather3A_451 : memref<1x100000xf32, #tpu.memory_space<vmem>> -> memref<100000xf32, #tpu.memory_space<vmem>>
      %gather3A_453 = tpu.vector_load_idx %gather3A_452[%get3A_445] : memref<100000xf32, #tpu.memory_space<vmem>>[vector<16xi32>], vector<16xf32>,
      %sub3A = arith.subf %get3A_449, %gather3A_453 : vector<16xf32>
      %mul3A_454 = arith.mulf %sub3A, %sub3A : vector<16xf32>
      %add3A_455 = arith.addf %scan3A_435, %mul3A_454 : vector<16xf32>
      %add3A_456 = arith.constant 16 : i32
      %add3A_457 = arith.addi %mul3A_440, %add3A_456 : i32
      %get3A_458 = arith.constant 0 : i32
      %get3A_459 = arith.index_cast %get3A_458 : i32 to index
      %get3A_460 = arith.index_cast %add3A_457 : i32 to index
      %get3A_461 = tpu.vector_load %arg8[%get3A_459, %get3A_460] {strides = array<i32>} : memref<2x4096xi32, #tpu.memory_space<vmem>>, vector<16xi32>,
      %add3A_462 = arith.constant 8192 : i32
      %add3A_463 = arith.addi %add3A_462, %add3A_457 : i32
      %get3A_464 = arith.index_cast %add3A_463 : i32 to index
      %get3A_465 = tpu.vector_load %arg7[%get3A_464] {strides = array<i32>} : memref<16384xf32, #tpu.memory_space<vmem>>, vector<16xf32>,
      %gather3A_466 = arith.constant 0 : i32
      %gather3A_467 = arith.constant 0 : i32
      %gather3A_468 = tpu.memref_slice %arg6[%gather3A_466, %gather3A_467] : memref<1x100000xf32, #tpu.memory_space<vmem>> -> memref<1x100000xf32, #tpu.memory_space<vmem>>
      %gather3A_469 = tpu.memref_squeeze %gather3A_468 : memref<1x100000xf32, #tpu.memory_space<vmem>> -> memref<100000xf32, #tpu.memory_space<vmem>>
      %gather3A_470 = tpu.vector_load_idx %gather3A_469[%get3A_461] : memref<100000xf32, #tpu.memory_space<vmem>>[vector<16xi32>], vector<16xf32>,
      %sub3A_471 = arith.subf %get3A_465, %gather3A_470 : vector<16xf32>
      %mul3A_472 = arith.mulf %sub3A_471, %sub3A_471 : vector<16xf32>
      %add3A_473 = arith.addf %scan3A_436, %mul3A_472 : vector<16xf32>
      %add3A_474 = arith.constant 32 : i32
      %add3A_475 = arith.addi %mul3A_440, %add3A_474 : i32
      %get3A_476 = arith.constant 0 : i32
      %get3A_477 = arith.index_cast %get3A_476 : i32 to index
      %get3A_478 = arith.index_cast %add3A_475 : i32 to index
      %get3A_479 = tpu.vector_load %arg8[%get3A_477, %get3A_478] {strides = array<i32>} : memref<2x4096xi32, #tpu.memory_space<vmem>>, vector<16xi32>,
      %add3A_480 = arith.constant 8192 : i32
      %add3A_481 = arith.addi %add3A_480, %add3A_475 : i32
      %get3A_482 = arith.index_cast %add3A_481 : i32 to index
      %get3A_483 = tpu.vector_load %arg7[%get3A_482] {strides = array<i32>} : memref<16384xf32, #tpu.memory_space<vmem>>, vector<16xf32>,
      %gather3A_484 = arith.constant 0 : i32
      %gather3A_485 = arith.constant 0 : i32
      %gather3A_486 = tpu.memref_slice %arg6[%gather3A_484, %gather3A_485] : memref<1x100000xf32, #tpu.memory_space<vmem>> -> memref<1x100000xf32, #tpu.memory_space<vmem>>
      %gather3A_487 = tpu.memref_squeeze %gather3A_486 : memref<1x100000xf32, #tpu.memory_space<vmem>> -> memref<100000xf32, #tpu.memory_space<vmem>>
      %gather3A_488 = tpu.vector_load_idx %gather3A_487[%get3A_479] : memref<100000xf32, #tpu.memory_space<vmem>>[vector<16xi32>], vector<16xf32>,
      %sub3A_489 = arith.subf %get3A_483, %gather3A_488 : vector<16xf32>
      %mul3A_490 = arith.mulf %sub3A_489, %sub3A_489 : vector<16xf32>
      %add3A_491 = arith.addf %scan3A_437, %mul3A_490 : vector<16xf32>
      %add3A_492 = arith.constant 48 : i32
      %add3A_493 = arith.addi %mul3A_440, %add3A_492 : i32
      %get3A_494 = arith.constant 0 : i32
      %get3A_495 = arith.index_cast %get3A_494 : i32 to index
      %get3A_496 = arith.index_cast %add3A_493 : i32 to index
      %get3A_497 = tpu.vector_load %arg8[%get3A_495, %get3A_496] {strides = array<i32>} : memref<2x4096xi32, #tpu.memory_space<vmem>>, vector<16xi32>,
      %add3A_498 = arith.constant 8192 : i32
      %add3A_499 = arith.addi %add3A_498, %add3A_493 : i32
      %get3A_500 = arith.index_cast %add3A_499 : i32 to index
      %get3A_501 = tpu.vector_load %arg7[%get3A_500] {strides = array<i32>} : memref<16384xf32, #tpu.memory_space<vmem>>, vector<16xf32>,
      %gather3A_502 = arith.constant 0 : i32
      %gather3A_503 = arith.constant 0 : i32
      %gather3A_504 = tpu.memref_slice %arg6[%gather3A_502, %gather3A_503] : memref<1x100000xf32, #tpu.memory_space<vmem>> -> memref<1x100000xf32, #tpu.memory_space<vmem>>
      %gather3A_505 = tpu.memref_squeeze %gather3A_504 : memref<1x100000xf32, #tpu.memory_space<vmem>> -> memref<100000xf32, #tpu.memory_space<vmem>>
      %gather3A_506 = tpu.vector_load_idx %gather3A_505[%get3A_497] : memref<100000xf32, #tpu.memory_space<vmem>>[vector<16xi32>], vector<16xf32>,
      %sub3A_507 = arith.subf %get3A_501, %gather3A_506 : vector<16xf32>
      %mul3A_508 = arith.mulf %sub3A_507, %sub3A_507 : vector<16xf32>
      %add3A_509 = arith.addf %scan3A_438, %mul3A_508 : vector<16xf32>
      scf.yield %add3A_455, %add3A_473, %add3A_491, %add3A_509 : vector<16xf32>, vector<16xf32>, vector<16xf32>, vector<16xf32>
    }
    %scan3A_409 = arith.constant 64 : i32
    %dma_wait3A_410 = arith.constant 1 : i32
    %dma_wait3A_411 = arith.constant 0 : i32
    %dma_wait3A_412 = tpu.memref_slice %arg8[%dma_wait3A_410, %dma_wait3A_411] : memref<2x4096xi32, #tpu.memory_space<vmem>> -> memref<1x4096xi32, #tpu.memory_space<vmem>>
    %dma_wait3A_413 = tpu.memref_squeeze %dma_wait3A_412 : memref<1x4096xi32, #tpu.memory_space<vmem>> -> memref<4096xi32, #tpu.memory_space<vmem>>
    %dma_wait3A_414 = arith.constant 12288 : i32
    %dma_wait3A_415 = tpu.memref_slice %arg10[%dma_wait3A_414] : memref<16384xi32, #tpu.memory_space<vmem_shared>> -> memref<4096xi32, #tpu.memory_space<vmem_shared>>
    %dma_wait3A_416 = arith.constant 0 : i32
    %dma_wait3A_417 = tpu.memref_slice %arg8[%dma_wait3A_410, %dma_wait3A_416] : memref<2x4096xi32, #tpu.memory_space<vmem>> -> memref<1x4096xi32, #tpu.memory_space<vmem>>
    %dma_wait3A_418 = tpu.memref_squeeze %dma_wait3A_417 : memref<1x4096xi32, #tpu.memory_space<vmem>> -> memref<4096xi32, #tpu.memory_space<vmem>>
    %dma_wait3A_419 = arith.constant 12288 : i32
    %dma_wait3A_420 = tpu.memref_slice %arg10[%dma_wait3A_419] : memref<16384xi32, #tpu.memory_space<vmem_shared>> -> memref<4096xi32, #tpu.memory_space<vmem_shared>>
    tpu.wait_dma2 semaphore(%arg16 : memref<!tpu.dma_semaphore, #tpu.memory_space<semaphore_mem>>) src(%dma_wait3A_420 : memref<4096xi32, #tpu.memory_space<vmem_shared>>) dst(%dma_wait3A_418 : memref<4096xi32, #tpu.memory_space<vmem>>)
    %scan3A_421 = arith.constant 0 : i32
    %scan3A_422 = arith.constant 64 : i32
    %scan3A_423 = arith.addi %scan3A_421, %scan3A_422 : i32
    %scan3A_424 = arith.constant 1 : i32
    %scan3A_425:4 = scf.for %scan3A_434 = %scan3A_421 to %scan3A_423 step %scan3A_424 iter_args(%scan3A_435 = %scan3A_408#0, %scan3A_436 = %scan3A_408#1, %scan3A_437 = %scan3A_408#2, %scan3A_438 = %scan3A_408#3) -> (vector<16xf32>, vector<16xf32>, vector<16xf32>, vector<16xf32>)  : i32 {
      %mul3A_439 = arith.constant 64 : i32
      %mul3A_440 = arith.muli %scan3A_434, %mul3A_439 : i32
      %add3A_441 = arith.constant 0 : i32
      %add3A_442 = arith.addi %mul3A_440, %add3A_441 : i32
      %get3A = arith.constant 1 : i32
      %get3A_443 = arith.index_cast %get3A : i32 to index
      %get3A_444 = arith.index_cast %add3A_442 : i32 to index
      %get3A_445 = tpu.vector_load %arg8[%get3A_443, %get3A_444] {strides = array<i32>} : memref<2x4096xi32, #tpu.memory_space<vmem>>, vector<16xi32>,
      %add3A_446 = arith.constant 12288 : i32
      %add3A_447 = arith.addi %add3A_446, %add3A_442 : i32
      %get3A_448 = arith.index_cast %add3A_447 : i32 to index
      %get3A_449 = tpu.vector_load %arg7[%get3A_448] {strides = array<i32>} : memref<16384xf32, #tpu.memory_space<vmem>>, vector<16xf32>,
      %gather3A = arith.constant 0 : i32
      %gather3A_450 = arith.constant 0 : i32
      %gather3A_451 = tpu.memref_slice %arg6[%gather3A, %gather3A_450] : memref<1x100000xf32, #tpu.memory_space<vmem>> -> memref<1x100000xf32, #tpu.memory_space<vmem>>
      %gather3A_452 = tpu.memref_squeeze %gather3A_451 : memref<1x100000xf32, #tpu.memory_space<vmem>> -> memref<100000xf32, #tpu.memory_space<vmem>>
      %gather3A_453 = tpu.vector_load_idx %gather3A_452[%get3A_445] : memref<100000xf32, #tpu.memory_space<vmem>>[vector<16xi32>], vector<16xf32>,
      %sub3A = arith.subf %get3A_449, %gather3A_453 : vector<16xf32>
      %mul3A_454 = arith.mulf %sub3A, %sub3A : vector<16xf32>
      %add3A_455 = arith.addf %scan3A_435, %mul3A_454 : vector<16xf32>
      %add3A_456 = arith.constant 16 : i32
      %add3A_457 = arith.addi %mul3A_440, %add3A_456 : i32
      %get3A_458 = arith.constant 1 : i32
      %get3A_459 = arith.index_cast %get3A_458 : i32 to index
      %get3A_460 = arith.index_cast %add3A_457 : i32 to index
      %get3A_461 = tpu.vector_load %arg8[%get3A_459, %get3A_460] {strides = array<i32>} : memref<2x4096xi32, #tpu.memory_space<vmem>>, vector<16xi32>,
      %add3A_462 = arith.constant 12288 : i32
      %add3A_463 = arith.addi %add3A_462, %add3A_457 : i32
      %get3A_464 = arith.index_cast %add3A_463 : i32 to index
      %get3A_465 = tpu.vector_load %arg7[%get3A_464] {strides = array<i32>} : memref<16384xf32, #tpu.memory_space<vmem>>, vector<16xf32>,
      %gather3A_466 = arith.constant 0 : i32
      %gather3A_467 = arith.constant 0 : i32
      %gather3A_468 = tpu.memref_slice %arg6[%gather3A_466, %gather3A_467] : memref<1x100000xf32, #tpu.memory_space<vmem>> -> memref<1x100000xf32, #tpu.memory_space<vmem>>
      %gather3A_469 = tpu.memref_squeeze %gather3A_468 : memref<1x100000xf32, #tpu.memory_space<vmem>> -> memref<100000xf32, #tpu.memory_space<vmem>>
      %gather3A_470 = tpu.vector_load_idx %gather3A_469[%get3A_461] : memref<100000xf32, #tpu.memory_space<vmem>>[vector<16xi32>], vector<16xf32>,
      %sub3A_471 = arith.subf %get3A_465, %gather3A_470 : vector<16xf32>
      %mul3A_472 = arith.mulf %sub3A_471, %sub3A_471 : vector<16xf32>
      %add3A_473 = arith.addf %scan3A_436, %mul3A_472 : vector<16xf32>
      %add3A_474 = arith.constant 32 : i32
      %add3A_475 = arith.addi %mul3A_440, %add3A_474 : i32
      %get3A_476 = arith.constant 1 : i32
      %get3A_477 = arith.index_cast %get3A_476 : i32 to index
      %get3A_478 = arith.index_cast %add3A_475 : i32 to index
      %get3A_479 = tpu.vector_load %arg8[%get3A_477, %get3A_478] {strides = array<i32>} : memref<2x4096xi32, #tpu.memory_space<vmem>>, vector<16xi32>,
      %add3A_480 = arith.constant 12288 : i32
      %add3A_481 = arith.addi %add3A_480, %add3A_475 : i32
      %get3A_482 = arith.index_cast %add3A_481 : i32 to index
      %get3A_483 = tpu.vector_load %arg7[%get3A_482] {strides = array<i32>} : memref<16384xf32, #tpu.memory_space<vmem>>, vector<16xf32>,
      %gather3A_484 = arith.constant 0 : i32
      %gather3A_485 = arith.constant 0 : i32
      %gather3A_486 = tpu.memref_slice %arg6[%gather3A_484, %gather3A_485] : memref<1x100000xf32, #tpu.memory_space<vmem>> -> memref<1x100000xf32, #tpu.memory_space<vmem>>
      %gather3A_487 = tpu.memref_squeeze %gather3A_486 : memref<1x100000xf32, #tpu.memory_space<vmem>> -> memref<100000xf32, #tpu.memory_space<vmem>>
      %gather3A_488 = tpu.vector_load_idx %gather3A_487[%get3A_479] : memref<100000xf32, #tpu.memory_space<vmem>>[vector<16xi32>], vector<16xf32>,
      %sub3A_489 = arith.subf %get3A_483, %gather3A_488 : vector<16xf32>
      %mul3A_490 = arith.mulf %sub3A_489, %sub3A_489 : vector<16xf32>
      %add3A_491 = arith.addf %scan3A_437, %mul3A_490 : vector<16xf32>
      %add3A_492 = arith.constant 48 : i32
      %add3A_493 = arith.addi %mul3A_440, %add3A_492 : i32
      %get3A_494 = arith.constant 1 : i32
      %get3A_495 = arith.index_cast %get3A_494 : i32 to index
      %get3A_496 = arith.index_cast %add3A_493 : i32 to index
      %get3A_497 = tpu.vector_load %arg8[%get3A_495, %get3A_496] {strides = array<i32>} : memref<2x4096xi32, #tpu.memory_space<vmem>>, vector<16xi32>,
      %add3A_498 = arith.constant 12288 : i32
      %add3A_499 = arith.addi %add3A_498, %add3A_493 : i32
      %get3A_500 = arith.index_cast %add3A_499 : i32 to index
      %get3A_501 = tpu.vector_load %arg7[%get3A_500] {strides = array<i32>} : memref<16384xf32, #tpu.memory_space<vmem>>, vector<16xf32>,
      %gather3A_502 = arith.constant 0 : i32
      %gather3A_503 = arith.constant 0 : i32
      %gather3A_504 = tpu.memref_slice %arg6[%gather3A_502, %gather3A_503] : memref<1x100000xf32, #tpu.memory_space<vmem>> -> memref<1x100000xf32, #tpu.memory_space<vmem>>
      %gather3A_505 = tpu.memref_squeeze %gather3A_504 : memref<1x100000xf32, #tpu.memory_space<vmem>> -> memref<100000xf32, #tpu.memory_space<vmem>>
      %gather3A_506 = tpu.vector_load_idx %gather3A_505[%get3A_497] : memref<100000xf32, #tpu.memory_space<vmem>>[vector<16xi32>], vector<16xf32>,
      %sub3A_507 = arith.subf %get3A_501, %gather3A_506 : vector<16xf32>
      %mul3A_508 = arith.mulf %sub3A_507, %sub3A_507 : vector<16xf32>
      %add3A_509 = arith.addf %scan3A_438, %mul3A_508 : vector<16xf32>
      scf.yield %add3A_455, %add3A_473, %add3A_491, %add3A_509 : vector<16xf32>, vector<16xf32>, vector<16xf32>, vector<16xf32>
    }
    %scan3A_426 = arith.constant 64 : i32
    %add3A_427 = arith.addf %scan3A_425#0, %scan3A_425#1 : vector<16xf32>
    %add3A_428 = arith.addf %scan3A_425#2, %scan3A_425#3 : vector<16xf32>
    %add3A_429 = arith.addf %add3A_427, %add3A_428 : vector<16xf32>
    %mul3A_430 = arith.constant 3.05175781E-5 : f32
    %mul3A_431 = vector.broadcast %mul3A_430 : f32 to vector<16xf32>
    %mul3A_432 = arith.mulf %add3A_429, %mul3A_431 : vector<16xf32>
    %swap3A = arith.constant 0 : index
    %swap3A_433 = tpu.vector_load %arg9[%swap3A] {strides = array<i32>} : memref<16xf32, #tpu.memory_space<vmem>>, vector<16xf32>,
    tpu.vector_store %arg9[%swap3A], %mul3A_432 {strides = array<i32>} : memref<16xf32, #tpu.memory_space<vmem>>, vector<16xf32>,
    "tpu.region"() ({
      %run_scoped3A = tpu.sem_alloc : memref<!tpu.dma_semaphore, #tpu.memory_space<semaphore_mem>>
      %dma_start3A_434 = arith.constant 0 : i32
      %dma_start3A_435 = tpu.memref_slice %arg5[%add3A, %dma_start3A_434] : memref<32x16xf32, #tpu.memory_space<hbm>> -> memref<1x16xf32, #tpu.memory_space<hbm>>
      %dma_start3A_436 = tpu.memref_squeeze %dma_start3A_435 : memref<1x16xf32, #tpu.memory_space<hbm>> -> memref<16xf32, #tpu.memory_space<hbm>>
      %dma_start3A_437 = arith.constant 0 : i32
      %dma_start3A_438 = tpu.memref_slice %arg5[%add3A, %dma_start3A_437] : memref<32x16xf32, #tpu.memory_space<hbm>> -> memref<1x16xf32, #tpu.memory_space<hbm>>
      %dma_start3A_439 = tpu.memref_squeeze %dma_start3A_438 : memref<1x16xf32, #tpu.memory_space<hbm>> -> memref<16xf32, #tpu.memory_space<hbm>>
      tpu.enqueue_dma source(%arg9 : memref<16xf32, #tpu.memory_space<vmem>>) target(%dma_start3A_439 : memref<16xf32, #tpu.memory_space<hbm>>) target_semaphore(%run_scoped3A : memref<!tpu.dma_semaphore, #tpu.memory_space<semaphore_mem>>)
      %dma_wait3A_440 = arith.constant 0 : i32
      %dma_wait3A_441 = tpu.memref_slice %arg5[%add3A, %dma_wait3A_440] : memref<32x16xf32, #tpu.memory_space<hbm>> -> memref<1x16xf32, #tpu.memory_space<hbm>>
      %dma_wait3A_442 = tpu.memref_squeeze %dma_wait3A_441 : memref<1x16xf32, #tpu.memory_space<hbm>> -> memref<16xf32, #tpu.memory_space<hbm>>
      %dma_wait3A_443 = arith.constant 0 : i32
      %dma_wait3A_444 = tpu.memref_slice %arg5[%add3A, %dma_wait3A_443] : memref<32x16xf32, #tpu.memory_space<hbm>> -> memref<1x16xf32, #tpu.memory_space<hbm>>
      %dma_wait3A_445 = tpu.memref_squeeze %dma_wait3A_444 : memref<1x16xf32, #tpu.memory_space<hbm>> -> memref<16xf32, #tpu.memory_space<hbm>>
      tpu.wait_dma2 semaphore(%run_scoped3A : memref<!tpu.dma_semaphore, #tpu.memory_space<semaphore_mem>>) src(%arg9 : memref<16xf32, #tpu.memory_space<vmem>>) dst(%dma_wait3A_445 : memref<16xf32, #tpu.memory_space<hbm>>)
      tpu.yield
    }) : () -> ()
    return
  }
}

</mosaic_0001>

<sc_bundles>
// kernel: kernel.3.cloned.1.call-start
scs
__scs_entry_jumppad:
0x0: {  	(pc) =	sbr.rel $0x88, $3  }
0x1: {  	(tag) =	ssettag $0x0;
	lr =	simm.s32 $0x1  }
0x2: {  	[smem:$0x3F9E] =	sst lr;
	_ =	strace $0xD0000000  }
0x3: {  	_ = 	snop  }
0x4: {  	_ = 	snop  }
0x5: {  	_ = 	snop  }
0x6: {  	_ = 	snop  }
0x7: {  	_ = 	snop  }
__scs_overlays_trampoline_lowered:
0x8: {  	[smem:$0x3FAD] =	sst s0  }
0x9: {  	[smem:$0x3FAE] =	sst s1  }
0xa: {  	[smem:$0x3FAF] =	sst s2  }
0xb: {  	[smem:$0x3FB0] =	sst s3  }
0xc: {  	[smem:$0x3FB1] =	sst s4  }
0xd: {  	[smem:$0x3FB2] =	sst s5  }
0xe: {  	[smem:$0x3FB3] =	sst s6  }
0xf: {  	[smem:$0x3FB4] =	sst s7  }
0x10: {  	[smem:$0x3FB5] =	sst s8  }
0x11: {  	[smem:$0x3FB6] =	sst s9;
	s0 =	simm.s32 @!p0 $0x0  }
0x12: {  	s1 =	sld [smem:$0x3F9C];
	s0 =	simm.s32 @p0 $0x1  }
0x13: {  	[smem:$0x3FB7] =	sst s0;
	s0 =	simm.s32 @!p1 $0x0  }
0x14: {  	s2 =	sld [smem:$0x3F9B];
	s0 =	simm.s32 @p1 $0x1  }
0x15: {  	[smem:$0x3FB8] =	sst s0;
	s0 =	simm.s32 @!p2 $0x0  }
0x16: {  	s3 =	sld [smem:$0x3FDB];
	s0 =	simm.s32 @p2 $0x1  }
0x17: {  	s4 =	simm.s32 $0x1BF5;
	[smem:$0x3FBA] =	sst s0  }
0x18: {  	s0 =	sld [smem:$0x3F9D];
	_ =	swait.ge [sflag:s4], $0x0  }
0x19: {  	s7 =	sld [smem:$0x3F9E]  }
0x1a: {  	s8 =	sadd.s32 $0xFFFFE003, lr  }
0x1b: {  	s9 =	sadd.s32 $0xFFFFFEF7, lr;
	s5 =	simm.s32 $0xFFFFFFFF;
	p2 =	slt.u32 s8, $0xFFFFF086  }
0x1c: {  	p1 =	slt.u32 s9, $0xF7A;
	s5 =	simm.s32 @!p2 $0x0  }
0x1d: {  	s5 =	simm.s32 @p1 $0x1;
	p0 =	seq.s32 s7, s2  }
0x1e: {  	s7 =	smul.u32 @!p0 $0xF7A, s2;
	p2 =	seq.s32 @!p0 s5, $0x0  }
0x1f: {  	s9 =	smul.u32 $0xF7A, s1;
	s8 =	simm.s32 @!p0 $0x1BF5;
	p2 =	por !p2, p0  }
0x20: {  	[sflag:s8] =	ssyncset.s32 @!p0 $0xFFFFF086;
	s6 =	sadd.s32 @!p0 s3, s7;
	s7 =	simm.s32 @!p0 $0x108  }
0x21: {  	s3 =	sadd.s32 s3, s9;
	s6 =	sadd.s32 @!p0 $0x88, s6;
	s7 =	simm.s32 @p2 $0x1082  }
0x22: {  	[simem:s7], [sflag:s8] =	dma.local @!p0 [hbm:s6], $0xF7A  }
0x23: {  	s9 =	sor.u32 $0xD0000000, s2;
	s6 =	simm.s32 $0x108;
	_ =	swait.ge @!p0 [sflag:s8], $0x0  }
0x24: {  	s3 =	sadd.s32 $0x88, s3;
	s6 =	simm.s32 @!p1 $0x1082;
	[sflag:s4] =	ssyncset.s32 $0xFFFFF086  }
0x25: {  	[simem:s6], [sflag:s4] =	dma.local [hbm:s3], $0xF7A  }
0x26: {  	[smem:$0x3F9E] =	sst s1;
	(tag) =	ssettag s2;
	_ =	strace s9  }
0x27: {  	s1 =	sld [smem:$0x3FAE]  }
0x28: {  	s2 =	sld [smem:$0x3FAF]  }
0x29: {  	s4 =	sld [smem:$0x3FB1]  }
0x2a: {  	p0 =	seq.s32 s5, $0x0;
	s5 =	sld [smem:$0x3FB2]  }
0x2b: {  	s6 =	sld [smem:$0x3FB3]  }
0x2c: {  	s7 =	sld [smem:$0x3FB4]  }
0x2d: {  	s3 =	simm.s32 $0x108;
	s8 =	sld [smem:$0x3FB5]  }
0x2e: {  	s3 =	simm.s32 @!p0 $0x1082;
	s9 =	sld [smem:$0x3FB6]  }
0x2f: {  	lr =	sadd.s32 s0, s3;
	s0 =	sld [smem:$0x3FAD]  }
0x30: {  	s3 =	sld [smem:$0x3FB0]  }
0x31: {  	[smem:$0x3FB9] =	sst s10  }
0x32: {  	s10 =	sld [smem:$0x3FB7];
	_ =	sdelay $0x3  }
0x33: {  	p0 =	seq.s32 s10, $0x1;
	s10 =	sld [smem:$0x3FB9];
	_ =	sdelay $0x3  }
0x34: {  	[smem:$0x3FB9] =	sst s10  }
0x35: {  	s10 =	sld [smem:$0x3FB8];
	_ =	sdelay $0x3  }
0x36: {  	p1 =	seq.s32 s10, $0x1;
	s10 =	sld [smem:$0x3FB9];
	_ =	sdelay $0x3  }
0x37: {  	[smem:$0x3FB9] =	sst s10  }
0x38: {  	s10 =	sld [smem:$0x3FBA]  }
0x39: {  	_ = 	snop;
	(pc) =	sbr.ind lr, $3  }
0x3a: {  	_ = 	snop  }
0x3b: {  	_ = 	snop  }
0x3c: {  	p2 =	seq.s32 s10, $0x1;
	s10 =	sld [smem:$0x3FB9]  }
0x3d: {  	_ =	shalt  }
0x3e: {  	_ =	shalt  }
0x3f: {  	_ =	shalt  }
0x40: {  	_ =	shalt  }
0x41: {  	_ =	shalt  }
0x42: {  	_ =	shalt  }
0x43: {  	_ =	shalt  }
0x44: {  	_ =	shalt  }
0x45: {  	_ =	shalt  }
0x46: {  	_ =	shalt  }
0x47: {  	_ =	shalt  }
0x48: {  	_ =	shalt  }
0x49: {  	_ =	shalt  }
0x4a: {  	_ =	shalt  }
0x4b: {  	_ =	shalt  }
0x4c: {  	_ =	shalt  }
0x4d: {  	_ =	shalt  }
0x4e: {  	_ =	shalt  }
0x4f: {  	_ =	shalt  }
0x50: {  	_ =	shalt  }
0x51: {  	_ =	shalt  }
0x52: {  	_ =	shalt  }
0x53: {  	_ =	shalt  }
0x54: {  	_ =	shalt  }
0x55: {  	_ =	shalt  }
0x56: {  	_ =	shalt  }
0x57: {  	_ =	shalt  }
0x58: {  	_ =	shalt  }
0x59: {  	_ =	shalt  }
0x5a: {  	_ =	shalt  }
0x5b: {  	_ =	shalt  }
0x5c: {  	_ =	shalt  }
0x5d: {  	_ =	shalt  }
0x5e: {  	_ =	shalt  }
0x5f: {  	_ =	shalt  }
0x60: {  	_ =	shalt  }
0x61: {  	_ =	shalt  }
0x62: {  	_ =	shalt  }
0x63: {  	_ =	shalt  }
0x64: {  	_ =	shalt  }
0x65: {  	_ =	shalt  }
0x66: {  	_ =	shalt  }
0x67: {  	_ =	shalt  }
0x68: {  	_ =	shalt  }
0x69: {  	_ =	shalt  }
0x6a: {  	_ =	shalt  }
0x6b: {  	_ =	shalt  }
0x6c: {  	_ =	shalt  }
0x6d: {  	_ =	shalt  }
0x6e: {  	_ =	shalt  }
0x6f: {  	_ =	shalt  }
0x70: {  	_ =	shalt  }
0x71: {  	_ =	shalt  }
0x72: {  	_ =	shalt  }
0x73: {  	_ =	shalt  }
0x74: {  	_ =	shalt  }
0x75: {  	_ =	shalt  }
0x76: {  	_ =	shalt  }
0x77: {  	_ =	shalt  }
0x78: {  	_ =	shalt  }
0x79: {  	_ =	shalt  }
0x7a: {  	_ =	shalt  }
0x7b: {  	_ =	shalt  }
0x7c: {  	_ =	shalt  }
0x7d: {  	_ =	shalt  }
0x7e: {  	_ =	shalt  }
0x7f: {  	_ =	shalt  }
0x80: {  	_ =	shalt  }
0x81: {  	_ =	shalt  }
0x82: {  	_ =	shalt  }
0x83: {  	_ =	shalt  }
0x84: {  	_ =	shalt  }
0x85: {  	_ =	shalt  }
0x86: {  	_ =	shalt  }
0x87: {  	_ =	shalt  }
.Lfunc_end0:
.L_simem_size_0:
called_computation_lowered:
.L_overlay_start_0:
0x88: {  	s2 =	sld [smem:$0x3FD9]  }
0x89: {  	s3 =	sld [smem:$0x3FFE];
	_ =	sdelay $0x1  }
0x8a: {  	s1 =	srdreg.scid  }
0x8b: {  	s0 =	sand.u32 $0x1, s1  }
0x8c: {  	s17 =	sshll.u32 s0, $0xA;
	s2 =	sadd.s32 s3, s2  }
0x8d: {  	s2 =	sadd.s32 s2, s17  }
0x8e: {  	[smem:$0x3FC5] =	sst s2  }
0x8f: {  	_ = 	snop  }
0x90: {  	s2 =	sld [smem:$0x3FC9]  }
0x91: {  	s18 =	sld [smem:$0x3FC8]  }
0x92: {  	s4 =	sld [smem:$0x3FC7];
	(tm) =	ssettm $0x1  }
0x93: {  	s5 =	sld [smem:$0x3FFB];
	_ =	sdelay $0x3  }
0x94: {  	_ =	strace s5  }
0x95: {  	s5 =	sld [smem:$0x3FFC];
	_ =	sdelay $0x3  }
0x96: {  	_ =	strace s5  }
0x97: {  	s5 =	sld [smem:$0x3FFD];
	_ =	sdelay $0x3  }
0x98: {  	_ =	strace s5  }
0x99: {  	_ =	strace $0x8FFFFFFF  }
0x9a: {  	s19 =	sld [smem:$0x3FDB];
	_ =	sdelay $0x1  }
0x9b: {  	s6 =	simm.s32 $_scs_section_size  }
0x9c: {  	s7 =	simm.s32 $_size__tile_overlayer_lowered;
	s8 =	simm.s32 $_tile_overlayer_lowered  }
0x9d: {  	s22 =	simm.s32 $0x1BFF;
	s21 =	sshll.u32 s8, $0x1;
	s5 =	sadd.s32 s6, s19  }
0x9e: {  	s9 =	simm.s32 $0x0;
	s20 =	sshll.u32 s7, $0x1;
	s7 =	sadd.s32 s21, s5  }
0x9f: {  	[timem:s9], [sflag:s22] =	dma.local [hbm:s7], s20  }
0xa0: {  	_ =	swait.ge [sflag:s22], s20  }
0xa1: {  	s6 =	ssub.s32 $0x0, s20;
	[sflag:s22] =	ssyncset.done $0x0  }
0xa2: {  	[sflag:s22] =	ssyncadd.s32 s6;
	_ =	sdelay $0x1  }
0xa3: {  	s23 =	simm.s32 $0x1B8B  }
0xa4: {  	_ =	swait.ge [sflag:s23], $0x1  }
0xa5: {  	[sflag:s23] =	ssyncset.done $0x0  }
0xa6: {  	s25 =	simm.s32 $0x1B8E;
	s24 =	sld [smem:$0x3FFE];
	[sflag:s23] =	ssyncadd.s32 $0xFFFFFFFF  }
0xa7: {  	s26 =	simm.s32 $execute0_lowered;
	[smem:$0x3FD2] =	sst s25  }
0xa8: {  	s7 =	sshll.u32 s26, $0x1;
	_ =	strace $0x80000046;
	[dreg:$0x1] =	wrdreg $0xFFFFFFFF  }
0xa9: {  	s28 =	simm.s32 $_size_execute0_lowered;
	s5 =	sadd.s32 s5, s7;
	[dreg:$0x0] =	wrdreg $0x0  }
0xaa: {  	s7 =	sshll.u32 s28, $0x1;
	[dreg:$0x2] =	wrdreg s5  }
0xab: {  	[dreg:$0x3] =	wrdreg s7  }
0xac: {  	[dreg:$0x4] =	wrdreg $0xC0  }
0xad: {  	_ =	task [dreg:s9], $0x5FFFF  }
0xae: {  	[dreg:$0x1] =	wrdreg $0xFFFFFFFF  }
0xaf: {  	[dreg:$0x0] =	wrdreg $0x60  }
0xb0: {  	[dreg:$0x2] =	wrdreg s2  }
0xb1: {  	[dreg:$0x3] =	wrdreg s18  }
0xb2: {  	[dreg:$0x4] =	wrdreg s4  }
0xb3: {  	[dreg:$0x5] =	wrdreg s24  }
0xb4: {  	[dreg:$0x6] =	wrdreg $0x1E7800  }
0xb5: {  	[dreg:$0x7] =	wrdreg $0x9  }
0xb6: {  	_ =	task.clear_ibuf [dreg:s9], $0x8FFFF;
	_ =	strace $0x90000046  }
0xb7: {  	s29 =	simm.s32 $0x9;
	_ =	strace $0x80000048  }
0xb8: {  	_ =	swait.ge [sflag:s29], $0x1  }
0xb9: {  	[sflag:s29] =	ssyncadd.s32 $0xFFFFFFFF  }
0xba: {  	_ =	strace $0x90000048  }
0xbb: {  	_ =	sfence  }
0xbc: {  	s30 =	sld [smem:$0x0];
	_ =	sdelay $0x2  }
0xbd: {  	s31 =	sshll.u32 s1, $0xD;
	s1 =	sshrl.u32 s1, $0x2  }
0xbe: {  	s3 =	sand.u32 $0x4000, s31;
	s1 =	sadd.s32 s1, s30  }
0xbf: {  	s0 =	sor.u32 s3, s0;
	s1 =	sshll.u32 s1, $0x11  }
0xc0: {  	s0 =	sor.u32 s1, s0  }
0xc1: {  	s0 =	sadd.s32 $0x8F2B, s0  }
0xc2: {  	[sflag:s0] =	ssyncadd.remote.s32 $0x1  }
0xc3: {  	_ =	sfence.sel $0xFFFF  }
0xc4: {  	[dreg:$0x0] =	wrdreg $0xFFFFFFFF;
	(pc) =	sbr.abs _section_cstart, $3  }
0xc5: {  	[dreg:$0x1] =	wrdreg $0xFFFFFFFF  }
0xc6: {  	_ =	task.clear_ibuf [dreg:s9], $0x2FFFF;
	_ =	strace $0x9FFFFFFF  }
0xc7: {  	(tm) =	ssettm $0x7FFFFFFF  }
tec
execute0_lowered:
.L_overlay_start_1:
0x0: {  	(tag) =	ssettag $0x1  }
0x1: {  	s0 =	rddreg [dreg:$0x0]  }
0x2: {  	s4 =	rddreg [dreg:$0x1]  }
0x3: {  	s5 =	rddreg [dreg:$0x2]  }
0x4: {  	s3 =	rddreg [dreg:$0x3]  }
0x5: {  	s1 =	rddreg [dreg:$0x4];
	s2 =	simm.s32 $0x0;
	s6 =	srdreg.scid  }
0x6: {  	s14 =	stileid.u32;
	[smem:$0x7FF] =	sst s2  }
0x7: {  	s6 =	sand.u32 $0x1, s6;
	s9 =	sshll.u32 s14, $0x1;
	s10 =	sshrl.u32 s14, $0x1  }
0x8: {  	s23 =	sshll.u32 s14, $0xA;
	s12 =	sshll.u32 s14, $0x7;
	s21 =	sadd.s32 $0x1000, s1  }
0x9: {  	s22 =	sadd.s32 $0x2000, s1;
	_ =	strace $0x80000047;
	[dreg:$0xd] =	wrdreg s21  }
0xa: {  	s14 =	sshll.u32 s14, $0x6;
	s4 =	sadd.s32 s4, s12;
	[dreg:$0xe] =	wrdreg s22  }
0xb: {  	s7 =	ssub.s32 $0x2, s6;
	s14 =	sor.u32 $0x1C07, s14;
	[dreg:$0x6] =	wrdreg s4  }
0xc: {  	s6 =	sor.u32 s6, s9;
	s21 =	sadd.s32 $0x900, s1;
	[dreg:$0x7] =	wrdreg s14  }
0xd: {  	s11 =	smul.u32 $0xC3800, s10;
	s22 =	sadd.s32 $0x980, s1;
	[smem:$0x793] =	sst s21  }
0xe: {  	s8 =	sshrl.u32 s7, $0x1;
	[smem:$0x794] =	sst s22;
	s21 =	sadd.s32 $0x1600, s1  }
0xf: {  	s22 =	sadd.s32 $0x1680, s1;
	s7 =	ssub.s32 s7, s8;
	[smem:$0x7AC] =	sst s21  }
0x10: {  	s8 =	sadd.s32 s23, s1;
	s23 =	sadd.s32 $0x3000, s1;
	[smem:$0x7AD] =	sst s22  }
0x11: {  	s24 =	sshll.u32 s6, $0x8;
	s21 =	sadd.s32 $0x2300, s1;
	[dreg:$0xf] =	wrdreg s23  }
0x12: {  	s6 =	sshll.u32 s6, $0x4;
	s22 =	sadd.s32 $0x2380, s1;
	[smem:$0x7C5] =	sst s21  }
0x13: {  	s9 =	sand.u32 $0x300, s24;
	s23 =	sadd.s32 $0xA00, s1;
	[smem:$0x7C6] =	sst s22  }
0x14: {  	s13 =	sadd.s32 $0x31000, s11;
	s21 =	sadd.s32 $0x2F80, s1;
	[smem:$0x795] =	sst s23  }
0x15: {  	s26 =	sor.u32 s13, s9;
	s22 =	sadd.s32 $0x3080, s1;
	[smem:$0x7DE] =	sst s21  }
0x16: {  	s12 =	sshrl.u32 s26, $0x3;
	s26 =	sadd.s32 s3, s6;
	[smem:$0x7DF] =	sst s22  }
0x17: {  	s10 =	sshll.u32 s10, $0x11;
	s3 =	sadd.s32 $0x80, s1;
	[dreg:$0x15] =	wrdreg s26  }
0x18: {  	s17 =	sadd.s32 $0x93000, s11;
	s6 =	sadd.s32 $0x200, s1;
	[dreg:$0x17] =	wrdreg s3  }
0x19: {  	s25 =	sor.u32 s11, s9;
	s23 =	sadd.s32 $0x1700, s1;
	[dreg:$0x1a] =	wrdreg s6  }
0x1a: {  	s15 =	sor.u32 s17, s9;
	s21 =	sadd.s32 $0x3C80, s1;
	[smem:$0x7AE] =	sst s23  }
0x1b: {  	s4 =	sshrl.u32 s25, $0x3;
	s22 =	sadd.s32 $0x3D00, s1;
	[smem:$0x7F7] =	sst s21  }
0x1c: {  	s16 =	sor.u32 s10, s9;
	s4 =	sadd.s32 s5, s4;
	[smem:$0x7F8] =	sst s22  }
0x1d: {  	s15 =	sshrl.u32 s15, $0x3;
	s29 =	sadd.s32 s5, s12;
	[dreg:$0x8] =	wrdreg s4  }
0x1e: {  	s16 =	sshrl.u32 s16, $0x3;
	s19 =	sadd.s32 s5, s15;
	[dreg:$0x9] =	wrdreg s29  }
0x1f: {  	s20 =	sadd.s32 s0, s16;
	[dreg:$0xb] =	wrdreg s19  }
0x20: {  	s15 =	sadd.s32 $0x600, s1;
	[dreg:$0xc] =	wrdreg s20  }
0x21: {  	s16 =	sadd.s32 $0x680, s1;
	[smem:$0x78D] =	sst s15  }
0x22: {  	s26 =	sadd.s32 $0xB80, s1;
	[smem:$0x78E] =	sst s16  }
0x23: {  	s3 =	sadd.s32 $0xC80, s1;
	[smem:$0x798] =	sst s26  }
0x24: {  	s6 =	sadd.s32 $0xE00, s1;
	[smem:$0x79A] =	sst s3  }
0x25: {  	s23 =	sadd.s32 $0x2400, s1;
	[smem:$0x79D] =	sst s6  }
0x26: {  	s29 =	smax.u32 s7, $0x1;
	[smem:$0x7C7] =	sst s23  }
0x27: {  	s7 =	sshrl.u32 s8, $0x3;
	[dreg:$0x16] =	wrdreg s29  }
0x28: {  	s8 =	sadd.s32 $0x280, s1;
	[dreg:$0x1b] =	wrdreg s7  }
0x29: {  	s19 =	sadd.s32 $0x800, s1;
	[dreg:$0x1c] =	wrdreg s8  }
0x2a: {  	s12 =	sadd.s32 $0x62000, s11;
	s20 =	sadd.s32 $0x880, s1;
	[smem:$0x791] =	sst s19  }
0x2b: {  	s18 =	sor.u32 s12, s9;
	s15 =	sadd.s32 $0x1300, s1;
	[smem:$0x792] =	sst s20  }
0x2c: {  	s9 =	sor.u32 $0x80, s9;
	s16 =	sadd.s32 $0x1380, s1;
	[smem:$0x7A6] =	sst s15  }
0x2d: {  	s26 =	sadd.s32 $0x1880, s1;
	s3 =	sadd.s32 $0x1980, s1;
	[smem:$0x7A7] =	sst s16  }
0x2e: {  	s6 =	sadd.s32 $0x1B00, s1;
	s23 =	sadd.s32 $0x3100, s1;
	[smem:$0x7B1] =	sst s26  }
0x2f: {  	s11 =	sor.u32 s11, s9;
	s13 =	sor.u32 s13, s9;
	[smem:$0x7B3] =	sst s3  }
0x30: {  	s4 =	sor.u32 s12, s9;
	s25 =	sor.u32 s17, s9;
	[smem:$0x7B6] =	sst s6  }
0x31: {  	s9 =	sor.u32 s10, s9;
	s10 =	sadd.s32 $0x380, s1;
	[smem:$0x7E0] =	sst s23  }
0x32: {  	s12 =	sadd.s32 $0x480, s1;
	[dreg:$0x1e] =	wrdreg s10  }
0x33: {  	s17 =	sadd.s32 $0x700, s1;
	[smem:$0x78A] =	sst s12  }
0x34: {  	s14 =	sshrl.u32 s18, $0x3;
	s18 =	sadd.s32 $0x780, s1;
	[smem:$0x78F] =	sst s17  }
0x35: {  	s29 =	sadd.s32 $0xC00, s1;
	[smem:$0x790] =	sst s18  }
0x36: {  	s7 =	sadd.s32 $0xE80, s1;
	[smem:$0x799] =	sst s29  }
0x37: {  	s8 =	sadd.s32 $0xF00, s1;
	[smem:$0x79E] =	sst s7  }
0x38: {  	s19 =	sadd.s32 $0x1500, s1;
	[smem:$0x79F] =	sst s8  }
0x39: {  	s20 =	sadd.s32 $0x1580, s1;
	[smem:$0x7AA] =	sst s19  }
0x3a: {  	s15 =	sadd.s32 $0x1F80, s1;
	[smem:$0x7AB] =	sst s20  }
0x3b: {  	s16 =	sadd.s32 $0x2080, s1;
	[smem:$0x7BF] =	sst s15  }
0x3c: {  	s26 =	sadd.s32 $0x2580, s1;
	[smem:$0x7C0] =	sst s16  }
0x3d: {  	s3 =	sadd.s32 $0x2680, s1;
	[smem:$0x7CA] =	sst s26  }
0x3e: {  	s6 =	sadd.s32 $0x2800, s1;
	[smem:$0x7CC] =	sst s3  }
0x3f: {  	s23 =	sadd.s32 $0x3D80, s1;
	[smem:$0x7CF] =	sst s6  }
0x40: {  	s14 =	sadd.s32 s5, s14;
	[smem:$0x7F9] =	sst s23  }
0x41: {  	s10 =	sadd.s32 $0x1080, s1;
	[dreg:$0xa] =	wrdreg s14  }
0x42: {  	s12 =	sadd.s32 $0x1180, s1;
	[smem:$0x7A1] =	sst s10  }
0x43: {  	s17 =	sadd.s32 $0x1400, s1;
	[smem:$0x7A3] =	sst s12  }
0x44: {  	s18 =	sadd.s32 $0x1480, s1;
	[smem:$0x7A8] =	sst s17  }
0x45: {  	s29 =	sadd.s32 $0x1900, s1;
	[smem:$0x7A9] =	sst s18  }
0x46: {  	s7 =	sadd.s32 $0x1B80, s1;
	[smem:$0x7B2] =	sst s29  }
0x47: {  	s8 =	sadd.s32 $0x1C00, s1;
	[smem:$0x7B7] =	sst s7  }
0x48: {  	s19 =	sadd.s32 $0x2200, s1;
	[smem:$0x7B8] =	sst s8  }
0x49: {  	s20 =	sadd.s32 $0x2280, s1;
	[smem:$0x7C3] =	sst s19  }
0x4a: {  	s15 =	sadd.s32 $0x2C80, s1;
	[smem:$0x7C4] =	sst s20  }
0x4b: {  	s16 =	sadd.s32 $0x2D00, s1;
	[smem:$0x7D8] =	sst s15  }
0x4c: {  	s26 =	sadd.s32 $0x3280, s1;
	[smem:$0x7D9] =	sst s16  }
0x4d: {  	s3 =	sadd.s32 $0x3380, s1;
	[smem:$0x7E3] =	sst s26  }
0x4e: {  	s11 =	sshrl.u32 s11, $0x3;
	s6 =	sadd.s32 $0x3500, s1;
	[smem:$0x7E5] =	sst s3  }
0x4f: {  	s13 =	sshrl.u32 s13, $0x3;
	s11 =	sadd.s32 s5, s11;
	[smem:$0x7E8] =	sst s6  }
0x50: {  	s4 =	sshrl.u32 s4, $0x3;
	s24 =	sadd.s32 s5, s13;
	[dreg:$0x10] =	wrdreg s11  }
0x51: {  	s9 =	sshrl.u32 s9, $0x3;
	s4 =	sadd.s32 s5, s4;
	[dreg:$0x11] =	wrdreg s24  }
0x52: {  	s0 =	sadd.s32 s0, s9;
	[dreg:$0x12] =	wrdreg s4  }
0x53: {  	s9 =	sadd.s32 $0x300, s1;
	[dreg:$0x14] =	wrdreg s0  }
0x54: {  	s13 =	sadd.s32 $0x500, s1;
	[dreg:$0x1d] =	wrdreg s9  }
0x55: {  	s14 =	sadd.s32 $0x580, s1;
	[smem:$0x78B] =	sst s13  }
0x56: {  	s10 =	sadd.s32 $0x1D00, s1;
	[smem:$0x78C] =	sst s14  }
0x57: {  	s12 =	sadd.s32 $0x1E00, s1;
	[smem:$0x7BA] =	sst s10  }
0x58: {  	s17 =	sadd.s32 $0x2100, s1;
	[smem:$0x7BC] =	sst s12  }
0x59: {  	s18 =	sadd.s32 $0x2180, s1;
	[smem:$0x7C1] =	sst s17  }
0x5a: {  	s29 =	sadd.s32 $0x2600, s1;
	[smem:$0x7C2] =	sst s18  }
0x5b: {  	s7 =	sadd.s32 $0x2880, s1;
	[smem:$0x7CB] =	sst s29  }
0x5c: {  	s8 =	sadd.s32 $0x2900, s1;
	[smem:$0x7D0] =	sst s7  }
0x5d: {  	s19 =	sadd.s32 $0x2E80, s1;
	[smem:$0x7D1] =	sst s8  }
0x5e: {  	s20 =	sadd.s32 $0x2F00, s1;
	[smem:$0x7DC] =	sst s19  }
0x5f: {  	s15 =	sadd.s32 $0x3980, s1;
	[smem:$0x7DD] =	sst s20  }
0x60: {  	s16 =	sadd.s32 $0x3A00, s1;
	[smem:$0x7F1] =	sst s15  }
0x61: {  	s26 =	sadd.s32 $0x3F00, s1;
	[smem:$0x7F2] =	sst s16  }
0x62: {  	s11 =	sadd.s32 $0x400, s1;
	[smem:$0x7FC] =	sst s26  }
0x63: {  	s24 =	sadd.s32 $0xA80, s1;
	[dreg:$0x1f] =	wrdreg s11  }
0x64: {  	s4 =	sshrl.u32 s25, $0x3;
	s25 =	sadd.s32 $0xB00, s1;
	[smem:$0x796] =	sst s24  }
0x65: {  	s9 =	sadd.s32 $0xF80, s1;
	[smem:$0x797] =	sst s25  }
0x66: {  	s13 =	sadd.s32 $0x1200, s1;
	[smem:$0x7A0] =	sst s9  }
0x67: {  	s14 =	sadd.s32 $0x1280, s1;
	[smem:$0x7A4] =	sst s13  }
0x68: {  	s10 =	sadd.s32 $0x2A00, s1;
	[smem:$0x7A5] =	sst s14  }
0x69: {  	s12 =	sadd.s32 $0x2B00, s1;
	[smem:$0x7D3] =	sst s10  }
0x6a: {  	s17 =	sadd.s32 $0x2D80, s1;
	[smem:$0x7D5] =	sst s12  }
0x6b: {  	s18 =	sadd.s32 $0x2E00, s1;
	[smem:$0x7DA] =	sst s17  }
0x6c: {  	s29 =	sadd.s32 $0x3300, s1;
	[smem:$0x7DB] =	sst s18  }
0x6d: {  	s7 =	sadd.s32 $0x3580, s1;
	[smem:$0x7E4] =	sst s29  }
0x6e: {  	s8 =	sadd.s32 $0x3600, s1;
	[smem:$0x7E9] =	sst s7  }
0x6f: {  	s19 =	sadd.s32 $0x3B80, s1;
	[smem:$0x7EA] =	sst s8  }
0x70: {  	s20 =	sadd.s32 $0x3C00, s1;
	[smem:$0x7F5] =	sst s19  }
0x71: {  	s4 =	sadd.s32 s5, s4;
	[smem:$0x7F6] =	sst s20  }
0x72: {  	s5 =	sadd.s32 $0x180, s1;
	[dreg:$0x13] =	wrdreg s4  }
0x73: {  	s11 =	sadd.s32 $0x1100, s1;
	[dreg:$0x19] =	wrdreg s5  }
0x74: {  	s24 =	sadd.s32 $0x1780, s1;
	[smem:$0x7A2] =	sst s11  }
0x75: {  	s25 =	sadd.s32 $0x1800, s1;
	[smem:$0x7AF] =	sst s24  }
0x76: {  	s9 =	sadd.s32 $0x1C80, s1;
	[smem:$0x7B0] =	sst s25  }
0x77: {  	s13 =	sadd.s32 $0x1E80, s1;
	[smem:$0x7B9] =	sst s9  }
0x78: {  	s14 =	sadd.s32 $0x1F00, s1;
	[smem:$0x7BD] =	sst s13  }
0x79: {  	s10 =	sadd.s32 $0x3700, s1;
	[smem:$0x7BE] =	sst s14  }
0x7a: {  	s12 =	sadd.s32 $0x3800, s1;
	[smem:$0x7EC] =	sst s10  }
0x7b: {  	s17 =	sadd.s32 $0x3A80, s1;
	[smem:$0x7EE] =	sst s12  }
0x7c: {  	s18 =	sadd.s32 $0x3B00, s1;
	[smem:$0x7F3] =	sst s17  }
0x7d: {  	s29 =	sadd.s32 $0x3F80, s1;
	[smem:$0x7F4] =	sst s18  }
0x7e: {  	s4 =	sadd.s32 $0x100, s1;
	[smem:$0x7FD] =	sst s29  }
0x7f: {  	s5 =	sadd.s32 $0xD80, s1;
	[dreg:$0x18] =	wrdreg s4  }
0x80: {  	s11 =	sadd.s32 $0x1D80, s1;
	[smem:$0x79C] =	sst s5  }
0x81: {  	s24 =	sadd.s32 $0x2480, s1;
	[smem:$0x7BB] =	sst s11  }
0x82: {  	s25 =	sadd.s32 $0x2500, s1;
	[smem:$0x7C8] =	sst s24  }
0x83: {  	s9 =	sadd.s32 $0x2980, s1;
	[smem:$0x7C9] =	sst s25  }
0x84: {  	s13 =	sadd.s32 $0x2B80, s1;
	[smem:$0x7D2] =	sst s9  }
0x85: {  	s31 =	simm.s32 $0x7;
	s14 =	sadd.s32 $0x2C00, s1;
	[smem:$0x7D6] =	sst s13  }
0x86: {  	s28 =	simm.s32 $0x1CA00;
	s4 =	sadd.s32 $0xD00, s1;
	[smem:$0x7D7] =	sst s14  }
0x87: {  	s30 =	simm.s32 $0x1;
	s5 =	sadd.s32 $0x1A80, s1;
	[smem:$0x79B] =	sst s4  }
0x88: {  	s21 =	simm.s32 $0x1C700;
	s11 =	sadd.s32 $0x2A80, s1;
	[smem:$0x7B5] =	sst s5  }
0x89: {  	s22 =	simm.s32 $0x1E380;
	s24 =	sadd.s32 $0x3180, s1;
	[smem:$0x7D4] =	sst s11  }
0x8a: {  	s23 =	simm.s32 $0x1E580;
	s25 =	sadd.s32 $0x3200, s1;
	[smem:$0x7E1] =	sst s24  }
0x8b: {  	s3 =	simm.s32 $0x400;
	s9 =	sadd.s32 $0x3680, s1;
	[smem:$0x7E2] =	sst s25  }
0x8c: {  	s6 =	simm.s32 $0x1E680;
	s13 =	sadd.s32 $0x3880, s1;
	[smem:$0x7EB] =	sst s9  }
0x8d: {  	s0 =	simm.s32 $0x80;
	s14 =	sadd.s32 $0x3900, s1;
	[smem:$0x7EF] =	sst s13  }
0x8e: {  	s26 =	simm.s32 $0x1C900;
	s4 =	sadd.s32 $0x1A00, s1;
	[smem:$0x7F0] =	sst s14  }
0x8f: {  	s15 =	simm.s32 $0x3;
	s5 =	sadd.s32 $0x2780, s1;
	[smem:$0x7B4] =	sst s4  }
0x90: {  	s16 =	simm.s32 $0x4;
	s11 =	sadd.s32 $0x3780, s1;
	[smem:$0x7CE] =	sst s5  }
0x91: {  	s17 =	simm.s32 $0x5;
	s24 =	sadd.s32 $0x3E00, s1;
	[smem:$0x7ED] =	sst s11  }
0x92: {  	s18 =	simm.s32 $0x6;
	s25 =	sadd.s32 $0x3E80, s1;
	[smem:$0x7FA] =	sst s24  }
0x93: {  	s14 =	simm.s32 $0x2;
	s4 =	sadd.s32 $0x2700, s1;
	[smem:$0x7FB] =	sst s25  }
0x94: {  	s5 =	sadd.s32 $0x3480, s1;
	s25 =	simm.s32 $0x1C800;
	[smem:$0x7CD] =	sst s4  }
0x95: {  	s24 =	simm.s32 $0x0;
	s4 =	sadd.s32 $0x3400, s1;
	[smem:$0x7E7] =	sst s5  }
0x96: {  	s5 =	simm.s32 $0x1E480;
	[smem:$0x7E6] =	sst s4;
	s4 =	simm.s32 $0x1E280  }
.LBB2_1:
0x97: {  	s7 =	rddreg [dreg:$0x6]  }
0x98: {  	s8 =	rddreg [dreg:$0x7]  }
0x99: {  	s9 =	rddreg [dreg:$0x1b]  }
0x9a: {  	[spmem:s9], [sflag:s8] =	dma.local [hbm:s7], $0x80  }
0x9b: {  	_ =	swait.ge [sflag:s31], $0x80  }
0x9c: {  	[sflag:s31] =	ssyncset.done $0x0  }
0x9d: {  	[sflag:s31] =	ssyncadd.s32 $0xFFFFFF80  }
0x9e: {  	[bflag:$0x0] =	sbarrier.arrive $0xFFFF  }
0x9f: {  	s8 =	rddreg [dreg:$0x8]  }
0xa0: {  	[tilespmem:s2], [sflag:$0x1] =	stream.strided.gather [hbm4b:s8+s0], $0x6200, s3, s0, $0x38;
	[tilespmem:$0x1EB80] =	vst v63  }
0xa1: {  	s10 =	simm.s32 $0x6200;
	s9 =	rddreg [dreg:$0x9]  }
0xa2: {  	[tilespmem:s10], [sflag:$0x2] =	stream.strided.gather [hbm4b:s9+s0], $0x6200, s3, s0, $0x38;
	[tilespmem:$0x1EB80] =	vst v63  }
0xa3: {  	s12 =	simm.s32 $0xC400;
	s11 =	rddreg [dreg:$0xa]  }
0xa4: {  	[tilespmem:s12], [sflag:$0x3] =	stream.strided.gather [hbm4b:s11+s0], $0x6200, s3, s0, $0x38;
	[tilespmem:$0x1EB80] =	vst v63  }
0xa5: {  	s19 =	simm.s32 $0x12600;
	s13 =	rddreg [dreg:$0xb]  }
0xa6: {  	[tilespmem:s19], [sflag:$0x4] =	stream.strided.gather [hbm4b:s13+s0], $0x6100, s3, s0, $0x38;
	[tilespmem:$0x1EB80] =	vst v63  }
0xa7: {  	s7 =	simm.s32 $0x18700;
	s20 =	rddreg [dreg:$0xc]  }
0xa8: {  	[tilespmem:s7], [sflag:$0x5] =	stream.strided.gather [hbm4b:s20+s0], $0x4000, s3, s0, $0x38;
	[tilespmem:$0x1EB80] =	vst v63  }
0xa9: {  	s9 =	rddreg [dreg:$0x18]  }
0xaa: {  	[tilespmem:s21], [sflag:$0x6] =	stream.linear.gather [spmem:s1], $0x80, $0x38;
	[tilespmem:$0x1EB80] =	vst v63  }
0xab: {  	s21 =	rddreg [dreg:$0x17]  }
0xac: {  	[tilespmem:s25], [sflag:$0x6] =	stream.linear.gather [spmem:s21], $0x80, $0x38;
	[tilespmem:$0x1EB80] =	vst v63  }
0xad: {  	s10 =	rddreg [dreg:$0x19]  }
0xae: {  	[tilespmem:s26], [sflag:$0x6] =	stream.linear.gather [spmem:s9], $0x80, $0x38;
	[tilespmem:$0x1EB80] =	vst v63  }
0xaf: {  	s11 =	rddreg [dreg:$0x1a]  }
0xb0: {  	[tilespmem:s28], [sflag:$0x6] =	stream.linear.gather [spmem:s10], $0x80, $0x38;
	[tilespmem:$0x1EB80] =	vst v63  }
0xb1: {  	s12 =	simm.s32 $0x1CB00;
	s13 =	rddreg [dreg:$0x1c]  }
0xb2: {  	[tilespmem:s12], [sflag:$0x6] =	stream.linear.gather [spmem:s11], $0x80, $0x38;
	[tilespmem:$0x1EB80] =	vst v63  }
0xb3: {  	s19 =	simm.s32 $0x1CC00;
	s20 =	rddreg [dreg:$0x1d]  }
0xb4: {  	[tilespmem:s19], [sflag:$0x6] =	stream.linear.gather [spmem:s13], $0x80, $0x38;
	[tilespmem:$0x1EB80] =	vst v63  }
0xb5: {  	s21 =	simm.s32 $0x1CD00;
	s25 =	rddreg [dreg:$0x1e]  }
0xb6: {  	[tilespmem:s21], [sflag:$0x6] =	stream.linear.gather [spmem:s20], $0x80, $0x38;
	[tilespmem:$0x1EB80] =	vst v63  }
0xb7: {  	s26 =	simm.s32 $0x1CE00;
	s9 =	rddreg [dreg:$0x1f]  }
0xb8: {  	[tilespmem:s26], [sflag:$0x6] =	stream.linear.gather [spmem:s25], $0x80, $0x38;
	[tilespmem:$0x1EB80] =	vst v63  }
0xb9: {  	s10 =	simm.s32 $0x1CF00;
	s11 =	sld [smem:$0x78A]  }
0xba: {  	[tilespmem:s10], [sflag:$0x6] =	stream.linear.gather [spmem:s9], $0x80, $0x38;
	[tilespmem:$0x1EB80] =	vst v63  }
0xbb: {  	s12 =	simm.s32 $0x1D000;
	s13 =	sld [smem:$0x78B]  }
0xbc: {  	[tilespmem:s12], [sflag:$0x6] =	stream.linear.gather [spmem:s11], $0x80, $0x38;
	[tilespmem:$0x1EB80] =	vst v63  }
0xbd: {  	s19 =	simm.s32 $0x1D100;
	s20 =	sld [smem:$0x78C]  }
0xbe: {  	[tilespmem:s19], [sflag:$0x6] =	stream.linear.gather [spmem:s13], $0x80, $0x38;
	[tilespmem:$0x1EB80] =	vst v63  }
0xbf: {  	s21 =	simm.s32 $0x1D200;
	s25 =	sld [smem:$0x78D]  }
0xc0: {  	[tilespmem:s21], [sflag:$0x6] =	stream.linear.gather [spmem:s20], $0x80, $0x38;
	[tilespmem:$0x1EB80] =	vst v63  }
0xc1: {  	s26 =	simm.s32 $0x1D300;
	s9 =	sld [smem:$0x78E]  }
0xc2: {  	[tilespmem:s26], [sflag:$0x6] =	stream.linear.gather [spmem:s25], $0x80, $0x38;
	[tilespmem:$0x1EB80] =	vst v63  }
0xc3: {  	s10 =	simm.s32 $0x1D400;
	s11 =	sld [smem:$0x78F]  }
0xc4: {  	[tilespmem:s10], [sflag:$0x6] =	stream.linear.gather [spmem:s9], $0x80, $0x38;
	[tilespmem:$0x1EB80] =	vst v63  }
0xc5: {  	s12 =	simm.s32 $0x1D500;
	s13 =	sld [smem:$0x790]  }
0xc6: {  	[tilespmem:s12], [sflag:$0x6] =	stream.linear.gather [spmem:s11], $0x80, $0x38;
	[tilespmem:$0x1EB80] =	vst v63  }
0xc7: {  	s19 =	simm.s32 $0x1D600;
	s20 =	sld [smem:$0x791]  }
0xc8: {  	[tilespmem:s19], [sflag:$0x6] =	stream.linear.gather [spmem:s13], $0x80, $0x38;
	[tilespmem:$0x1EB80] =	vst v63  }
0xc9: {  	s21 =	simm.s32 $0x1D700;
	s25 =	sld [smem:$0x792]  }
0xca: {  	[tilespmem:s21], [sflag:$0x6] =	stream.linear.gather [spmem:s20], $0x80, $0x38;
	[tilespmem:$0x1EB80] =	vst v63  }
0xcb: {  	s26 =	simm.s32 $0x1D800;
	s9 =	sld [smem:$0x793]  }
0xcc: {  	[tilespmem:s26], [sflag:$0x6] =	stream.linear.gather [spmem:s25], $0x80, $0x38;
	[tilespmem:$0x1EB80] =	vst v63  }
0xcd: {  	s10 =	simm.s32 $0x1D900;
	s11 =	sld [smem:$0x794]  }
0xce: {  	[tilespmem:s10], [sflag:$0x6] =	stream.linear.gather [spmem:s9], $0x80, $0x38;
	[tilespmem:$0x1EB80] =	vst v63  }
0xcf: {  	s12 =	simm.s32 $0x1DA00;
	s13 =	sld [smem:$0x795]  }
0xd0: {  	[tilespmem:s12], [sflag:$0x6] =	stream.linear.gather [spmem:s11], $0x80, $0x38;
	[tilespmem:$0x1EB80] =	vst v63  }
0xd1: {  	s19 =	simm.s32 $0x1DB00;
	s20 =	sld [smem:$0x796]  }
0xd2: {  	[tilespmem:s19], [sflag:$0x6] =	stream.linear.gather [spmem:s13], $0x80, $0x38;
	[tilespmem:$0x1EB80] =	vst v63  }
0xd3: {  	s21 =	simm.s32 $0x1DC00;
	s25 =	sld [smem:$0x797]  }
0xd4: {  	[tilespmem:s21], [sflag:$0x6] =	stream.linear.gather [spmem:s20], $0x80, $0x38;
	[tilespmem:$0x1EB80] =	vst v63  }
0xd5: {  	s26 =	simm.s32 $0x1DD00;
	s9 =	sld [smem:$0x798]  }
0xd6: {  	[tilespmem:s26], [sflag:$0x6] =	stream.linear.gather [spmem:s25], $0x80, $0x38;
	[tilespmem:$0x1EB80] =	vst v63  }
0xd7: {  	s10 =	simm.s32 $0x1DE00;
	s11 =	sld [smem:$0x799]  }
0xd8: {  	[tilespmem:s10], [sflag:$0x6] =	stream.linear.gather [spmem:s9], $0x80, $0x38;
	[tilespmem:$0x1EB80] =	vst v63  }
0xd9: {  	s12 =	simm.s32 $0x1DF00;
	s13 =	sld [smem:$0x79A]  }
0xda: {  	[tilespmem:s12], [sflag:$0x6] =	stream.linear.gather [spmem:s11], $0x80, $0x38;
	[tilespmem:$0x1EB80] =	vst v63  }
0xdb: {  	s19 =	simm.s32 $0x1E000;
	s20 =	sld [smem:$0x79B]  }
0xdc: {  	[tilespmem:s19], [sflag:$0x6] =	stream.linear.gather [spmem:s13], $0x80, $0x38;
	[tilespmem:$0x1EB80] =	vst v63  }
0xdd: {  	s21 =	simm.s32 $0x1E100;
	s25 =	sld [smem:$0x79C]  }
0xde: {  	[tilespmem:s21], [sflag:$0x6] =	stream.linear.gather [spmem:s20], $0x80, $0x38;
	[tilespmem:$0x1EB80] =	vst v63  }
0xdf: {  	s26 =	simm.s32 $0x1E200;
	s9 =	sld [smem:$0x79D]  }
0xe0: {  	[tilespmem:s26], [sflag:$0x6] =	stream.linear.gather [spmem:s25], $0x80, $0x38;
	[tilespmem:$0x1EB80] =	vst v63  }
0xe1: {  	s10 =	simm.s32 $0x1E300;
	s11 =	sld [smem:$0x79E]  }
0xe2: {  	[tilespmem:s10], [sflag:$0x6] =	stream.linear.gather [spmem:s9], $0x80, $0x38;
	[tilespmem:$0x1EB80] =	vst v63  }
0xe3: {  	s12 =	simm.s32 $0x1E400;
	s13 =	sld [smem:$0x79F]  }
0xe4: {  	[tilespmem:s12], [sflag:$0x6] =	stream.linear.gather [spmem:s11], $0x80, $0x38;
	[tilespmem:$0x1EB80] =	vst v63  }
0xe5: {  	s19 =	simm.s32 $0x1E500;
	s20 =	sld [smem:$0x7A0]  }
0xe6: {  	[tilespmem:s19], [sflag:$0x6] =	stream.linear.gather [spmem:s13], $0x80, $0x38;
	[tilespmem:$0x1EB80] =	vst v63  }
0xe7: {  	s21 =	simm.s32 $0x1E600  }
0xe8: {  	[tilespmem:s21], [sflag:$0x6] =	stream.linear.gather [spmem:s20], $0x80, $0x38;
	[tilespmem:$0x1EB80] =	vst v63  }
0xe9: {  	_ =	swait.ge [sflag:s30], $0x6200  }
0xea: {  	[sflag:s30] =	ssyncset.done $0x0  }
0xeb: {  	[sflag:s30] =	ssyncadd.s32 $0xFFFF9E00  }
0xec: {  	_ =	swait.ge [sflag:s14], $0x6200  }
0xed: {  	[sflag:s14] =	ssyncset.done $0x0  }
0xee: {  	[sflag:s14] =	ssyncadd.s32 $0xFFFF9E00  }
0xef: {  	_ =	swait.ge [sflag:s15], $0x6200  }
0xf0: {  	[sflag:s15] =	ssyncset.done $0x0  }
0xf1: {  	[sflag:s15] =	ssyncadd.s32 $0xFFFF9E00  }
0xf2: {  	_ =	swait.ge [sflag:s16], $0x6100  }
0xf3: {  	[sflag:s16] =	ssyncset.done $0x0  }
0xf4: {  	[sflag:s16] =	ssyncadd.s32 $0xFFFF9F00  }
0xf5: {  	_ =	swait.ge [sflag:s17], $0x4000  }
0xf6: {  	[sflag:s17] =	ssyncset.done $0x0  }
0xf7: {  	[sflag:s17] =	ssyncadd.s32 $0xFFFFC000  }
0xf8: {  	_ =	swait.ge [sflag:s18], $0x1000  }
0xf9: {  	[sflag:s18] =	ssyncset.done $0x0;
	s25 =	rddreg [dreg:$0xd]  }
0xfa: {  	s26 =	simm.s32 $0x1C780;
	s9 =	sld [smem:$0x7A1];
	[sflag:s18] =	ssyncadd.s32 $0xFFFFF000  }
0xfb: {  	[tilespmem:s26], [sflag:$0x6] =	stream.linear.gather [spmem:s25], $0x80, $0x38;
	[tilespmem:$0x1EB80] =	vst v63  }
0xfc: {  	s10 =	simm.s32 $0x1C880;
	s11 =	sld [smem:$0x7A2]  }
0xfd: {  	[tilespmem:s10], [sflag:$0x6] =	stream.linear.gather [spmem:s9], $0x80, $0x38;
	[tilespmem:$0x1EB80] =	vst v63  }
0xfe: {  	s12 =	simm.s32 $0x1C980;
	s13 =	sld [smem:$0x7A3]  }
0xff: {  	[tilespmem:s12], [sflag:$0x6] =	stream.linear.gather [spmem:s11], $0x80, $0x38;
	[tilespmem:$0x1EB80] =	vst v63  }
0x100: {  	s19 =	simm.s32 $0x1CA80;
	s20 =	sld [smem:$0x7A4]  }
0x101: {  	[tilespmem:s19], [sflag:$0x6] =	stream.linear.gather [spmem:s13], $0x80, $0x38;
	[tilespmem:$0x1EB80] =	vst v63  }
0x102: {  	s21 =	simm.s32 $0x1CB80;
	s25 =	sld [smem:$0x7A5]  }
0x103: {  	[tilespmem:s21], [sflag:$0x6] =	stream.linear.gather [spmem:s20], $0x80, $0x38;
	[tilespmem:$0x1EB80] =	vst v63  }
0x104: {  	s26 =	simm.s32 $0x1CC80;
	s9 =	sld [smem:$0x7A6]  }
0x105: {  	[tilespmem:s26], [sflag:$0x6] =	stream.linear.gather [spmem:s25], $0x80, $0x38;
	[tilespmem:$0x1EB80] =	vst v63  }
0x106: {  	s10 =	simm.s32 $0x1CD80;
	s11 =	sld [smem:$0x7A7]  }
0x107: {  	[tilespmem:s10], [sflag:$0x6] =	stream.linear.gather [spmem:s9], $0x80, $0x38;
	[tilespmem:$0x1EB80] =	vst v63  }
0x108: {  	s12 =	simm.s32 $0x1CE80;
	s13 =	sld [smem:$0x7A8]  }
0x109: {  	[tilespmem:s12], [sflag:$0x6] =	stream.linear.gather [spmem:s11], $0x80, $0x38;
	[tilespmem:$0x1EB80] =	vst v63  }
0x10a: {  	s19 =	simm.s32 $0x1CF80;
	s20 =	sld [smem:$0x7A9]  }
0x10b: {  	[tilespmem:s19], [sflag:$0x6] =	stream.linear.gather [spmem:s13], $0x80, $0x38;
	[tilespmem:$0x1EB80] =	vst v63  }
0x10c: {  	s21 =	simm.s32 $0x1D080;
	s25 =	sld [smem:$0x7AA]  }
0x10d: {  	[tilespmem:s21], [sflag:$0x6] =	stream.linear.gather [spmem:s20], $0x80, $0x38;
	[tilespmem:$0x1EB80] =	vst v63  }
0x10e: {  	s26 =	simm.s32 $0x1D180;
	s9 =	sld [smem:$0x7AB]  }
0x10f: {  	[tilespmem:s26], [sflag:$0x6] =	stream.linear.gather [spmem:s25], $0x80, $0x38;
	[tilespmem:$0x1EB80] =	vst v63  }
0x110: {  	s10 =	simm.s32 $0x1D280;
	s11 =	sld [smem:$0x7AC]  }
0x111: {  	[tilespmem:s10], [sflag:$0x6] =	stream.linear.gather [spmem:s9], $0x80, $0x38;
	[tilespmem:$0x1EB80] =	vst v63  }
0x112: {  	s12 =	simm.s32 $0x1D380;
	s13 =	sld [smem:$0x7AD]  }
0x113: {  	[tilespmem:s12], [sflag:$0x6] =	stream.linear.gather [spmem:s11], $0x80, $0x38;
	[tilespmem:$0x1EB80] =	vst v63  }
0x114: {  	s19 =	simm.s32 $0x1D480;
	s20 =	sld [smem:$0x7AE]  }
0x115: {  	[tilespmem:s19], [sflag:$0x6] =	stream.linear.gather [spmem:s13], $0x80, $0x38;
	[tilespmem:$0x1EB80] =	vst v63  }
0x116: {  	s21 =	simm.s32 $0x1D580;
	s25 =	sld [smem:$0x7AF]  }
0x117: {  	[tilespmem:s21], [sflag:$0x6] =	stream.linear.gather [spmem:s20], $0x80, $0x38;
	[tilespmem:$0x1EB80] =	vst v63  }
0x118: {  	s26 =	simm.s32 $0x1D680;
	s9 =	sld [smem:$0x7B0]  }
0x119: {  	[tilespmem:s26], [sflag:$0x6] =	stream.linear.gather [spmem:s25], $0x80, $0x38;
	[tilespmem:$0x1EB80] =	vst v63  }
0x11a: {  	s10 =	simm.s32 $0x1D780;
	s11 =	sld [smem:$0x7B1]  }
0x11b: {  	[tilespmem:s10], [sflag:$0x6] =	stream.linear.gather [spmem:s9], $0x80, $0x38;
	[tilespmem:$0x1EB80] =	vst v63  }
0x11c: {  	s12 =	simm.s32 $0x1D880;
	s13 =	sld [smem:$0x7B2]  }
0x11d: {  	[tilespmem:s12], [sflag:$0x6] =	stream.linear.gather [spmem:s11], $0x80, $0x38;
	[tilespmem:$0x1EB80] =	vst v63  }
0x11e: {  	s19 =	simm.s32 $0x1D980;
	s20 =	sld [smem:$0x7B3]  }
0x11f: {  	[tilespmem:s19], [sflag:$0x6] =	stream.linear.gather [spmem:s13], $0x80, $0x38;
	[tilespmem:$0x1EB80] =	vst v63  }
0x120: {  	s21 =	simm.s32 $0x1DA80;
	s25 =	sld [smem:$0x7B4]  }
0x121: {  	[tilespmem:s21], [sflag:$0x6] =	stream.linear.gather [spmem:s20], $0x80, $0x38;
	[tilespmem:$0x1EB80] =	vst v63  }
0x122: {  	s26 =	simm.s32 $0x1DB80;
	s9 =	sld [smem:$0x7B5]  }
0x123: {  	[tilespmem:s26], [sflag:$0x6] =	stream.linear.gather [spmem:s25], $0x80, $0x38;
	[tilespmem:$0x1EB80] =	vst v63  }
0x124: {  	s10 =	simm.s32 $0x1DC80;
	s11 =	sld [smem:$0x7B6]  }
0x125: {  	[tilespmem:s10], [sflag:$0x6] =	stream.linear.gather [spmem:s9], $0x80, $0x38;
	[tilespmem:$0x1EB80] =	vst v63  }
0x126: {  	s12 =	simm.s32 $0x1DD80;
	s13 =	sld [smem:$0x7B7]  }
0x127: {  	[tilespmem:s12], [sflag:$0x6] =	stream.linear.gather [spmem:s11], $0x80, $0x38;
	[tilespmem:$0x1EB80] =	vst v63  }
0x128: {  	s19 =	simm.s32 $0x1DE80;
	s20 =	sld [smem:$0x7B8]  }
0x129: {  	[tilespmem:s19], [sflag:$0x6] =	stream.linear.gather [spmem:s13], $0x80, $0x38;
	[tilespmem:$0x1EB80] =	vst v63  }
0x12a: {  	s21 =	simm.s32 $0x1DF80;
	s25 =	sld [smem:$0x7B9]  }
0x12b: {  	[tilespmem:s21], [sflag:$0x6] =	stream.linear.gather [spmem:s20], $0x80, $0x38;
	[tilespmem:$0x1EB80] =	vst v63  }
0x12c: {  	s26 =	simm.s32 $0x1E080;
	s9 =	sld [smem:$0x7BA]  }
0x12d: {  	[tilespmem:s26], [sflag:$0x6] =	stream.linear.gather [spmem:s25], $0x80, $0x38;
	[tilespmem:$0x1EB80] =	vst v63  }
0x12e: {  	s10 =	simm.s32 $0x1E180;
	s11 =	sld [smem:$0x7BB]  }
0x12f: {  	[tilespmem:s10], [sflag:$0x6] =	stream.linear.gather [spmem:s9], $0x80, $0x38;
	[tilespmem:$0x1EB80] =	vst v63  }
0x130: {  	s12 =	sld [smem:$0x7BC]  }
0x131: {  	[tilespmem:s4], [sflag:$0x6] =	stream.linear.gather [spmem:s11], $0x80, $0x38;
	[tilespmem:$0x1EB80] =	vst v63  }
0x132: {  	s13 =	sld [smem:$0x7BD];
	s21 =	sand.u32 $0x7C00, s2  }
0x133: {  	[tilespmem:s22], [sflag:$0x6] =	stream.linear.gather [spmem:s12], $0x80, $0x38;
	[tilespmem:$0x1EB80] =	vst v63  }
0x134: {  	s19 =	sld [smem:$0x7BE];
	s8 =	sshrl.u32 s21, $0x2;
	s25 =	sand.u32 $0x40, s2  }
0x135: {  	[tilespmem:s5], [sflag:$0x6] =	stream.linear.gather [spmem:s13], $0x80, $0x38;
	[tilespmem:$0x1EB80] =	vst v63  }
0x136: {  	s20 =	sld [smem:$0x7BF];
	s8 =	sadd.s32 $0x1C700, s8;
	s10 =	sor.u32 $0x30, s25  }
0x137: {  	[tilespmem:s23], [sflag:$0x6] =	stream.linear.gather [spmem:s19], $0x80, $0x38;
	[tilespmem:$0x1EB80] =	vst v63  }
0x138: {  	s19 =	sor.u32 s10, s8  }
0x139: {  	[tilespmem:s6], [sflag:$0x6] =	stream.linear.gather [spmem:s20], $0x80, $0x38;
	[tilespmem:$0x1EB80] =	vst v63  }
0x13a: {  	s26 =	sor.u32 s25, s8;
	v0 =	vld [tilespmem:s19+$0x0]  }
0x13b: {  	s28 =	simm.s32 $0x40;
	s9 =	sor.u32 $0x20, s25;
	v1 =	vld [tilespmem:s26+$0x0]  }
0x13c: {  	s12 =	sand.u32 $0xF80, s2;
	s13 =	simm.s32 $0x200;
	s20 =	sor.u32 $0x10, s25  }
0x13d: {  	s21 =	sand.u32 $0x7C00, s13;
	s11 =	sor.u32 s20, s8;
	s8 =	sor.u32 s9, s8;
	v5 =	vld [tilespmem:s7+$0x0]  }
0x13e: {  	s25 =	sand.u32 $0x40, s28;
	s7 =	sshrl.u32 s21, $0x2;
	v4 =	vld [tilespmem:s8+$0x0];
	s8 =	sadd.s32 $0x18700, s12  }
0x13f: {  	v2 =	vld [tilespmem:s11+$0x0];
	s11 =	sadd.s32 $0x1C700, s7;
	s12 =	sor.u32 $0x30, s25;
	s10 =	sor.u32 s10, s8  }
0x140: {  	s7 =	sor.u32 s12, s11;
	v6 =	vld [tilespmem:s10+$0x0]  }
0x141: {  	v9 =	vld [tilespmem:s7+$0x0]  }
0x142: {  	v0 =	vld.idx.msk [tilespmem:v0+s2+$0x0], $0xffff  }
0x143: {  	s26 =	sor.u32 $0x10, s25;
	s29 =	sor.u32 s25, s11;
	v1 =	vld.idx.msk [tilespmem:v1+s2+$0x0], $0xffff  }
0x144: {  	s13 =	sor.u32 s26, s11;
	v10 =	vld [tilespmem:s29+$0x0]  }
0x145: {  	s20 =	sor.u32 s20, s8;
	v11 =	vld [tilespmem:s13+$0x0]  }
0x146: {  	s8 =	sor.u32 s9, s8;
	s7 =	sor.u32 $0x20, s25;
	v7 =	vld [tilespmem:s20+$0x0]  }
0x147: {  	v8 =	vld [tilespmem:s8+$0x0];
	s10 =	sor.u32 s7, s11  }
0x148: {  	v12 =	vld [tilespmem:s10+$0x0];
	v0 =	vsub.f32 v6, v0;
	v1 =	vsub.f32 v5, v1  }
0x149: {  	v3 =	vld.idx.msk [tilespmem:v2+s2+$0x0], $0xffff  }
0x14a: {  	s21 =	sand.u32 $0xF80, s28;
	s28 =	simm.s32 $0x80;
	v6 =	vld.idx.msk [tilespmem:v4+s2+$0x0], $0xffff;
	v2 =	vmul.f32 v0, v0;
	v4 =	vmul.f32 v1, v1  }
0x14b: {  	s9 =	simm.s32 $0x400;
	s8 =	simm.s32 $0x18740;
	s10 =	sadd.s32 $0x18700, s21;
	v9 =	vld.idx.msk [tilespmem:v9+s2+$0x0], $0xffff;
	v0 =	vimm.f32 $0.0e+00  }
0x14c: {  	s19 =	sand.u32 $0x7C00, s9;
	s29 =	simm.s32 $0xC0;
	s20 =	sor.u32 s12, s10;
	v5 =	vld [tilespmem:s8+$0x0];
	v1 =	vadd.f32 v2, v0;
	v2 =	vadd.f32 v4, v0;
	v4 =	vimm.f32 $0.0e+00  }
.LBB2_2:
0x14d: {  	p0 =	sne.s32 s29, $0xFC0;
	s25 =	sand.u32 $0x40, s28;
	s19 =	sshrl.u32 s19, $0x2;
	v13 =	vld [tilespmem:s20+$0x0]  }
0x14e: {  	s19 =	sadd.s32 $0x1C700, s19;
	s20 =	sor.u32 $0x10, s25;
	s11 =	sor.u32 $0x30, s25;
	v14 =	vld.idx.msk [tilespmem:v10+s2+$0x0], $0xffff;
	v7 =	vsub.f32 v7, v3  }
0x14f: {  	s12 =	sor.u32 s25, s19;
	s25 =	sor.u32 $0x20, s25;
	s13 =	sor.u32 s11, s19;
	v3 =	vld.idx.msk [tilespmem:v11+s2+$0x0], $0xffff;
	v6 =	vsub.f32 v8, v6  }
0x150: {  	s21 =	sor.u32 s20, s19;
	s19 =	sor.u32 s25, s19;
	v15 =	vld [tilespmem:s13+$0x0];
	s13 =	sor.u32 s26, s10;
	v7 =	vmul.f32 v7, v7  }
0x151: {  	s10 =	sor.u32 s7, s10;
	s26 =	smov.u32 s20;
	s7 =	smov.u32 s25;
	v10 =	vld [tilespmem:s12+$0x0];
	v6 =	vmul.f32 v6, v6  }
0x152: {  	v11 =	vld [tilespmem:s21+$0x0];
	v8 =	vsub.f32 v13, v9;
	v0 =	vadd.f32 v7, v0  }
0x153: {  	v13 =	vld [tilespmem:s19+$0x0];
	v4 =	vadd.f32 v6, v4  }
.Ltmp0:
0x154: {  	v5 =	vsub.f32 v5, v14;
	v6 =	vld.idx.msk [tilespmem:v12+s2+$0x0], $0xffff;
	v9 =	vmul.f32 v8, v8;
	(pc) =	sbr.rel @p0 .LBB2_2-.Ltmp0, $4  }
0x155: {  	v7 =	vld [tilespmem:s13+$0x0]  }
0x156: {  	s8 =	sadd.s32 $0x40, s8;
	s12 =	sand.u32 $0xF80, s28;
	s28 =	smov.u32 s29;
	v14 =	vmul.f32 v5, v5;
	v8 =	vld [tilespmem:s10+$0x0];
	v1 =	vadd.f32 v9, v1  }
0x157: {  	s9 =	sadd.s32 $0x200, s9;
	s10 =	sadd.s32 $0x18700, s12;
	v5 =	vld [tilespmem:s8+$0x0]  }
0x158: {  	s29 =	sadd.s32 $0x40, s29;
	s19 =	sand.u32 $0x7C00, s9;
	s20 =	sor.u32 s11, s10;
	v2 =	vadd.f32 v14, v2;
	v9 =	vld.idx.msk [tilespmem:v15+s2+$0x0], $0xffff;
	v12 =	vmov v13  }
0x159: {  	_ =	sdelay $0x2  }
0x15a: {  	v13 =	vld [tilespmem:s20+$0x0]  }
0x15b: {  	v10 =	vld.idx.msk [tilespmem:v10+s2+$0x0], $0xffff  }
0x15c: {  	v11 =	vld.idx.msk [tilespmem:v11+s2+$0x0], $0xffff  }
0x15d: {  	s9 =	sand.u32 $0x40, s28;
	s11 =	sshrl.u32 s19, $0x2;
	s21 =	sor.u32 s26, s10;
	v12 =	vld.idx.msk [tilespmem:v12+s2+$0x0], $0xffff  }
0x15e: {  	s7 =	sor.u32 s7, s10;
	s11 =	sadd.s32 $0x1C700, s11;
	s12 =	sor.u32 $0x30, s9;
	v18 =	vld [tilespmem:s21+$0x0]  }
0x15f: {  	v19 =	vld [tilespmem:s7+$0x0];
	s13 =	sor.u32 s12, s11  }
0x160: {  	s19 =	sor.u32 $0x10, s9;
	s25 =	sor.u32 s9, s11;
	v14 =	vld [tilespmem:s13+$0x0]  }
0x161: {  	s9 =	sor.u32 $0x20, s9;
	s20 =	sor.u32 s19, s11;
	v15 =	vld [tilespmem:s25+$0x0]  }
0x162: {  	v16 =	vld [tilespmem:s20+$0x0];
	s11 =	sor.u32 s9, s11;
	s25 =	sand.u32 $0xF80, s28  }
0x163: {  	s8 =	sadd.s32 $0x40, s8;
	v17 =	vld [tilespmem:s11+$0x0];
	s7 =	sadd.s32 $0x18700, s25  }
0x164: {  	v20 =	vld [tilespmem:s8+$0x0];
	s26 =	sor.u32 s12, s7  }
0x165: {  	s10 =	sor.u32 s19, s7;
	v21 =	vld [tilespmem:s26+$0x0]  }
0x166: {  	s7 =	sor.u32 s9, s7;
	v22 =	vld [tilespmem:s10+$0x0]  }
0x167: {  	v23 =	vld [tilespmem:s7+$0x0]  }
0x168: {  	v14 =	vld.idx.msk [tilespmem:v14+s2+$0x0], $0xffff  }
0x169: {  	v15 =	vld.idx.msk [tilespmem:v15+s2+$0x0], $0xffff  }
0x16a: {  	v16 =	vld.idx.msk [tilespmem:v16+s2+$0x0], $0xffff  }
0x16b: {  	v17 =	vld.idx.msk [tilespmem:v17+s2+$0x0], $0xffff;
	_ =	swait.ge [sflag:s18], $0x1000  }
0x16c: {  	[sflag:s18] =	ssyncset.done $0x0;
	s11 =	rddreg [dreg:$0xe]  }
0x16d: {  	s21 =	simm.s32 $0x1C700;
	s12 =	sld [smem:$0x7C0];
	[sflag:s18] =	ssyncadd.s32 $0xFFFFF000  }
0x16e: {  	[tilespmem:s21], [sflag:$0x6] =	stream.linear.gather [spmem:s11], $0x80, $0x38;
	[tilespmem:$0x1EB80] =	vst v63  }
0x16f: {  	s25 =	simm.s32 $0x1C800;
	s13 =	sld [smem:$0x7C1]  }
0x170: {  	[tilespmem:s25], [sflag:$0x6] =	stream.linear.gather [spmem:s12], $0x80, $0x38;
	[tilespmem:$0x1EB80] =	vst v63  }
0x171: {  	s28 =	simm.s32 $0x1C900;
	s19 =	sld [smem:$0x7C2]  }
0x172: {  	[tilespmem:s28], [sflag:$0x6] =	stream.linear.gather [spmem:s13], $0x80, $0x38;
	[tilespmem:$0x1EB80] =	vst v63  }
0x173: {  	s29 =	simm.s32 $0x1CA00;
	s20 =	sld [smem:$0x7C3]  }
0x174: {  	[tilespmem:s29], [sflag:$0x6] =	stream.linear.gather [spmem:s19], $0x80, $0x38;
	[tilespmem:$0x1EB80] =	vst v63  }
0x175: {  	s26 =	simm.s32 $0x1CB00;
	s9 =	sld [smem:$0x7C4]  }
0x176: {  	[tilespmem:s26], [sflag:$0x6] =	stream.linear.gather [spmem:s20], $0x80, $0x38;
	[tilespmem:$0x1EB80] =	vst v63  }
0x177: {  	s10 =	simm.s32 $0x1CC00;
	s11 =	sld [smem:$0x7C5]  }
0x178: {  	[tilespmem:s10], [sflag:$0x6] =	stream.linear.gather [spmem:s9], $0x80, $0x38;
	[tilespmem:$0x1EB80] =	vst v63  }
0x179: {  	s12 =	simm.s32 $0x1CD00;
	s13 =	sld [smem:$0x7C6]  }
0x17a: {  	[tilespmem:s12], [sflag:$0x6] =	stream.linear.gather [spmem:s11], $0x80, $0x38;
	[tilespmem:$0x1EB80] =	vst v63  }
0x17b: {  	s19 =	simm.s32 $0x1CE00;
	s20 =	sld [smem:$0x7C7]  }
0x17c: {  	[tilespmem:s19], [sflag:$0x6] =	stream.linear.gather [spmem:s13], $0x80, $0x38;
	[tilespmem:$0x1EB80] =	vst v63  }
0x17d: {  	s26 =	simm.s32 $0x1CF00;
	s9 =	sld [smem:$0x7C8]  }
0x17e: {  	[tilespmem:s26], [sflag:$0x6] =	stream.linear.gather [spmem:s20], $0x80, $0x38;
	[tilespmem:$0x1EB80] =	vst v63  }
0x17f: {  	s10 =	simm.s32 $0x1D000;
	s11 =	sld [smem:$0x7C9]  }
0x180: {  	[tilespmem:s10], [sflag:$0x6] =	stream.linear.gather [spmem:s9], $0x80, $0x38;
	[tilespmem:$0x1EB80] =	vst v63  }
0x181: {  	s12 =	simm.s32 $0x1D100;
	s13 =	sld [smem:$0x7CA]  }
0x182: {  	[tilespmem:s12], [sflag:$0x6] =	stream.linear.gather [spmem:s11], $0x80, $0x38;
	[tilespmem:$0x1EB80] =	vst v63  }
0x183: {  	s19 =	simm.s32 $0x1D200;
	s20 =	sld [smem:$0x7CB]  }
0x184: {  	[tilespmem:s19], [sflag:$0x6] =	stream.linear.gather [spmem:s13], $0x80, $0x38;
	[tilespmem:$0x1EB80] =	vst v63  }
0x185: {  	s26 =	simm.s32 $0x1D300;
	s9 =	sld [smem:$0x7CC]  }
0x186: {  	[tilespmem:s26], [sflag:$0x6] =	stream.linear.gather [spmem:s20], $0x80, $0x38;
	[tilespmem:$0x1EB80] =	vst v63  }
0x187: {  	s10 =	simm.s32 $0x1D400;
	s11 =	sld [smem:$0x7CD]  }
0x188: {  	[tilespmem:s10], [sflag:$0x6] =	stream.linear.gather [spmem:s9], $0x80, $0x38;
	[tilespmem:$0x1EB80] =	vst v63  }
0x189: {  	s12 =	simm.s32 $0x1D500;
	s13 =	sld [smem:$0x7CE]  }
0x18a: {  	[tilespmem:s12], [sflag:$0x6] =	stream.linear.gather [spmem:s11], $0x80, $0x38;
	[tilespmem:$0x1EB80] =	vst v63  }
0x18b: {  	s19 =	simm.s32 $0x1D600;
	s20 =	sld [smem:$0x7CF]  }
0x18c: {  	[tilespmem:s19], [sflag:$0x6] =	stream.linear.gather [spmem:s13], $0x80, $0x38;
	[tilespmem:$0x1EB80] =	vst v63  }
0x18d: {  	s26 =	simm.s32 $0x1D700;
	s9 =	sld [smem:$0x7D0]  }
0x18e: {  	[tilespmem:s26], [sflag:$0x6] =	stream.linear.gather [spmem:s20], $0x80, $0x38;
	[tilespmem:$0x1EB80] =	vst v63  }
0x18f: {  	s10 =	simm.s32 $0x1D800;
	s11 =	sld [smem:$0x7D1]  }
0x190: {  	[tilespmem:s10], [sflag:$0x6] =	stream.linear.gather [spmem:s9], $0x80, $0x38;
	[tilespmem:$0x1EB80] =	vst v63  }
0x191: {  	s12 =	simm.s32 $0x1D900;
	s13 =	sld [smem:$0x7D2]  }
0x192: {  	[tilespmem:s12], [sflag:$0x6] =	stream.linear.gather [spmem:s11], $0x80, $0x38;
	[tilespmem:$0x1EB80] =	vst v63  }
0x193: {  	s19 =	simm.s32 $0x1DA00;
	s20 =	sld [smem:$0x7D3]  }
0x194: {  	[tilespmem:s19], [sflag:$0x6] =	stream.linear.gather [spmem:s13], $0x80, $0x38;
	[tilespmem:$0x1EB80] =	vst v63  }
0x195: {  	s26 =	simm.s32 $0x1DB00;
	s9 =	sld [smem:$0x7D4]  }
0x196: {  	[tilespmem:s26], [sflag:$0x6] =	stream.linear.gather [spmem:s20], $0x80, $0x38;
	[tilespmem:$0x1EB80] =	vst v63  }
0x197: {  	s10 =	simm.s32 $0x1DC00;
	s11 =	sld [smem:$0x7D5]  }
0x198: {  	[tilespmem:s10], [sflag:$0x6] =	stream.linear.gather [spmem:s9], $0x80, $0x38;
	[tilespmem:$0x1EB80] =	vst v63  }
0x199: {  	s12 =	simm.s32 $0x1DD00;
	s13 =	sld [smem:$0x7D6]  }
0x19a: {  	[tilespmem:s12], [sflag:$0x6] =	stream.linear.gather [spmem:s11], $0x80, $0x38;
	[tilespmem:$0x1EB80] =	vst v63  }
0x19b: {  	s19 =	simm.s32 $0x1DE00;
	s20 =	sld [smem:$0x7D7]  }
0x19c: {  	[tilespmem:s19], [sflag:$0x6] =	stream.linear.gather [spmem:s13], $0x80, $0x38;
	[tilespmem:$0x1EB80] =	vst v63  }
0x19d: {  	s26 =	simm.s32 $0x1DF00;
	s9 =	sld [smem:$0x7D8]  }
0x19e: {  	[tilespmem:s26], [sflag:$0x6] =	stream.linear.gather [spmem:s20], $0x80, $0x38;
	[tilespmem:$0x1EB80] =	vst v63  }
0x19f: {  	s10 =	simm.s32 $0x1E000;
	s11 =	sld [smem:$0x7D9]  }
0x1a0: {  	[tilespmem:s10], [sflag:$0x6] =	stream.linear.gather [spmem:s9], $0x80, $0x38;
	[tilespmem:$0x1EB80] =	vst v63  }
0x1a1: {  	p0 =	por $0x0, $0x0;
	s12 =	simm.s32 $0x1E100;
	s13 =	sld [smem:$0x7DA]  }
0x1a2: {  	[tilespmem:s12], [sflag:$0x6] =	stream.linear.gather [spmem:s11], $0x80, $0x38;
	[tilespmem:$0x1EB80] =	vst v63  }
0x1a3: {  	s7 =	simm.s32 $0x1;
	s19 =	simm.s32 $0x1E200;
	s20 =	sld [smem:$0x7DB]  }
0x1a4: {  	[tilespmem:s19], [sflag:$0x6] =	stream.linear.gather [spmem:s13], $0x80, $0x38;
	[tilespmem:$0x1EB80] =	vst v63  }
0x1a5: {  	s7 =	simm.s32 @!p0 $0x0;
	s8 =	sld [smem:$0x7DC];
	s26 =	simm.s32 $0x1E300  }
0x1a6: {  	[tilespmem:s26], [sflag:$0x6] =	stream.linear.gather [spmem:s20], $0x80, $0x38;
	[tilespmem:$0x1EB80] =	vst v63  }
0x1a7: {  	s7 =	sshll.u32 s7, $0x6;
	s9 =	simm.s32 $0x1E400;
	s10 =	sld [smem:$0x7DD]  }
0x1a8: {  	[tilespmem:s9], [sflag:$0x6] =	stream.linear.gather [spmem:s8], $0x80, $0x38;
	[tilespmem:$0x1EB80] =	vst v63  }
0x1a9: {  	s7 =	sadd.s32 $0x0, s7;
	s11 =	simm.s32 $0x1E500;
	s12 =	sld [smem:$0x7DE]  }
0x1aa: {  	v3 =	vsub.f32 v7, v3;
	[tilespmem:s11], [sflag:$0x6] =	stream.linear.gather [spmem:s10], $0x80, $0x38;
	[tilespmem:$0x1EB80] =	vst v63  }
0x1ab: {  	v6 =	vsub.f32 v8, v6;
	v8 =	vsub.f32 v13, v9;
	s13 =	simm.s32 $0x1E600;
	s19 =	sor.u32 $0xB0, s7  }
0x1ac: {  	v3 =	vmul.f32 v3, v3;
	v5 =	vsub.f32 v5, v10;
	[tilespmem:s13], [sflag:$0x6] =	stream.linear.gather [spmem:s12], $0x80, $0x38;
	[tilespmem:$0x1EB80] =	vst v63  }
0x1ad: {  	v6 =	vmul.f32 v6, v6;
	v10 =	vsub.f32 v18, v11;
	v8 =	vmul.f32 v8, v8;
	s20 =	sor.u32 $0x80, s7;
	v24 =	vld [tilespmem:s19+$0x1C700]  }
0x1ae: {  	v3 =	vadd.f32 v3, v0;
	v11 =	vsub.f32 v19, v12;
	v5 =	vmul.f32 v5, v5;
	v25 =	vld [tilespmem:s20+$0x1C700]  }
0x1af: {  	v4 =	vadd.f32 v6, v4;
	v6 =	vmul.f32 v10, v10;
	v1 =	vadd.f32 v8, v1;
	s26 =	sor.u32 $0x90, s7  }
0x1b0: {  	v2 =	vadd.f32 v5, v2;
	v5 =	vmul.f32 v11, v11;
	v8 =	vsub.f32 v21, v14;
	s7 =	sor.u32 $0xA0, s7;
	s9 =	simm.s32 $0x0;
	v26 =	vld [tilespmem:s26+$0x1C700]  }
0x1b1: {  	s10 =	sand.u32 $0xFC0, s9;
	v27 =	vld [tilespmem:s7+$0x1C700]  }
0x1b2: {  	p0 =	por !p0, !p0;
	v3 =	vadd.f32 v6, v3;
	v4 =	vadd.f32 v5, v4;
	v8 =	vmul.f32 v8, v8;
	s11 =	simm.s32 $0x19730;
	v7 =	vld [tilespmem:s10+$0x19700];
	s7 =	simm.s32 $0x1  }
0x1b3: {  	v5 =	vsub.f32 v20, v15;
	v6 =	vsub.f32 v22, v16;
	v13 =	vld [tilespmem:s11+$0x0];
	s7 =	simm.s32 @!p0 $0x0  }
0x1b4: {  	v14 =	vsub.f32 v23, v17;
	v63 =	vadd.f32 v8, v1;
	v8 =	vld [tilespmem:s11+$0xFFFFFFF0];
	s7 =	sshll.u32 s7, $0x6  }
0x1b5: {  	v15 =	vmul.f32 v5, v5;
	s7 =	sadd.s32 $0x80, s7;
	v9 =	vld.idx.msk [tilespmem:v24+s2+$0x0], $0xffff  }
0x1b6: {  	v1 =	vmul.f32 v6, v6;
	v6 =	vmul.f32 v14, v14;
	s20 =	simm.s32 $0x40;
	s12 =	sor.u32 $0xB0, s7;
	v61 =	vld.idx.msk [tilespmem:v25+s2+$0x0], $0xffff  }
0x1b7: {  	v14 =	vadd.f32 v15, v2;
	s26 =	sand.u32 $0xFC0, s20;
	v62 =	vld [tilespmem:s12+$0x1C700]  }
0x1b8: {  	v2 =	vadd.f32 v1, v3;
	v1 =	vadd.f32 v6, v4;
	v6 =	vld [tilespmem:s26+$0x19700];
	s13 =	sor.u32 $0x80, s7  }
0x1b9: {  	s19 =	sor.u32 $0x90, s7;
	v11 =	vld [tilespmem:s13+$0x1C700]  }
0x1ba: {  	v10 =	vld [tilespmem:s19+$0x1C700]  }
0x1bb: {  	v0 =	vld.idx.msk [tilespmem:v26+s2+$0x0], $0xffff;
	v9 =	vsub.f32 v13, v9;
	v13 =	vsub.f32 v7, v61  }
0x1bc: {  	v7 =	vld [tilespmem:s11+$0xFFFFFFE0]  }
0x1bd: {  	s8 =	simm.s32 $0x19770;
	s7 =	sor.u32 $0xA0, s7;
	v5 =	vld.idx.msk [tilespmem:v27+s2+$0x0], $0xffff;
	v9 =	vmul.f32 v9, v9;
	v13 =	vmul.f32 v13, v13  }
0x1be: {  	s9 =	simm.s32 $0x80;
	p0 =	por !p0, !p0;
	v12 =	vld [tilespmem:s7+$0x1C700];
	s19 =	simm.s32 $0x1  }
0x1bf: {  	s10 =	simm.s32 $0xC0;
	s7 =	simm.s32 $0x80;
	s19 =	simm.s32 @!p0 $0x0;
	v3 =	vadd.f32 v9, v63;
	v9 =	vld.idx.msk [tilespmem:v62+s2+$0x0], $0xffff;
	v4 =	vadd.f32 v13, v14  }
.LBB2_4:
0x1c0: {  	p1 =	sne.s32 s10, $0xFC0;
	s11 =	sshll.u32 s19, $0x6;
	v13 =	vld [tilespmem:s8+$0x0];
	s9 =	sadd.s32 $0x80, s9  }
0x1c1: {  	s11 =	sadd.s32 s11, s9;
	v14 =	vld.idx.msk [tilespmem:v11+s2+$0x0], $0xffff;
	v7 =	vsub.f32 v7, v0  }
0x1c2: {  	s12 =	sor.u32 $0x80, s11;
	s13 =	sor.u32 $0x90, s11;
	s19 =	sor.u32 $0xB0, s11;
	v0 =	vld.idx.msk [tilespmem:v10+s2+$0x0], $0xffff;
	v5 =	vsub.f32 v8, v5  }
0x1c3: {  	s11 =	sor.u32 $0xA0, s11;
	v15 =	vld [tilespmem:s19+$0x1C700];
	v7 =	vmul.f32 v7, v7  }
0x1c4: {  	v11 =	vld [tilespmem:s12+$0x1C700];
	v5 =	vmul.f32 v5, v5  }
0x1c5: {  	v10 =	vld [tilespmem:s13+$0x1C700];
	v8 =	vsub.f32 v13, v9;
	v2 =	vadd.f32 v7, v2  }
0x1c6: {  	v13 =	vld [tilespmem:s11+$0x1C700];
	v1 =	vadd.f32 v5, v1  }
.Ltmp1:
0x1c7: {  	v6 =	vsub.f32 v6, v14;
	v5 =	vld.idx.msk [tilespmem:v12+s2+$0x0], $0xffff;
	v9 =	vmul.f32 v8, v8;
	(pc) =	sbr.rel @p1 .LBB2_4-.Ltmp1, $4  }
0x1c8: {  	v7 =	vld [tilespmem:s8+$0xFFFFFFE0]  }
0x1c9: {  	s11 =	sand.u32 $0xFC0, s7;
	s7 =	smov.u32 s10;
	v14 =	vmul.f32 v6, v6;
	v8 =	vld [tilespmem:s8+$0xFFFFFFF0];
	v3 =	vadd.f32 v9, v3  }
0x1ca: {  	p0 =	por !p0, !p0;
	s19 =	simm.s32 $0x1;
	v6 =	vld [tilespmem:s11+$0x19700]  }
0x1cb: {  	s19 =	simm.s32 @!p0 $0x0;
	s10 =	sadd.s32 $0x40, s10;
	s8 =	sadd.s32 $0x40, s8;
	v4 =	vadd.f32 v14, v4;
	v9 =	vld.idx.msk [tilespmem:v15+s2+$0x0], $0xffff;
	v12 =	vmov v13  }
0x1cc: {  	_ =	sdelay $0x2  }
0x1cd: {  	v13 =	vld [tilespmem:s8+$0x0]  }
0x1ce: {  	v11 =	vld.idx.msk [tilespmem:v11+s2+$0x0], $0xffff  }
0x1cf: {  	v10 =	vld.idx.msk [tilespmem:v10+s2+$0x0], $0xffff  }
0x1d0: {  	s10 =	sshll.u32 s19, $0x6;
	s9 =	sadd.s32 $0x80, s9;
	v12 =	vld.idx.msk [tilespmem:v12+s2+$0x0], $0xffff  }
0x1d1: {  	v18 =	vld [tilespmem:s8+$0xFFFFFFE0];
	s9 =	sadd.s32 s10, s9  }
0x1d2: {  	v19 =	vld [tilespmem:s8+$0xFFFFFFF0];
	s10 =	sor.u32 $0xB0, s9  }
0x1d3: {  	s11 =	sor.u32 $0x80, s9;
	v14 =	vld [tilespmem:s10+$0x1C700]  }
0x1d4: {  	s26 =	sor.u32 $0x90, s9;
	v15 =	vld [tilespmem:s11+$0x1C700]  }
0x1d5: {  	s9 =	sor.u32 $0xA0, s9;
	v16 =	vld [tilespmem:s26+$0x1C700]  }
0x1d6: {  	s7 =	sand.u32 $0xFC0, s7;
	v17 =	vld [tilespmem:s9+$0x1C700]  }
0x1d7: {  	s8 =	sadd.s32 $0x40, s8;
	v20 =	vld [tilespmem:s7+$0x19700]  }
0x1d8: {  	v21 =	vld [tilespmem:s8+$0x0]  }
0x1d9: {  	v22 =	vld [tilespmem:s8+$0xFFFFFFE0]  }
0x1da: {  	v23 =	vld [tilespmem:s8+$0xFFFFFFF0]  }
0x1db: {  	v14 =	vld.idx.msk [tilespmem:v14+s2+$0x0], $0xffff  }
0x1dc: {  	v15 =	vld.idx.msk [tilespmem:v15+s2+$0x0], $0xffff  }
0x1dd: {  	v16 =	vld.idx.msk [tilespmem:v16+s2+$0x0], $0xffff  }
0x1de: {  	v17 =	vld.idx.msk [tilespmem:v17+s2+$0x0], $0xffff;
	_ =	swait.ge [sflag:s18], $0x1000  }
0x1df: {  	[sflag:s18] =	ssyncset.done $0x0;
	s9 =	rddreg [dreg:$0xf]  }
0x1e0: {  	s10 =	simm.s32 $0x1C780;
	s11 =	sld [smem:$0x7DF];
	[sflag:s18] =	ssyncadd.s32 $0xFFFFF000  }
0x1e1: {  	[tilespmem:s10], [sflag:$0x6] =	stream.linear.gather [spmem:s9], $0x80, $0x38;
	[tilespmem:$0x1EB80] =	vst v63  }
0x1e2: {  	s12 =	simm.s32 $0x1C880;
	s13 =	sld [smem:$0x7E0]  }
0x1e3: {  	[tilespmem:s12], [sflag:$0x6] =	stream.linear.gather [spmem:s11], $0x80, $0x38;
	[tilespmem:$0x1EB80] =	vst v63  }
0x1e4: {  	s19 =	simm.s32 $0x1C980;
	s20 =	sld [smem:$0x7E1]  }
0x1e5: {  	[tilespmem:s19], [sflag:$0x6] =	stream.linear.gather [spmem:s13], $0x80, $0x38;
	[tilespmem:$0x1EB80] =	vst v63  }
0x1e6: {  	s26 =	simm.s32 $0x1CA80;
	s9 =	sld [smem:$0x7E2]  }
0x1e7: {  	[tilespmem:s26], [sflag:$0x6] =	stream.linear.gather [spmem:s20], $0x80, $0x38;
	[tilespmem:$0x1EB80] =	vst v63  }
0x1e8: {  	s10 =	simm.s32 $0x1CB80;
	s11 =	sld [smem:$0x7E3]  }
0x1e9: {  	[tilespmem:s10], [sflag:$0x6] =	stream.linear.gather [spmem:s9], $0x80, $0x38;
	[tilespmem:$0x1EB80] =	vst v63  }
0x1ea: {  	s12 =	simm.s32 $0x1CC80;
	s13 =	sld [smem:$0x7E4]  }
0x1eb: {  	[tilespmem:s12], [sflag:$0x6] =	stream.linear.gather [spmem:s11], $0x80, $0x38;
	[tilespmem:$0x1EB80] =	vst v63  }
0x1ec: {  	s19 =	simm.s32 $0x1CD80;
	s20 =	sld [smem:$0x7E5]  }
0x1ed: {  	[tilespmem:s19], [sflag:$0x6] =	stream.linear.gather [spmem:s13], $0x80, $0x38;
	[tilespmem:$0x1EB80] =	vst v63  }
0x1ee: {  	s26 =	simm.s32 $0x1CE80;
	s9 =	sld [smem:$0x7E6]  }
0x1ef: {  	[tilespmem:s26], [sflag:$0x6] =	stream.linear.gather [spmem:s20], $0x80, $0x38;
	[tilespmem:$0x1EB80] =	vst v63  }
0x1f0: {  	s10 =	simm.s32 $0x1CF80;
	s11 =	sld [smem:$0x7E7]  }
0x1f1: {  	[tilespmem:s10], [sflag:$0x6] =	stream.linear.gather [spmem:s9], $0x80, $0x38;
	[tilespmem:$0x1EB80] =	vst v63  }
0x1f2: {  	s12 =	simm.s32 $0x1D080;
	s13 =	sld [smem:$0x7E8]  }
0x1f3: {  	[tilespmem:s12], [sflag:$0x6] =	stream.linear.gather [spmem:s11], $0x80, $0x38;
	[tilespmem:$0x1EB80] =	vst v63  }
0x1f4: {  	s19 =	simm.s32 $0x1D180;
	s20 =	sld [smem:$0x7E9]  }
0x1f5: {  	[tilespmem:s19], [sflag:$0x6] =	stream.linear.gather [spmem:s13], $0x80, $0x38;
	[tilespmem:$0x1EB80] =	vst v63  }
0x1f6: {  	s26 =	simm.s32 $0x1D280;
	s9 =	sld [smem:$0x7EA]  }
0x1f7: {  	[tilespmem:s26], [sflag:$0x6] =	stream.linear.gather [spmem:s20], $0x80, $0x38;
	[tilespmem:$0x1EB80] =	vst v63  }
0x1f8: {  	s10 =	simm.s32 $0x1D380;
	s11 =	sld [smem:$0x7EB]  }
0x1f9: {  	[tilespmem:s10], [sflag:$0x6] =	stream.linear.gather [spmem:s9], $0x80, $0x38;
	[tilespmem:$0x1EB80] =	vst v63  }
0x1fa: {  	s12 =	simm.s32 $0x1D480;
	s13 =	sld [smem:$0x7EC]  }
0x1fb: {  	[tilespmem:s12], [sflag:$0x6] =	stream.linear.gather [spmem:s11], $0x80, $0x38;
	[tilespmem:$0x1EB80] =	vst v63  }
0x1fc: {  	s19 =	simm.s32 $0x1D580;
	s20 =	sld [smem:$0x7ED]  }
0x1fd: {  	[tilespmem:s19], [sflag:$0x6] =	stream.linear.gather [spmem:s13], $0x80, $0x38;
	[tilespmem:$0x1EB80] =	vst v63  }
0x1fe: {  	s26 =	simm.s32 $0x1D680;
	s9 =	sld [smem:$0x7EE]  }
0x1ff: {  	[tilespmem:s26], [sflag:$0x6] =	stream.linear.gather [spmem:s20], $0x80, $0x38;
	[tilespmem:$0x1EB80] =	vst v63  }
0x200: {  	s10 =	simm.s32 $0x1D780;
	s11 =	sld [smem:$0x7EF]  }
0x201: {  	[tilespmem:s10], [sflag:$0x6] =	stream.linear.gather [spmem:s9], $0x80, $0x38;
	[tilespmem:$0x1EB80] =	vst v63  }
0x202: {  	s12 =	simm.s32 $0x1D880;
	s13 =	sld [smem:$0x7F0]  }
0x203: {  	[tilespmem:s12], [sflag:$0x6] =	stream.linear.gather [spmem:s11], $0x80, $0x38;
	[tilespmem:$0x1EB80] =	vst v63  }
0x204: {  	s19 =	simm.s32 $0x1D980;
	s20 =	sld [smem:$0x7F1]  }
0x205: {  	[tilespmem:s19], [sflag:$0x6] =	stream.linear.gather [spmem:s13], $0x80, $0x38;
	[tilespmem:$0x1EB80] =	vst v63  }
0x206: {  	s26 =	simm.s32 $0x1DA80;
	s9 =	sld [smem:$0x7F2]  }
0x207: {  	[tilespmem:s26], [sflag:$0x6] =	stream.linear.gather [spmem:s20], $0x80, $0x38;
	[tilespmem:$0x1EB80] =	vst v63  }
0x208: {  	s10 =	simm.s32 $0x1DB80;
	s11 =	sld [smem:$0x7F3]  }
0x209: {  	[tilespmem:s10], [sflag:$0x6] =	stream.linear.gather [spmem:s9], $0x80, $0x38;
	[tilespmem:$0x1EB80] =	vst v63  }
0x20a: {  	s12 =	simm.s32 $0x1DC80;
	s13 =	sld [smem:$0x7F4]  }
0x20b: {  	[tilespmem:s12], [sflag:$0x6] =	stream.linear.gather [spmem:s11], $0x80, $0x38;
	[tilespmem:$0x1EB80] =	vst v63  }
0x20c: {  	s19 =	simm.s32 $0x1DD80;
	s20 =	sld [smem:$0x7F5]  }
0x20d: {  	[tilespmem:s19], [sflag:$0x6] =	stream.linear.gather [spmem:s13], $0x80, $0x38;
	[tilespmem:$0x1EB80] =	vst v63  }
0x20e: {  	s8 =	sld [smem:$0x7F6];
	s26 =	simm.s32 $0x1DE80  }
0x20f: {  	[tilespmem:s26], [sflag:$0x6] =	stream.linear.gather [spmem:s20], $0x80, $0x38;
	[tilespmem:$0x1EB80] =	vst v63  }
0x210: {  	s9 =	simm.s32 $0x1DF80;
	s10 =	sld [smem:$0x7F7]  }
0x211: {  	[tilespmem:s9], [sflag:$0x6] =	stream.linear.gather [spmem:s8], $0x80, $0x38;
	[tilespmem:$0x1EB80] =	vst v63  }
0x212: {  	s11 =	simm.s32 $0x1E080;
	s12 =	sld [smem:$0x7F8]  }
0x213: {  	[tilespmem:s11], [sflag:$0x6] =	stream.linear.gather [spmem:s10], $0x80, $0x38;
	[tilespmem:$0x1EB80] =	vst v63  }
0x214: {  	s13 =	simm.s32 $0x1E180;
	s19 =	sld [smem:$0x7F9]  }
0x215: {  	[tilespmem:s13], [sflag:$0x6] =	stream.linear.gather [spmem:s12], $0x80, $0x38;
	[tilespmem:$0x1EB80] =	vst v63  }
0x216: {  	s20 =	sld [smem:$0x7FA]  }
0x217: {  	[tilespmem:s4], [sflag:$0x6] =	stream.linear.gather [spmem:s19], $0x80, $0x38;
	[tilespmem:$0x1EB80] =	vst v63  }
0x218: {  	s26 =	sld [smem:$0x7FB]  }
0x219: {  	[tilespmem:s22], [sflag:$0x6] =	stream.linear.gather [spmem:s20], $0x80, $0x38;
	[tilespmem:$0x1EB80] =	vst v63  }
0x21a: {  	s8 =	sld [smem:$0x7FC];
	s10 =	simm.s32 $0x0  }
0x21b: {  	[tilespmem:s5], [sflag:$0x6] =	stream.linear.gather [spmem:s26], $0x80, $0x38;
	[tilespmem:$0x1EB80] =	vst v63  }
0x21c: {  	s9 =	sld [smem:$0x7FD];
	s11 =	sand.u32 $0x40, s10;
	s12 =	sand.u32 $0x1F00, s10  }
0x21d: {  	[tilespmem:s23], [sflag:$0x6] =	stream.linear.gather [spmem:s8], $0x80, $0x38;
	[tilespmem:$0x1EB80] =	vst v63  }
0x21e: {  	s8 =	sor.u32 s11, s12  }
0x21f: {  	[tilespmem:s6], [sflag:$0x6] =	stream.linear.gather [spmem:s9], $0x80, $0x38;
	[tilespmem:$0x1EB80] =	vst v63  }
0x220: {  	s9 =	sadd.s32 $0x1C700, s8;
	v24 =	vld [tilespmem:s8+$0x1C700]  }
0x221: {  	v25 =	vld [tilespmem:s9+$0x30]  }
0x222: {  	v26 =	vld [tilespmem:s9+$0x10]  }
0x223: {  	v0 =	vsub.f32 v7, v0;
	s7 =	sand.u32 $0xFC0, s10;
	v27 =	vld [tilespmem:s9+$0x20]  }
0x224: {  	v5 =	vsub.f32 v8, v5;
	v8 =	vsub.f32 v13, v9;
	s13 =	simm.s32 $0x1A730;
	s19 =	simm.s32 $0x40;
	s20 =	simm.s32 $0x80;
	v28 =	vld [tilespmem:s7+$0x1A700]  }
0x225: {  	v0 =	vmul.f32 v0, v0;
	v6 =	vsub.f32 v6, v11;
	s26 =	sand.u32 $0x40, s19;
	s9 =	sand.u32 $0x1F00, s20;
	v11 =	vld [tilespmem:s13+$0x0]  }
0x226: {  	v8 =	vmul.f32 v8, v8;
	v62 =	vld [tilespmem:s13+$0xFFFFFFE0];
	s9 =	sor.u32 s26, s9  }
0x227: {  	v0 =	vadd.f32 v0, v2;
	v2 =	vmul.f32 v6, v6;
	v6 =	vsub.f32 v19, v12;
	s10 =	sadd.s32 $0x1C700, s9;
	v12 =	vld [tilespmem:s9+$0x1C700]  }
0x228: {  	v5 =	vmul.f32 v5, v5;
	v9 =	vsub.f32 v18, v10;
	v3 =	vadd.f32 v8, v3;
	v8 =	vld [tilespmem:s10+$0x30]  }
0x229: {  	v2 =	vadd.f32 v2, v4;
	v4 =	vmul.f32 v6, v6;
	v6 =	vsub.f32 v21, v14;
	v7 =	vld.idx.msk [tilespmem:v24+s2+$0x0], $0xffff  }
0x22a: {  	v1 =	vadd.f32 v5, v1;
	v5 =	vmul.f32 v9, v9;
	v13 =	vld.idx.msk [tilespmem:v25+s2+$0x0], $0xffff  }
0x22b: {  	v63 =	vmul.f32 v6, v6;
	v6 =	vld [tilespmem:s13+$0xFFFFFFF0]  }
0x22c: {  	v0 =	vadd.f32 v5, v0;
	v5 =	vsub.f32 v20, v15;
	v9 =	vld [tilespmem:s10+$0x10]  }
0x22d: {  	v14 =	vsub.f32 v22, v16;
	v61 =	vld.idx.msk [tilespmem:v26+s2+$0x0], $0xffff  }
0x22e: {  	v1 =	vadd.f32 v4, v1;
	v15 =	vsub.f32 v23, v17;
	v5 =	vmul.f32 v5, v5;
	v10 =	vld [tilespmem:s10+$0x20]  }
0x22f: {  	v14 =	vmul.f32 v14, v14;
	v4 =	vld.idx.msk [tilespmem:v27+s2+$0x0], $0xffff;
	v7 =	vsub.f32 v28, v7;
	v11 =	vsub.f32 v11, v13  }
0x230: {  	v3 =	vadd.f32 v63, v3;
	s8 =	sand.u32 $0xFC0, s19;
	v8 =	vld.idx.msk [tilespmem:v8+s2+$0x0], $0xffff;
	v13 =	vadd.f32 v5, v2;
	v2 =	vmul.f32 v15, v15  }
0x231: {  	v0 =	vadd.f32 v14, v0;
	v5 =	vld [tilespmem:s8+$0x1A700];
	v15 =	vmul.f32 v7, v7;
	v11 =	vmul.f32 v11, v11  }
0x232: {  	s7 =	simm.s32 $0x1A770;
	s9 =	simm.s32 $0x100;
	s8 =	simm.s32 $0x80;
	v7 =	vld.idx.msk [tilespmem:v12+s2+$0x0], $0xffff;
	v2 =	vadd.f32 v2, v1;
	v12 =	vsub.f32 v62, v61  }
0x233: {  	s20 =	sand.u32 $0x1F00, s9;
	s10 =	simm.s32 $0xC0;
	s19 =	sand.u32 $0x40, s8;
	v1 =	vadd.f32 v15, v13;
	v3 =	vadd.f32 v11, v3;
	v11 =	vld [tilespmem:s7+$0x0]  }
.LBB2_6:
0x234: {  	p0 =	sne.s32 s10, $0xFC0;
	s11 =	sor.u32 s19, s20;
	v13 =	vld.idx.msk [tilespmem:v9+s2+$0x0], $0xffff;
	v4 =	vsub.f32 v6, v4  }
0x235: {  	s12 =	sadd.s32 $0x1C700, s11;
	v14 =	vld [tilespmem:s11+$0x1C700];
	v6 =	vmul.f32 v12, v12  }
0x236: {  	v12 =	vld [tilespmem:s12+$0x30];
	v4 =	vmul.f32 v4, v4  }
0x237: {  	v5 =	vsub.f32 v5, v7;
	v9 =	vld [tilespmem:s12+$0x10];
	v0 =	vadd.f32 v6, v0  }
0x238: {  	v15 =	vld [tilespmem:s12+$0x20];
	v6 =	vsub.f32 v11, v8;
	v2 =	vadd.f32 v4, v2  }
0x239: {  	v5 =	vmul.f32 v5, v5;
	v4 =	vld.idx.msk [tilespmem:v10+s2+$0x0], $0xffff  }
0x23a: {  	v16 =	vld [tilespmem:s7+$0xFFFFFFE0];
	v7 =	vmul.f32 v6, v6  }
.Ltmp2:
0x23b: {  	s11 =	sand.u32 $0xFC0, s8;
	s8 =	smov.u32 s10;
	v1 =	vadd.f32 v5, v1;
	v6 =	vld [tilespmem:s7+$0xFFFFFFF0];
	(pc) =	sbr.rel @p0 .LBB2_6-.Ltmp2, $4  }
0x23c: {  	v5 =	vld [tilespmem:s11+$0x1A700];
	v3 =	vadd.f32 v7, v3  }
0x23d: {  	v7 =	vld.idx.msk [tilespmem:v14+s2+$0x0], $0xffff;
	v10 =	vmov v15  }
0x23e: {  	s9 =	sadd.s32 $0x80, s9;
	s7 =	sadd.s32 $0x40, s7;
	v8 =	vld.idx.msk [tilespmem:v12+s2+$0x0], $0xffff  }
0x23f: {  	s20 =	sand.u32 $0x1F00, s9;
	s10 =	sadd.s32 $0x40, s10;
	s19 =	sand.u32 $0x40, s8;
	v11 =	vld [tilespmem:s7+$0x0];
	v12 =	vsub.f32 v16, v13  }
0x240: {  	_ =	sdelay $0x3  }
0x241: {  	v9 =	vld.idx.msk [tilespmem:v9+s2+$0x0], $0xffff  }
0x242: {  	v10 =	vld.idx.msk [tilespmem:v10+s2+$0x0], $0xffff  }
0x243: {  	v17 =	vld [tilespmem:s7+$0xFFFFFFE0]  }
0x244: {  	s9 =	sor.u32 s19, s20;
	v18 =	vld [tilespmem:s7+$0xFFFFFFF0]  }
0x245: {  	s10 =	sadd.s32 $0x1C700, s9;
	v13 =	vld [tilespmem:s9+$0x1C700]  }
0x246: {  	v14 =	vld [tilespmem:s10+$0x30]  }
0x247: {  	v15 =	vld [tilespmem:s10+$0x10]  }
0x248: {  	s8 =	sand.u32 $0xFC0, s8;
	v16 =	vld [tilespmem:s10+$0x20]  }
0x249: {  	s12 =	sadd.s32 $0x40, s7;
	v19 =	vld [tilespmem:s8+$0x1A700]  }
0x24a: {  	v20 =	vld [tilespmem:s12+$0x0]  }
0x24b: {  	v21 =	vld [tilespmem:s12+$0xFFFFFFE0]  }
0x24c: {  	v22 =	vld [tilespmem:s12+$0xFFFFFFF0]  }
0x24d: {  	v13 =	vld.idx.msk [tilespmem:v13+s2+$0x0], $0xffff  }
0x24e: {  	p0 =	por $0x0, $0x0;
	s8 =	simm.s32 $0x1;
	v14 =	vld.idx.msk [tilespmem:v14+s2+$0x0], $0xffff  }
0x24f: {  	s8 =	simm.s32 @!p0 $0x0;
	v15 =	vld.idx.msk [tilespmem:v15+s2+$0x0], $0xffff  }
0x250: {  	s13 =	sshll.u32 s8, $0x6;
	v16 =	vld.idx.msk [tilespmem:v16+s2+$0x0], $0xffff;
	_ =	swait.ge [sflag:s18], $0x1000  }
0x251: {  	s7 =	sadd.s32 $0x0, s13;
	[sflag:s18] =	ssyncset.done $0x0  }
0x252: {  	s19 =	sor.u32 $0xB0, s7;
	[sflag:s18] =	ssyncadd.s32 $0xFFFFF000  }
0x253: {  	s20 =	sor.u32 $0x80, s7;
	v23 =	vld [tilespmem:s19+$0x1C700]  }
0x254: {  	s26 =	sor.u32 $0x90, s7;
	s7 =	sor.u32 $0xA0, s7;
	v24 =	vld [tilespmem:s20+$0x1C700]  }
0x255: {  	p0 =	por !p0, !p0;
	v26 =	vld [tilespmem:s7+$0x1C700];
	s7 =	simm.s32 $0x1  }
0x256: {  	v4 =	vsub.f32 v6, v4;
	s9 =	simm.s32 $0x0;
	s7 =	simm.s32 @!p0 $0x0  }
0x257: {  	s10 =	sand.u32 $0xFC0, s9;
	v5 =	vsub.f32 v5, v7;
	v25 =	vld [tilespmem:s26+$0x1C700];
	s7 =	sshll.u32 s7, $0x6  }
0x258: {  	s11 =	simm.s32 $0x1B730;
	v4 =	vmul.f32 v4, v4;
	v7 =	vsub.f32 v11, v8;
	v9 =	vsub.f32 v17, v9;
	v6 =	vld [tilespmem:s10+$0x1B700];
	s7 =	sadd.s32 $0x80, s7  }
0x259: {  	v11 =	vmul.f32 v12, v12;
	v61 =	vld [tilespmem:s11+$0x0];
	s12 =	sor.u32 $0xB0, s7  }
0x25a: {  	v2 =	vadd.f32 v4, v2;
	v7 =	vmul.f32 v7, v7;
	v4 =	vmul.f32 v9, v9;
	v9 =	vld [tilespmem:s12+$0x1C700]  }
0x25b: {  	v10 =	vsub.f32 v18, v10;
	v11 =	vadd.f32 v11, v0;
	v8 =	vld.idx.msk [tilespmem:v23+s2+$0x0], $0xffff  }
0x25c: {  	v5 =	vmul.f32 v5, v5;
	v3 =	vadd.f32 v7, v3;
	v7 =	vsub.f32 v19, v13;
	s13 =	sor.u32 $0x80, s7;
	v62 =	vld.idx.msk [tilespmem:v24+s2+$0x0], $0xffff  }
0x25d: {  	v4 =	vadd.f32 v4, v11;
	s19 =	sor.u32 $0x90, s7;
	v11 =	vld [tilespmem:s13+$0x1C700]  }
0x25e: {  	v1 =	vadd.f32 v5, v1;
	v5 =	vmul.f32 v10, v10;
	v7 =	vmul.f32 v7, v7;
	s7 =	sor.u32 $0xA0, s7;
	v10 =	vld [tilespmem:s19+$0x1C700]  }
0x25f: {  	v13 =	vsub.f32 v20, v14;
	v14 =	vsub.f32 v21, v15;
	v12 =	vld [tilespmem:s7+$0x1C700]  }
0x260: {  	v15 =	vsub.f32 v22, v16;
	v63 =	vadd.f32 v7, v1;
	v7 =	vld [tilespmem:s11+$0xFFFFFFE0]  }
0x261: {  	v13 =	vmul.f32 v13, v13;
	v0 =	vld.idx.msk [tilespmem:v25+s2+$0x0], $0xffff;
	v8 =	vsub.f32 v61, v8;
	v6 =	vsub.f32 v6, v62  }
0x262: {  	v2 =	vadd.f32 v5, v2;
	v1 =	vmul.f32 v14, v14;
	v14 =	vmul.f32 v15, v15;
	v5 =	vld.idx.msk [tilespmem:v26+s2+$0x0], $0xffff  }
0x263: {  	s9 =	simm.s32 $0x80;
	s8 =	simm.s32 $0x1B770;
	s20 =	simm.s32 $0x40;
	v3 =	vadd.f32 v13, v3;
	v13 =	vmul.f32 v8, v8;
	v15 =	vmul.f32 v6, v6;
	v8 =	vld [tilespmem:s11+$0xFFFFFFF0]  }
0x264: {  	s26 =	sand.u32 $0xFC0, s20;
	p0 =	por !p0, !p0;
	s19 =	simm.s32 $0x1;
	v1 =	vadd.f32 v1, v4;
	v2 =	vadd.f32 v14, v2;
	v9 =	vld.idx.msk [tilespmem:v9+s2+$0x0], $0xffff  }
0x265: {  	s10 =	simm.s32 $0xC0;
	s7 =	simm.s32 $0x80;
	s19 =	simm.s32 @!p0 $0x0;
	v6 =	vld [tilespmem:s26+$0x1B700];
	v3 =	vadd.f32 v13, v3;
	v4 =	vadd.f32 v15, v63  }
.LBB2_8:
0x266: {  	p1 =	sne.s32 s10, $0xFC0;
	s11 =	sshll.u32 s19, $0x6;
	v13 =	vld [tilespmem:s8+$0x0];
	s9 =	sadd.s32 $0x80, s9  }
0x267: {  	s11 =	sadd.s32 s11, s9;
	v14 =	vld.idx.msk [tilespmem:v11+s2+$0x0], $0xffff;
	v7 =	vsub.f32 v7, v0  }
0x268: {  	s12 =	sor.u32 $0x80, s11;
	s13 =	sor.u32 $0x90, s11;
	s19 =	sor.u32 $0xB0, s11;
	v0 =	vld.idx.msk [tilespmem:v10+s2+$0x0], $0xffff;
	v5 =	vsub.f32 v8, v5  }
0x269: {  	s11 =	sor.u32 $0xA0, s11;
	v15 =	vld [tilespmem:s19+$0x1C700];
	v7 =	vmul.f32 v7, v7  }
0x26a: {  	v11 =	vld [tilespmem:s12+$0x1C700];
	v5 =	vmul.f32 v5, v5  }
0x26b: {  	v10 =	vld [tilespmem:s13+$0x1C700];
	v8 =	vsub.f32 v13, v9;
	v1 =	vadd.f32 v7, v1  }
0x26c: {  	v13 =	vld [tilespmem:s11+$0x1C700];
	v2 =	vadd.f32 v5, v2  }
.Ltmp3:
0x26d: {  	v6 =	vsub.f32 v6, v14;
	v5 =	vld.idx.msk [tilespmem:v12+s2+$0x0], $0xffff;
	v9 =	vmul.f32 v8, v8;
	(pc) =	sbr.rel @p1 .LBB2_8-.Ltmp3, $4  }
0x26e: {  	v7 =	vld [tilespmem:s8+$0xFFFFFFE0]  }
0x26f: {  	s11 =	sand.u32 $0xFC0, s7;
	s7 =	smov.u32 s10;
	v14 =	vmul.f32 v6, v6;
	v8 =	vld [tilespmem:s8+$0xFFFFFFF0];
	v3 =	vadd.f32 v9, v3  }
0x270: {  	p0 =	por !p0, !p0;
	s19 =	simm.s32 $0x1;
	v6 =	vld [tilespmem:s11+$0x1B700]  }
0x271: {  	s19 =	simm.s32 @!p0 $0x0;
	s10 =	sadd.s32 $0x40, s10;
	s8 =	sadd.s32 $0x40, s8;
	v4 =	vadd.f32 v14, v4;
	v9 =	vld.idx.msk [tilespmem:v15+s2+$0x0], $0xffff;
	v12 =	vmov v13  }
0x272: {  	_ =	sdelay $0x2  }
0x273: {  	v19 =	vld [tilespmem:s8+$0x0]  }
0x274: {  	v21 =	vld.idx.msk [tilespmem:v11+s2+$0x0], $0xffff  }
0x275: {  	s10 =	sshll.u32 s19, $0x6;
	s9 =	sadd.s32 $0x80, s9;
	v18 =	vld.idx.msk [tilespmem:v10+s2+$0x0], $0xffff  }
0x276: {  	v20 =	vld.idx.msk [tilespmem:v12+s2+$0x0], $0xffff;
	s9 =	sadd.s32 s10, s9  }
0x277: {  	v23 =	vld [tilespmem:s8+$0xFFFFFFE0];
	s10 =	sor.u32 $0xB0, s9  }
0x278: {  	s11 =	sor.u32 $0x80, s9;
	v11 =	vld [tilespmem:s10+$0x1C700]  }
0x279: {  	s20 =	sor.u32 $0x90, s9;
	v13 =	vld [tilespmem:s11+$0x1C700]  }
0x27a: {  	v15 =	vld [tilespmem:s20+$0x1C700]  }
0x27b: {  	v22 =	vld [tilespmem:s8+$0xFFFFFFF0];
	s9 =	sor.u32 $0xA0, s9  }
0x27c: {  	s7 =	sand.u32 $0xFC0, s7;
	v24 =	vld [tilespmem:s9+$0x1C700]  }
0x27d: {  	s26 =	sadd.s32 $0x40, s8;
	v10 =	vld [tilespmem:s7+$0x1B700]  }
0x27e: {  	v17 =	vld [tilespmem:s26+$0x0]  }
0x27f: {  	v59 =	vld [tilespmem:s26+$0xFFFFFFF0]  }
0x280: {  	v16 =	vld.idx.msk [tilespmem:v11+s2+$0x0], $0xffff  }
0x281: {  	v14 =	vld.idx.msk [tilespmem:v13+s2+$0x0], $0xffff  }
0x282: {  	v58 =	vld.idx.msk [tilespmem:v15+s2+$0x0], $0xffff  }
0x283: {  	s8 =	rddreg [dreg:$0x10];
	v15 =	vld [tilespmem:s26+$0xFFFFFFE0];
	s26 =	simm.s32 $0x0  }
0x284: {  	v11 =	vld.idx.msk [tilespmem:v24+s2+$0x0], $0xffff;
	[tilespmem:s26], [sflag:$0x1] =	stream.strided.gather [hbm4b:s8+s0], $0x6200, s3, s0, $0x38  }
0x285: {  	s9 =	rddreg [dreg:$0x11];
	s10 =	simm.s32 $0x6200  }
0x286: {  	[tilespmem:s10], [sflag:$0x2] =	stream.strided.gather [hbm4b:s9+s0], $0x6200, s3, s0, $0x38;
	[tilespmem:$0x1EB80] =	vst v63  }
0x287: {  	s12 =	simm.s32 $0xC400;
	s11 =	rddreg [dreg:$0x12]  }
0x288: {  	[tilespmem:s12], [sflag:$0x3] =	stream.strided.gather [hbm4b:s11+s0], $0x6200, s3, s0, $0x38;
	[tilespmem:$0x1EB80] =	vst v63  }
0x289: {  	s13 =	rddreg [dreg:$0x13];
	s19 =	simm.s32 $0x12600  }
0x28a: {  	[tilespmem:s19], [sflag:$0x4] =	stream.strided.gather [hbm4b:s13+s0], $0x6100, s3, s0, $0x38;
	[tilespmem:$0x1EB80] =	vst v63  }
0x28b: {  	s7 =	simm.s32 $0x18700;
	s20 =	rddreg [dreg:$0x14]  }
0x28c: {  	[tilespmem:s7], [sflag:$0x5] =	stream.strided.gather [hbm4b:s20+s0], $0x4000, s3, s0, $0x38;
	[tilespmem:$0x1EB80] =	vst v63  }
0x28d: {  	s9 =	rddreg [dreg:$0x19]  }
0x28e: {  	[tilespmem:s21], [sflag:$0x6] =	stream.linear.gather [spmem:s1], $0x80, $0x38;
	[tilespmem:$0x1EB80] =	vst v63  }
0x28f: {  	s21 =	rddreg [dreg:$0x17]  }
0x290: {  	[tilespmem:s25], [sflag:$0x6] =	stream.linear.gather [spmem:s21], $0x80, $0x38;
	[tilespmem:$0x1EB80] =	vst v63  }
0x291: {  	s25 =	rddreg [dreg:$0x18]  }
0x292: {  	[tilespmem:s28], [sflag:$0x6] =	stream.linear.gather [spmem:s25], $0x80, $0x38;
	[tilespmem:$0x1EB80] =	vst v63  }
0x293: {  	s10 =	rddreg [dreg:$0x1a]  }
0x294: {  	[tilespmem:s29], [sflag:$0x6] =	stream.linear.gather [spmem:s9], $0x80, $0x38;
	[tilespmem:$0x1EB80] =	vst v63  }
0x295: {  	s11 =	simm.s32 $0x1CB00;
	s12 =	rddreg [dreg:$0x1c]  }
0x296: {  	[tilespmem:s11], [sflag:$0x6] =	stream.linear.gather [spmem:s10], $0x80, $0x38;
	[tilespmem:$0x1EB80] =	vst v63  }
0x297: {  	s13 =	simm.s32 $0x1CC00;
	s19 =	rddreg [dreg:$0x1d]  }
0x298: {  	[tilespmem:s13], [sflag:$0x6] =	stream.linear.gather [spmem:s12], $0x80, $0x38;
	[tilespmem:$0x1EB80] =	vst v63  }
0x299: {  	s20 =	simm.s32 $0x1CD00;
	s21 =	rddreg [dreg:$0x1e]  }
0x29a: {  	[tilespmem:s20], [sflag:$0x6] =	stream.linear.gather [spmem:s19], $0x80, $0x38;
	[tilespmem:$0x1EB80] =	vst v63  }
0x29b: {  	s25 =	simm.s32 $0x1CE00;
	s10 =	rddreg [dreg:$0x1f]  }
0x29c: {  	[tilespmem:s25], [sflag:$0x6] =	stream.linear.gather [spmem:s21], $0x80, $0x38;
	[tilespmem:$0x1EB80] =	vst v63  }
0x29d: {  	s11 =	simm.s32 $0x1CF00;
	s12 =	sld [smem:$0x78A]  }
0x29e: {  	[tilespmem:s11], [sflag:$0x6] =	stream.linear.gather [spmem:s10], $0x80, $0x38;
	[tilespmem:$0x1EB80] =	vst v63  }
0x29f: {  	s13 =	simm.s32 $0x1D000;
	s19 =	sld [smem:$0x78B]  }
0x2a0: {  	[tilespmem:s13], [sflag:$0x6] =	stream.linear.gather [spmem:s12], $0x80, $0x38;
	[tilespmem:$0x1EB80] =	vst v63  }
0x2a1: {  	s20 =	simm.s32 $0x1D100;
	s21 =	sld [smem:$0x78C]  }
0x2a2: {  	[tilespmem:s20], [sflag:$0x6] =	stream.linear.gather [spmem:s19], $0x80, $0x38;
	[tilespmem:$0x1EB80] =	vst v63  }
0x2a3: {  	s25 =	simm.s32 $0x1D200;
	s10 =	sld [smem:$0x78D]  }
0x2a4: {  	[tilespmem:s25], [sflag:$0x6] =	stream.linear.gather [spmem:s21], $0x80, $0x38;
	[tilespmem:$0x1EB80] =	vst v63  }
0x2a5: {  	s11 =	simm.s32 $0x1D300;
	s12 =	sld [smem:$0x78E]  }
0x2a6: {  	[tilespmem:s11], [sflag:$0x6] =	stream.linear.gather [spmem:s10], $0x80, $0x38;
	[tilespmem:$0x1EB80] =	vst v63  }
0x2a7: {  	s13 =	simm.s32 $0x1D400;
	s19 =	sld [smem:$0x78F]  }
0x2a8: {  	[tilespmem:s13], [sflag:$0x6] =	stream.linear.gather [spmem:s12], $0x80, $0x38;
	[tilespmem:$0x1EB80] =	vst v63  }
0x2a9: {  	s20 =	simm.s32 $0x1D500;
	s21 =	sld [smem:$0x790]  }
0x2aa: {  	[tilespmem:s20], [sflag:$0x6] =	stream.linear.gather [spmem:s19], $0x80, $0x38;
	[tilespmem:$0x1EB80] =	vst v63  }
0x2ab: {  	s25 =	simm.s32 $0x1D600;
	s10 =	sld [smem:$0x791]  }
0x2ac: {  	[tilespmem:s25], [sflag:$0x6] =	stream.linear.gather [spmem:s21], $0x80, $0x38;
	[tilespmem:$0x1EB80] =	vst v63  }
0x2ad: {  	s11 =	simm.s32 $0x1D700;
	s12 =	sld [smem:$0x792]  }
0x2ae: {  	[tilespmem:s11], [sflag:$0x6] =	stream.linear.gather [spmem:s10], $0x80, $0x38;
	[tilespmem:$0x1EB80] =	vst v63  }
0x2af: {  	s13 =	simm.s32 $0x1D800;
	s19 =	sld [smem:$0x793]  }
0x2b0: {  	[tilespmem:s13], [sflag:$0x6] =	stream.linear.gather [spmem:s12], $0x80, $0x38;
	[tilespmem:$0x1EB80] =	vst v63  }
0x2b1: {  	s20 =	simm.s32 $0x1D900;
	s21 =	sld [smem:$0x794]  }
0x2b2: {  	[tilespmem:s20], [sflag:$0x6] =	stream.linear.gather [spmem:s19], $0x80, $0x38;
	[tilespmem:$0x1EB80] =	vst v63  }
0x2b3: {  	s25 =	simm.s32 $0x1DA00;
	s10 =	sld [smem:$0x795]  }
0x2b4: {  	[tilespmem:s25], [sflag:$0x6] =	stream.linear.gather [spmem:s21], $0x80, $0x38;
	[tilespmem:$0x1EB80] =	vst v63  }
0x2b5: {  	s11 =	simm.s32 $0x1DB00;
	s12 =	sld [smem:$0x796]  }
0x2b6: {  	[tilespmem:s11], [sflag:$0x6] =	stream.linear.gather [spmem:s10], $0x80, $0x38;
	[tilespmem:$0x1EB80] =	vst v63  }
0x2b7: {  	s13 =	simm.s32 $0x1DC00;
	s19 =	sld [smem:$0x797]  }
0x2b8: {  	[tilespmem:s13], [sflag:$0x6] =	stream.linear.gather [spmem:s12], $0x80, $0x38;
	[tilespmem:$0x1EB80] =	vst v63  }
0x2b9: {  	s20 =	simm.s32 $0x1DD00;
	s21 =	sld [smem:$0x798]  }
0x2ba: {  	[tilespmem:s20], [sflag:$0x6] =	stream.linear.gather [spmem:s19], $0x80, $0x38;
	[tilespmem:$0x1EB80] =	vst v63  }
0x2bb: {  	s25 =	simm.s32 $0x1DE00;
	s10 =	sld [smem:$0x799]  }
0x2bc: {  	[tilespmem:s25], [sflag:$0x6] =	stream.linear.gather [spmem:s21], $0x80, $0x38;
	[tilespmem:$0x1EB80] =	vst v63  }
0x2bd: {  	s11 =	simm.s32 $0x1DF00;
	s12 =	sld [smem:$0x79A]  }
0x2be: {  	[tilespmem:s11], [sflag:$0x6] =	stream.linear.gather [spmem:s10], $0x80, $0x38;
	[tilespmem:$0x1EB80] =	vst v63  }
0x2bf: {  	s13 =	simm.s32 $0x1E000;
	s19 =	sld [smem:$0x79B]  }
0x2c0: {  	[tilespmem:s13], [sflag:$0x6] =	stream.linear.gather [spmem:s12], $0x80, $0x38;
	[tilespmem:$0x1EB80] =	vst v63  }
0x2c1: {  	s20 =	simm.s32 $0x1E100;
	s21 =	sld [smem:$0x79C]  }
0x2c2: {  	[tilespmem:s20], [sflag:$0x6] =	stream.linear.gather [spmem:s19], $0x80, $0x38;
	[tilespmem:$0x1EB80] =	vst v63  }
0x2c3: {  	s25 =	simm.s32 $0x1E200;
	s10 =	sld [smem:$0x79D]  }
0x2c4: {  	[tilespmem:s25], [sflag:$0x6] =	stream.linear.gather [spmem:s21], $0x80, $0x38;
	[tilespmem:$0x1EB80] =	vst v63  }
0x2c5: {  	s11 =	simm.s32 $0x1E300;
	s12 =	sld [smem:$0x79E]  }
0x2c6: {  	[tilespmem:s11], [sflag:$0x6] =	stream.linear.gather [spmem:s10], $0x80, $0x38;
	[tilespmem:$0x1EB80] =	vst v63  }
0x2c7: {  	s13 =	simm.s32 $0x1E400;
	s19 =	sld [smem:$0x79F]  }
0x2c8: {  	[tilespmem:s13], [sflag:$0x6] =	stream.linear.gather [spmem:s12], $0x80, $0x38;
	[tilespmem:$0x1EB80] =	vst v63  }
0x2c9: {  	s20 =	simm.s32 $0x1E500;
	s21 =	sld [smem:$0x7A0]  }
0x2ca: {  	[tilespmem:s20], [sflag:$0x6] =	stream.linear.gather [spmem:s19], $0x80, $0x38;
	[tilespmem:$0x1EB80] =	vst v63  }
0x2cb: {  	s25 =	simm.s32 $0x1E600  }
0x2cc: {  	[tilespmem:s25], [sflag:$0x6] =	stream.linear.gather [spmem:s21], $0x80, $0x38;
	[tilespmem:$0x1EB80] =	vst v63  }
0x2cd: {  	_ =	swait.ge [sflag:s30], $0x6200  }
0x2ce: {  	[sflag:s30] =	ssyncset.done $0x0  }
0x2cf: {  	[sflag:s30] =	ssyncadd.s32 $0xFFFF9E00  }
0x2d0: {  	_ =	swait.ge [sflag:s14], $0x6200  }
0x2d1: {  	[sflag:s14] =	ssyncset.done $0x0  }
0x2d2: {  	[sflag:s14] =	ssyncadd.s32 $0xFFFF9E00  }
0x2d3: {  	_ =	swait.ge [sflag:s15], $0x6200  }
0x2d4: {  	[sflag:s15] =	ssyncset.done $0x0  }
0x2d5: {  	[sflag:s15] =	ssyncadd.s32 $0xFFFF9E00  }
0x2d6: {  	_ =	swait.ge [sflag:s16], $0x6100  }
0x2d7: {  	[sflag:s16] =	ssyncset.done $0x0  }
0x2d8: {  	[sflag:s16] =	ssyncadd.s32 $0xFFFF9F00  }
0x2d9: {  	_ =	swait.ge [sflag:s17], $0x4000  }
0x2da: {  	[sflag:s17] =	ssyncset.done $0x0  }
0x2db: {  	[sflag:s17] =	ssyncadd.s32 $0xFFFFC000  }
0x2dc: {  	_ =	swait.ge [sflag:s18], $0x1000  }
0x2dd: {  	[sflag:s18] =	ssyncset.done $0x0;
	s10 =	rddreg [dreg:$0xd]  }
0x2de: {  	s11 =	simm.s32 $0x1C780;
	s12 =	sld [smem:$0x7A1];
	[sflag:s18] =	ssyncadd.s32 $0xFFFFF000  }
0x2df: {  	[tilespmem:s11], [sflag:$0x6] =	stream.linear.gather [spmem:s10], $0x80, $0x38;
	[tilespmem:$0x1EB80] =	vst v63  }
0x2e0: {  	s13 =	simm.s32 $0x1C880;
	s19 =	sld [smem:$0x7A2]  }
0x2e1: {  	[tilespmem:s13], [sflag:$0x6] =	stream.linear.gather [spmem:s12], $0x80, $0x38;
	[tilespmem:$0x1EB80] =	vst v63  }
0x2e2: {  	s20 =	simm.s32 $0x1C980;
	s21 =	sld [smem:$0x7A3]  }
0x2e3: {  	[tilespmem:s20], [sflag:$0x6] =	stream.linear.gather [spmem:s19], $0x80, $0x38;
	[tilespmem:$0x1EB80] =	vst v63  }
0x2e4: {  	s25 =	simm.s32 $0x1CA80;
	s10 =	sld [smem:$0x7A4]  }
0x2e5: {  	[tilespmem:s25], [sflag:$0x6] =	stream.linear.gather [spmem:s21], $0x80, $0x38;
	[tilespmem:$0x1EB80] =	vst v63  }
0x2e6: {  	s11 =	simm.s32 $0x1CB80;
	s12 =	sld [smem:$0x7A5]  }
0x2e7: {  	[tilespmem:s11], [sflag:$0x6] =	stream.linear.gather [spmem:s10], $0x80, $0x38;
	[tilespmem:$0x1EB80] =	vst v63  }
0x2e8: {  	s13 =	simm.s32 $0x1CC80;
	s19 =	sld [smem:$0x7A6]  }
0x2e9: {  	[tilespmem:s13], [sflag:$0x6] =	stream.linear.gather [spmem:s12], $0x80, $0x38;
	[tilespmem:$0x1EB80] =	vst v63  }
0x2ea: {  	s20 =	simm.s32 $0x1CD80;
	s21 =	sld [smem:$0x7A7]  }
0x2eb: {  	[tilespmem:s20], [sflag:$0x6] =	stream.linear.gather [spmem:s19], $0x80, $0x38;
	[tilespmem:$0x1EB80] =	vst v63  }
0x2ec: {  	s25 =	simm.s32 $0x1CE80;
	s10 =	sld [smem:$0x7A8]  }
0x2ed: {  	[tilespmem:s25], [sflag:$0x6] =	stream.linear.gather [spmem:s21], $0x80, $0x38;
	[tilespmem:$0x1EB80] =	vst v63  }
0x2ee: {  	s11 =	simm.s32 $0x1CF80;
	s12 =	sld [smem:$0x7A9]  }
0x2ef: {  	[tilespmem:s11], [sflag:$0x6] =	stream.linear.gather [spmem:s10], $0x80, $0x38;
	[tilespmem:$0x1EB80] =	vst v63  }
0x2f0: {  	s13 =	simm.s32 $0x1D080;
	s19 =	sld [smem:$0x7AA]  }
0x2f1: {  	[tilespmem:s13], [sflag:$0x6] =	stream.linear.gather [spmem:s12], $0x80, $0x38;
	[tilespmem:$0x1EB80] =	vst v63  }
0x2f2: {  	s20 =	simm.s32 $0x1D180;
	s21 =	sld [smem:$0x7AB]  }
0x2f3: {  	[tilespmem:s20], [sflag:$0x6] =	stream.linear.gather [spmem:s19], $0x80, $0x38;
	[tilespmem:$0x1EB80] =	vst v63  }
0x2f4: {  	s25 =	simm.s32 $0x1D280;
	s10 =	sld [smem:$0x7AC]  }
0x2f5: {  	[tilespmem:s25], [sflag:$0x6] =	stream.linear.gather [spmem:s21], $0x80, $0x38;
	[tilespmem:$0x1EB80] =	vst v63  }
0x2f6: {  	s11 =	simm.s32 $0x1D380;
	s12 =	sld [smem:$0x7AD]  }
0x2f7: {  	[tilespmem:s11], [sflag:$0x6] =	stream.linear.gather [spmem:s10], $0x80, $0x38;
	[tilespmem:$0x1EB80] =	vst v63  }
0x2f8: {  	s13 =	simm.s32 $0x1D480;
	s19 =	sld [smem:$0x7AE]  }
0x2f9: {  	[tilespmem:s13], [sflag:$0x6] =	stream.linear.gather [spmem:s12], $0x80, $0x38;
	[tilespmem:$0x1EB80] =	vst v63  }
0x2fa: {  	s20 =	simm.s32 $0x1D580;
	s21 =	sld [smem:$0x7AF]  }
0x2fb: {  	[tilespmem:s20], [sflag:$0x6] =	stream.linear.gather [spmem:s19], $0x80, $0x38;
	[tilespmem:$0x1EB80] =	vst v63  }
0x2fc: {  	s25 =	simm.s32 $0x1D680;
	s10 =	sld [smem:$0x7B0]  }
0x2fd: {  	[tilespmem:s25], [sflag:$0x6] =	stream.linear.gather [spmem:s21], $0x80, $0x38;
	[tilespmem:$0x1EB80] =	vst v63  }
0x2fe: {  	s11 =	simm.s32 $0x1D780;
	s12 =	sld [smem:$0x7B1]  }
0x2ff: {  	[tilespmem:s11], [sflag:$0x6] =	stream.linear.gather [spmem:s10], $0x80, $0x38;
	[tilespmem:$0x1EB80] =	vst v63  }
0x300: {  	s13 =	simm.s32 $0x1D880;
	s19 =	sld [smem:$0x7B2]  }
0x301: {  	[tilespmem:s13], [sflag:$0x6] =	stream.linear.gather [spmem:s12], $0x80, $0x38;
	[tilespmem:$0x1EB80] =	vst v63  }
0x302: {  	s20 =	simm.s32 $0x1D980;
	s21 =	sld [smem:$0x7B3]  }
0x303: {  	[tilespmem:s20], [sflag:$0x6] =	stream.linear.gather [spmem:s19], $0x80, $0x38;
	[tilespmem:$0x1EB80] =	vst v63  }
0x304: {  	s25 =	simm.s32 $0x1DA80;
	s10 =	sld [smem:$0x7B4]  }
0x305: {  	[tilespmem:s25], [sflag:$0x6] =	stream.linear.gather [spmem:s21], $0x80, $0x38;
	[tilespmem:$0x1EB80] =	vst v63  }
0x306: {  	s11 =	simm.s32 $0x1DB80;
	s12 =	sld [smem:$0x7B5]  }
0x307: {  	[tilespmem:s11], [sflag:$0x6] =	stream.linear.gather [spmem:s10], $0x80, $0x38;
	[tilespmem:$0x1EB80] =	vst v63  }
0x308: {  	s13 =	simm.s32 $0x1DC80;
	s19 =	sld [smem:$0x7B6]  }
0x309: {  	[tilespmem:s13], [sflag:$0x6] =	stream.linear.gather [spmem:s12], $0x80, $0x38;
	[tilespmem:$0x1EB80] =	vst v63  }
0x30a: {  	s20 =	simm.s32 $0x1DD80;
	s21 =	sld [smem:$0x7B7]  }
0x30b: {  	[tilespmem:s20], [sflag:$0x6] =	stream.linear.gather [spmem:s19], $0x80, $0x38;
	[tilespmem:$0x1EB80] =	vst v63  }
0x30c: {  	s25 =	simm.s32 $0x1DE80;
	s10 =	sld [smem:$0x7B8]  }
0x30d: {  	[tilespmem:s25], [sflag:$0x6] =	stream.linear.gather [spmem:s21], $0x80, $0x38;
	[tilespmem:$0x1EB80] =	vst v63  }
0x30e: {  	s11 =	simm.s32 $0x1DF80;
	s12 =	sld [smem:$0x7B9]  }
0x30f: {  	[tilespmem:s11], [sflag:$0x6] =	stream.linear.gather [spmem:s10], $0x80, $0x38;
	[tilespmem:$0x1EB80] =	vst v63  }
0x310: {  	s13 =	simm.s32 $0x1E080;
	s19 =	sld [smem:$0x7BA]  }
0x311: {  	[tilespmem:s13], [sflag:$0x6] =	stream.linear.gather [spmem:s12], $0x80, $0x38;
	[tilespmem:$0x1EB80] =	vst v63  }
0x312: {  	s20 =	simm.s32 $0x1E180;
	s21 =	sld [smem:$0x7BB]  }
0x313: {  	[tilespmem:s20], [sflag:$0x6] =	stream.linear.gather [spmem:s19], $0x80, $0x38;
	[tilespmem:$0x1EB80] =	vst v63  }
0x314: {  	s25 =	sld [smem:$0x7BC]  }
0x315: {  	[tilespmem:s4], [sflag:$0x6] =	stream.linear.gather [spmem:s21], $0x80, $0x38;
	[tilespmem:$0x1EB80] =	vst v63  }
0x316: {  	s9 =	sld [smem:$0x7BD]  }
0x317: {  	[tilespmem:s22], [sflag:$0x6] =	stream.linear.gather [spmem:s25], $0x80, $0x38;
	[tilespmem:$0x1EB80] =	vst v63  }
0x318: {  	s10 =	sld [smem:$0x7BE];
	s12 =	sand.u32 $0x7C00, s26  }
0x319: {  	[tilespmem:s5], [sflag:$0x6] =	stream.linear.gather [spmem:s9], $0x80, $0x38;
	[tilespmem:$0x1EB80] =	vst v63  }
0x31a: {  	s11 =	sld [smem:$0x7BF];
	s13 =	sand.u32 $0x40, s26;
	s8 =	sshrl.u32 s12, $0x2  }
0x31b: {  	[tilespmem:s23], [sflag:$0x6] =	stream.linear.gather [spmem:s10], $0x80, $0x38;
	[tilespmem:$0x1EB80] =	vst v63  }
0x31c: {  	s8 =	sadd.s32 $0x1C700, s8;
	s10 =	sor.u32 $0x30, s13  }
0x31d: {  	s19 =	sor.u32 s10, s8  }
0x31e: {  	[tilespmem:s6], [sflag:$0x6] =	stream.linear.gather [spmem:s11], $0x80, $0x38;
	[tilespmem:$0x1EB80] =	vst v63  }
0x31f: {  	s12 =	sor.u32 $0x10, s13;
	s20 =	sor.u32 s13, s8;
	v60 =	vld [tilespmem:s19+$0x0]  }
0x320: {  	s21 =	sor.u32 s12, s8;
	s9 =	sor.u32 $0x20, s13;
	v25 =	vld [tilespmem:s20+$0x0]  }
0x321: {  	s25 =	sand.u32 $0xF80, s26;
	s26 =	simm.s32 $0x200;
	s8 =	sor.u32 s9, s8  }
0x322: {  	v5 =	vsub.f32 v8, v5;
	s13 =	simm.s32 $0x40;
	s11 =	sand.u32 $0x7C00, s26;
	v27 =	vld [tilespmem:s8+$0x0]  }
0x323: {  	v0 =	vsub.f32 v7, v0;
	v7 =	vld [tilespmem:s7+$0x0];
	s8 =	sadd.s32 $0x18700, s25;
	s19 =	sand.u32 $0x40, s13;
	s7 =	sshrl.u32 s11, $0x2  }
0x324: {  	v5 =	vmul.f32 v5, v5;
	v8 =	vsub.f32 v19, v9;
	v18 =	vsub.f32 v23, v18;
	v26 =	vld [tilespmem:s21+$0x0];
	s10 =	sor.u32 s10, s8;
	s21 =	sadd.s32 $0x1C700, s7;
	s20 =	sor.u32 $0x30, s19  }
0x325: {  	v0 =	vmul.f32 v0, v0;
	v6 =	vsub.f32 v6, v21;
	v19 =	vld [tilespmem:s10+$0x0];
	s7 =	sor.u32 s20, s21  }
0x326: {  	v2 =	vadd.f32 v5, v2;
	v8 =	vmul.f32 v8, v8;
	v5 =	vmul.f32 v18, v18;
	v18 =	vld [tilespmem:s7+$0x0]  }
0x327: {  	v20 =	vsub.f32 v22, v20;
	v1 =	vadd.f32 v0, v1;
	v6 =	vmul.f32 v6, v6;
	v9 =	vld.idx.msk [tilespmem:v60+s2+$0x0], $0xffff  }
0x328: {  	v3 =	vadd.f32 v8, v3;
	v8 =	vsub.f32 v17, v16;
	s26 =	sor.u32 $0x20, s19;
	s25 =	sor.u32 s19, s21;
	v61 =	vld.idx.msk [tilespmem:v25+s2+$0x0], $0xffff  }
0x329: {  	v4 =	vadd.f32 v6, v4;
	v6 =	vmul.f32 v20, v20;
	s10 =	sor.u32 s26, s21;
	s7 =	sor.u32 $0x10, s19;
	v16 =	vld [tilespmem:s25+$0x0]  }
0x32a: {  	v1 =	vadd.f32 v5, v1;
	v62 =	vsub.f32 v59, v11;
	v8 =	vmul.f32 v8, v8;
	v11 =	vld [tilespmem:s10+$0x0];
	s19 =	sor.u32 s7, s21  }
0x32b: {  	v2 =	vadd.f32 v6, v2;
	v5 =	vsub.f32 v10, v14;
	s21 =	sor.u32 s12, s8;
	s8 =	sor.u32 s9, s8;
	v10 =	vld [tilespmem:s19+$0x0]  }
0x32c: {  	v6 =	vsub.f32 v15, v58;
	v3 =	vadd.f32 v8, v3;
	v8 =	vld [tilespmem:s8+$0x0]  }
0x32d: {  	v14 =	vmul.f32 v5, v5;
	v0 =	vld.idx.msk [tilespmem:v26+s2+$0x0], $0xffff;
	v9 =	vsub.f32 v19, v9;
	v63 =	vsub.f32 v7, v61  }
0x32e: {  	v6 =	vmul.f32 v6, v6;
	v12 =	vmul.f32 v62, v62;
	v7 =	vld [tilespmem:s21+$0x0]  }
0x32f: {  	v4 =	vadd.f32 v14, v4;
	s25 =	sand.u32 $0xF80, s13;
	s8 =	simm.s32 $0x18740;
	v5 =	vld.idx.msk [tilespmem:v27+s2+$0x0], $0xffff;
	v9 =	vmul.f32 v9, v9;
	v13 =	vmul.f32 v63, v63  }
0x330: {  	v1 =	vadd.f32 v6, v1;
	v2 =	vadd.f32 v12, v2;
	s28 =	simm.s32 $0x80;
	s10 =	sadd.s32 $0x18700, s25;
	s9 =	simm.s32 $0x400;
	v6 =	vld [tilespmem:s8+$0x0]  }
0x331: {  	s29 =	simm.s32 $0xC0;
	s19 =	sand.u32 $0x7C00, s9;
	s20 =	sor.u32 s20, s10;
	v3 =	vadd.f32 v9, v3;
	v9 =	vld.idx.msk [tilespmem:v18+s2+$0x0], $0xffff;
	v4 =	vadd.f32 v13, v4  }
.LBB2_10:
0x332: {  	p0 =	sne.s32 s29, $0xFC0;
	s11 =	sand.u32 $0x40, s28;
	s12 =	sshrl.u32 s19, $0x2;
	v12 =	vld [tilespmem:s20+$0x0]  }
0x333: {  	s12 =	sadd.s32 $0x1C700, s12;
	s13 =	sor.u32 $0x10, s11;
	s20 =	sor.u32 $0x30, s11;
	v13 =	vld.idx.msk [tilespmem:v16+s2+$0x0], $0xffff;
	v7 =	vsub.f32 v7, v0  }
0x334: {  	s19 =	sor.u32 s11, s12;
	s11 =	sor.u32 $0x20, s11;
	s21 =	sor.u32 s20, s12;
	v0 =	vld.idx.msk [tilespmem:v10+s2+$0x0], $0xffff;
	v5 =	vsub.f32 v8, v5  }
0x335: {  	s25 =	sor.u32 s13, s12;
	s12 =	sor.u32 s11, s12;
	v14 =	vld [tilespmem:s21+$0x0];
	s21 =	sor.u32 s7, s10;
	v7 =	vmul.f32 v7, v7  }
0x336: {  	s10 =	sor.u32 s26, s10;
	s7 =	smov.u32 s13;
	s26 =	smov.u32 s11;
	v16 =	vld [tilespmem:s19+$0x0];
	v5 =	vmul.f32 v5, v5  }
0x337: {  	v10 =	vld [tilespmem:s25+$0x0];
	v8 =	vsub.f32 v12, v9;
	v1 =	vadd.f32 v7, v1  }
0x338: {  	v12 =	vld [tilespmem:s12+$0x0];
	v2 =	vadd.f32 v5, v2  }
.Ltmp4:
0x339: {  	v6 =	vsub.f32 v6, v13;
	v5 =	vld.idx.msk [tilespmem:v11+s2+$0x0], $0xffff;
	v9 =	vmul.f32 v8, v8;
	(pc) =	sbr.rel @p0 .LBB2_10-.Ltmp4, $4  }
0x33a: {  	v7 =	vld [tilespmem:s21+$0x0]  }
0x33b: {  	s8 =	sadd.s32 $0x40, s8;
	s11 =	sand.u32 $0xF80, s28;
	s28 =	smov.u32 s29;
	v13 =	vmul.f32 v6, v6;
	v8 =	vld [tilespmem:s10+$0x0];
	v3 =	vadd.f32 v9, v3  }
0x33c: {  	s9 =	sadd.s32 $0x200, s9;
	s10 =	sadd.s32 $0x18700, s11;
	v6 =	vld [tilespmem:s8+$0x0]  }
0x33d: {  	s29 =	sadd.s32 $0x40, s29;
	s19 =	sand.u32 $0x7C00, s9;
	s20 =	sor.u32 s20, s10;
	v4 =	vadd.f32 v13, v4;
	v9 =	vld.idx.msk [tilespmem:v14+s2+$0x0], $0xffff;
	v11 =	vmov v12  }
0x33e: {  	_ =	sdelay $0x2  }
0x33f: {  	v12 =	vld [tilespmem:s20+$0x0]  }
0x340: {  	v16 =	vld.idx.msk [tilespmem:v16+s2+$0x0], $0xffff  }
0x341: {  	v10 =	vld.idx.msk [tilespmem:v10+s2+$0x0], $0xffff  }
0x342: {  	s9 =	sand.u32 $0x40, s28;
	s11 =	sshrl.u32 s19, $0x2;
	s7 =	sor.u32 s7, s10;
	v11 =	vld.idx.msk [tilespmem:v11+s2+$0x0], $0xffff  }
0x343: {  	s25 =	sor.u32 s26, s10;
	s11 =	sadd.s32 $0x1C700, s11;
	s12 =	sor.u32 $0x30, s9;
	v18 =	vld [tilespmem:s7+$0x0]  }
0x344: {  	v19 =	vld [tilespmem:s25+$0x0];
	s13 =	sor.u32 s12, s11  }
0x345: {  	s19 =	sor.u32 $0x10, s9;
	s20 =	sor.u32 s9, s11;
	v13 =	vld [tilespmem:s13+$0x0]  }
0x346: {  	s9 =	sor.u32 $0x20, s9;
	s21 =	sor.u32 s19, s11;
	v14 =	vld [tilespmem:s20+$0x0]  }
0x347: {  	s26 =	sand.u32 $0xF80, s28;
	v15 =	vld [tilespmem:s21+$0x0];
	s11 =	sor.u32 s9, s11  }
0x348: {  	s8 =	sadd.s32 $0x40, s8;
	s7 =	sadd.s32 $0x18700, s26;
	v17 =	vld [tilespmem:s11+$0x0]  }
0x349: {  	v20 =	vld [tilespmem:s8+$0x0];
	s29 =	sor.u32 s12, s7  }
0x34a: {  	s10 =	sor.u32 s19, s7;
	v21 =	vld [tilespmem:s29+$0x0]  }
0x34b: {  	s7 =	sor.u32 s9, s7;
	v22 =	vld [tilespmem:s10+$0x0]  }
0x34c: {  	v23 =	vld [tilespmem:s7+$0x0]  }
0x34d: {  	v13 =	vld.idx.msk [tilespmem:v13+s2+$0x0], $0xffff  }
0x34e: {  	v14 =	vld.idx.msk [tilespmem:v14+s2+$0x0], $0xffff  }
0x34f: {  	v15 =	vld.idx.msk [tilespmem:v15+s2+$0x0], $0xffff  }
0x350: {  	v17 =	vld.idx.msk [tilespmem:v17+s2+$0x0], $0xffff;
	_ =	swait.ge [sflag:s18], $0x1000  }
0x351: {  	[sflag:s18] =	ssyncset.done $0x0;
	s11 =	rddreg [dreg:$0xe]  }
0x352: {  	s21 =	simm.s32 $0x1C700;
	s12 =	sld [smem:$0x7C0];
	[sflag:s18] =	ssyncadd.s32 $0xFFFFF000  }
0x353: {  	[tilespmem:s21], [sflag:$0x6] =	stream.linear.gather [spmem:s11], $0x80, $0x38;
	[tilespmem:$0x1EB80] =	vst v63  }
0x354: {  	s25 =	simm.s32 $0x1C800;
	s13 =	sld [smem:$0x7C1]  }
0x355: {  	[tilespmem:s25], [sflag:$0x6] =	stream.linear.gather [spmem:s12], $0x80, $0x38;
	[tilespmem:$0x1EB80] =	vst v63  }
0x356: {  	s26 =	simm.s32 $0x1C900;
	s19 =	sld [smem:$0x7C2]  }
0x357: {  	[tilespmem:s26], [sflag:$0x6] =	stream.linear.gather [spmem:s13], $0x80, $0x38;
	[tilespmem:$0x1EB80] =	vst v63  }
0x358: {  	s28 =	simm.s32 $0x1CA00;
	s20 =	sld [smem:$0x7C3]  }
0x359: {  	[tilespmem:s28], [sflag:$0x6] =	stream.linear.gather [spmem:s19], $0x80, $0x38;
	[tilespmem:$0x1EB80] =	vst v63  }
0x35a: {  	s29 =	simm.s32 $0x1CB00;
	s9 =	sld [smem:$0x7C4]  }
0x35b: {  	[tilespmem:s29], [sflag:$0x6] =	stream.linear.gather [spmem:s20], $0x80, $0x38;
	[tilespmem:$0x1EB80] =	vst v63  }
0x35c: {  	s10 =	simm.s32 $0x1CC00;
	s11 =	sld [smem:$0x7C5]  }
0x35d: {  	[tilespmem:s10], [sflag:$0x6] =	stream.linear.gather [spmem:s9], $0x80, $0x38;
	[tilespmem:$0x1EB80] =	vst v63  }
0x35e: {  	s12 =	simm.s32 $0x1CD00;
	s13 =	sld [smem:$0x7C6]  }
0x35f: {  	[tilespmem:s12], [sflag:$0x6] =	stream.linear.gather [spmem:s11], $0x80, $0x38;
	[tilespmem:$0x1EB80] =	vst v63  }
0x360: {  	s19 =	simm.s32 $0x1CE00;
	s20 =	sld [smem:$0x7C7]  }
0x361: {  	[tilespmem:s19], [sflag:$0x6] =	stream.linear.gather [spmem:s13], $0x80, $0x38;
	[tilespmem:$0x1EB80] =	vst v63  }
0x362: {  	s29 =	simm.s32 $0x1CF00;
	s9 =	sld [smem:$0x7C8]  }
0x363: {  	[tilespmem:s29], [sflag:$0x6] =	stream.linear.gather [spmem:s20], $0x80, $0x38;
	[tilespmem:$0x1EB80] =	vst v63  }
0x364: {  	s10 =	simm.s32 $0x1D000;
	s11 =	sld [smem:$0x7C9]  }
0x365: {  	[tilespmem:s10], [sflag:$0x6] =	stream.linear.gather [spmem:s9], $0x80, $0x38;
	[tilespmem:$0x1EB80] =	vst v63  }
0x366: {  	s12 =	simm.s32 $0x1D100;
	s13 =	sld [smem:$0x7CA]  }
0x367: {  	[tilespmem:s12], [sflag:$0x6] =	stream.linear.gather [spmem:s11], $0x80, $0x38;
	[tilespmem:$0x1EB80] =	vst v63  }
0x368: {  	s19 =	simm.s32 $0x1D200;
	s20 =	sld [smem:$0x7CB]  }
0x369: {  	[tilespmem:s19], [sflag:$0x6] =	stream.linear.gather [spmem:s13], $0x80, $0x38;
	[tilespmem:$0x1EB80] =	vst v63  }
0x36a: {  	s29 =	simm.s32 $0x1D300;
	s9 =	sld [smem:$0x7CC]  }
0x36b: {  	[tilespmem:s29], [sflag:$0x6] =	stream.linear.gather [spmem:s20], $0x80, $0x38;
	[tilespmem:$0x1EB80] =	vst v63  }
0x36c: {  	s10 =	simm.s32 $0x1D400;
	s11 =	sld [smem:$0x7CD]  }
0x36d: {  	[tilespmem:s10], [sflag:$0x6] =	stream.linear.gather [spmem:s9], $0x80, $0x38;
	[tilespmem:$0x1EB80] =	vst v63  }
0x36e: {  	s12 =	simm.s32 $0x1D500;
	s13 =	sld [smem:$0x7CE]  }
0x36f: {  	[tilespmem:s12], [sflag:$0x6] =	stream.linear.gather [spmem:s11], $0x80, $0x38;
	[tilespmem:$0x1EB80] =	vst v63  }
0x370: {  	s19 =	simm.s32 $0x1D600;
	s20 =	sld [smem:$0x7CF]  }
0x371: {  	[tilespmem:s19], [sflag:$0x6] =	stream.linear.gather [spmem:s13], $0x80, $0x38;
	[tilespmem:$0x1EB80] =	vst v63  }
0x372: {  	s29 =	simm.s32 $0x1D700;
	s9 =	sld [smem:$0x7D0]  }
0x373: {  	[tilespmem:s29], [sflag:$0x6] =	stream.linear.gather [spmem:s20], $0x80, $0x38;
	[tilespmem:$0x1EB80] =	vst v63  }
0x374: {  	s10 =	simm.s32 $0x1D800;
	s11 =	sld [smem:$0x7D1]  }
0x375: {  	[tilespmem:s10], [sflag:$0x6] =	stream.linear.gather [spmem:s9], $0x80, $0x38;
	[tilespmem:$0x1EB80] =	vst v63  }
0x376: {  	s12 =	simm.s32 $0x1D900;
	s13 =	sld [smem:$0x7D2]  }
0x377: {  	[tilespmem:s12], [sflag:$0x6] =	stream.linear.gather [spmem:s11], $0x80, $0x38;
	[tilespmem:$0x1EB80] =	vst v63  }
0x378: {  	s19 =	simm.s32 $0x1DA00;
	s20 =	sld [smem:$0x7D3]  }
0x379: {  	[tilespmem:s19], [sflag:$0x6] =	stream.linear.gather [spmem:s13], $0x80, $0x38;
	[tilespmem:$0x1EB80] =	vst v63  }
0x37a: {  	s29 =	simm.s32 $0x1DB00;
	s9 =	sld [smem:$0x7D4]  }
0x37b: {  	[tilespmem:s29], [sflag:$0x6] =	stream.linear.gather [spmem:s20], $0x80, $0x38;
	[tilespmem:$0x1EB80] =	vst v63  }
0x37c: {  	s10 =	simm.s32 $0x1DC00;
	s11 =	sld [smem:$0x7D5]  }
0x37d: {  	[tilespmem:s10], [sflag:$0x6] =	stream.linear.gather [spmem:s9], $0x80, $0x38;
	[tilespmem:$0x1EB80] =	vst v63  }
0x37e: {  	s12 =	simm.s32 $0x1DD00;
	s13 =	sld [smem:$0x7D6]  }
0x37f: {  	[tilespmem:s12], [sflag:$0x6] =	stream.linear.gather [spmem:s11], $0x80, $0x38;
	[tilespmem:$0x1EB80] =	vst v63  }
0x380: {  	s19 =	simm.s32 $0x1DE00;
	s20 =	sld [smem:$0x7D7]  }
0x381: {  	[tilespmem:s19], [sflag:$0x6] =	stream.linear.gather [spmem:s13], $0x80, $0x38;
	[tilespmem:$0x1EB80] =	vst v63  }
0x382: {  	s29 =	simm.s32 $0x1DF00;
	s9 =	sld [smem:$0x7D8]  }
0x383: {  	[tilespmem:s29], [sflag:$0x6] =	stream.linear.gather [spmem:s20], $0x80, $0x38;
	[tilespmem:$0x1EB80] =	vst v63  }
0x384: {  	s10 =	simm.s32 $0x1E000;
	s11 =	sld [smem:$0x7D9]  }
0x385: {  	[tilespmem:s10], [sflag:$0x6] =	stream.linear.gather [spmem:s9], $0x80, $0x38;
	[tilespmem:$0x1EB80] =	vst v63  }
0x386: {  	p0 =	por $0x0, $0x0;
	s12 =	simm.s32 $0x1E100;
	s13 =	sld [smem:$0x7DA]  }
0x387: {  	[tilespmem:s12], [sflag:$0x6] =	stream.linear.gather [spmem:s11], $0x80, $0x38;
	[tilespmem:$0x1EB80] =	vst v63  }
0x388: {  	s7 =	simm.s32 $0x1;
	s19 =	simm.s32 $0x1E200;
	s20 =	sld [smem:$0x7DB]  }
0x389: {  	[tilespmem:s19], [sflag:$0x6] =	stream.linear.gather [spmem:s13], $0x80, $0x38;
	[tilespmem:$0x1EB80] =	vst v63  }
0x38a: {  	s7 =	simm.s32 @!p0 $0x0;
	s8 =	sld [smem:$0x7DC];
	s29 =	simm.s32 $0x1E300  }
0x38b: {  	[tilespmem:s29], [sflag:$0x6] =	stream.linear.gather [spmem:s20], $0x80, $0x38;
	[tilespmem:$0x1EB80] =	vst v63  }
0x38c: {  	s7 =	sshll.u32 s7, $0x6;
	s9 =	simm.s32 $0x1E400;
	s10 =	sld [smem:$0x7DD]  }
0x38d: {  	[tilespmem:s9], [sflag:$0x6] =	stream.linear.gather [spmem:s8], $0x80, $0x38;
	[tilespmem:$0x1EB80] =	vst v63  }
0x38e: {  	s7 =	sadd.s32 $0x0, s7;
	s11 =	simm.s32 $0x1E500;
	s12 =	sld [smem:$0x7DE]  }
0x38f: {  	[tilespmem:s11], [sflag:$0x6] =	stream.linear.gather [spmem:s10], $0x80, $0x38;
	[tilespmem:$0x1EB80] =	vst v63  }
0x390: {  	v5 =	vsub.f32 v8, v5;
	v8 =	vsub.f32 v12, v9;
	s13 =	simm.s32 $0x1E600;
	s19 =	sor.u32 $0xB0, s7  }
0x391: {  	v6 =	vsub.f32 v6, v16;
	[tilespmem:s13], [sflag:$0x6] =	stream.linear.gather [spmem:s12], $0x80, $0x38;
	[tilespmem:$0x1EB80] =	vst v63  }
0x392: {  	v0 =	vsub.f32 v7, v0;
	v5 =	vmul.f32 v5, v5;
	v8 =	vmul.f32 v8, v8;
	s20 =	sor.u32 $0x80, s7;
	v24 =	vld [tilespmem:s19+$0x1C700]  }
0x393: {  	v11 =	vsub.f32 v19, v11;
	v6 =	vmul.f32 v6, v6;
	v25 =	vld [tilespmem:s20+$0x1C700]  }
0x394: {  	v0 =	vmul.f32 v0, v0;
	v2 =	vadd.f32 v5, v2;
	v3 =	vadd.f32 v8, v3;
	s29 =	sor.u32 $0x90, s7  }
0x395: {  	v4 =	vadd.f32 v6, v4;
	v6 =	vmul.f32 v11, v11;
	v8 =	vsub.f32 v21, v13;
	s7 =	sor.u32 $0xA0, s7;
	s9 =	simm.s32 $0x0;
	v26 =	vld [tilespmem:s29+$0x1C700]  }
0x396: {  	v1 =	vadd.f32 v0, v1;
	s10 =	sand.u32 $0xFC0, s9;
	v27 =	vld [tilespmem:s7+$0x1C700]  }
0x397: {  	p0 =	por !p0, !p0;
	v10 =	vsub.f32 v18, v10;
	v6 =	vadd.f32 v6, v2;
	v8 =	vmul.f32 v8, v8;
	s11 =	simm.s32 $0x19730;
	v7 =	vld [tilespmem:s10+$0x19700];
	s7 =	simm.s32 $0x1  }
0x398: {  	v2 =	vsub.f32 v20, v14;
	v13 =	vsub.f32 v22, v15;
	v61 =	vld [tilespmem:s11+$0x0];
	s7 =	simm.s32 @!p0 $0x0  }
0x399: {  	v5 =	vmul.f32 v10, v10;
	v14 =	vsub.f32 v23, v17;
	v3 =	vadd.f32 v8, v3;
	v8 =	vld [tilespmem:s11+$0xFFFFFFF0];
	s7 =	sshll.u32 s7, $0x6  }
0x39a: {  	v2 =	vmul.f32 v2, v2;
	s7 =	sadd.s32 $0x80, s7;
	v9 =	vld.idx.msk [tilespmem:v24+s2+$0x0], $0xffff  }
0x39b: {  	v1 =	vadd.f32 v5, v1;
	v13 =	vmul.f32 v13, v13;
	v14 =	vmul.f32 v14, v14;
	s20 =	simm.s32 $0x40;
	s12 =	sor.u32 $0xB0, s7;
	v62 =	vld.idx.msk [tilespmem:v25+s2+$0x0], $0xffff  }
0x39c: {  	v4 =	vadd.f32 v2, v4;
	s29 =	sand.u32 $0xFC0, s20;
	v63 =	vld [tilespmem:s12+$0x1C700]  }
0x39d: {  	v2 =	vadd.f32 v13, v1;
	v1 =	vadd.f32 v14, v6;
	v6 =	vld [tilespmem:s29+$0x19700];
	s13 =	sor.u32 $0x80, s7  }
0x39e: {  	s19 =	sor.u32 $0x90, s7;
	v11 =	vld [tilespmem:s13+$0x1C700]  }
0x39f: {  	v10 =	vld [tilespmem:s19+$0x1C700]  }
0x3a0: {  	v0 =	vld.idx.msk [tilespmem:v26+s2+$0x0], $0xffff;
	v9 =	vsub.f32 v61, v9;
	v15 =	vsub.f32 v7, v62  }
0x3a1: {  	v7 =	vld [tilespmem:s11+$0xFFFFFFE0]  }
0x3a2: {  	s8 =	simm.s32 $0x19770;
	s7 =	sor.u32 $0xA0, s7;
	v5 =	vld.idx.msk [tilespmem:v27+s2+$0x0], $0xffff;
	v9 =	vmul.f32 v9, v9;
	v15 =	vmul.f32 v15, v15  }
0x3a3: {  	s9 =	simm.s32 $0x80;
	p0 =	por !p0, !p0;
	v12 =	vld [tilespmem:s7+$0x1C700];
	s19 =	simm.s32 $0x1  }
0x3a4: {  	s10 =	simm.s32 $0xC0;
	s7 =	simm.s32 $0x80;
	s19 =	simm.s32 @!p0 $0x0;
	v3 =	vadd.f32 v9, v3;
	v9 =	vld.idx.msk [tilespmem:v63+s2+$0x0], $0xffff;
	v4 =	vadd.f32 v15, v4  }
.LBB2_12:
0x3a5: {  	p1 =	sne.s32 s10, $0xFC0;
	s11 =	sshll.u32 s19, $0x6;
	v13 =	vld [tilespmem:s8+$0x0];
	s9 =	sadd.s32 $0x80, s9  }
0x3a6: {  	s11 =	sadd.s32 s11, s9;
	v14 =	vld.idx.msk [tilespmem:v11+s2+$0x0], $0xffff;
	v7 =	vsub.f32 v7, v0  }
0x3a7: {  	s12 =	sor.u32 $0x80, s11;
	s13 =	sor.u32 $0x90, s11;
	s19 =	sor.u32 $0xB0, s11;
	v0 =	vld.idx.msk [tilespmem:v10+s2+$0x0], $0xffff;
	v5 =	vsub.f32 v8, v5  }
0x3a8: {  	s11 =	sor.u32 $0xA0, s11;
	v15 =	vld [tilespmem:s19+$0x1C700];
	v7 =	vmul.f32 v7, v7  }
0x3a9: {  	v11 =	vld [tilespmem:s12+$0x1C700];
	v5 =	vmul.f32 v5, v5  }
0x3aa: {  	v10 =	vld [tilespmem:s13+$0x1C700];
	v8 =	vsub.f32 v13, v9;
	v2 =	vadd.f32 v7, v2  }
0x3ab: {  	v13 =	vld [tilespmem:s11+$0x1C700];
	v1 =	vadd.f32 v5, v1  }
.Ltmp5:
0x3ac: {  	v6 =	vsub.f32 v6, v14;
	v5 =	vld.idx.msk [tilespmem:v12+s2+$0x0], $0xffff;
	v9 =	vmul.f32 v8, v8;
	(pc) =	sbr.rel @p1 .LBB2_12-.Ltmp5, $4  }
0x3ad: {  	v7 =	vld [tilespmem:s8+$0xFFFFFFE0]  }
0x3ae: {  	s11 =	sand.u32 $0xFC0, s7;
	s7 =	smov.u32 s10;
	v14 =	vmul.f32 v6, v6;
	v8 =	vld [tilespmem:s8+$0xFFFFFFF0];
	v3 =	vadd.f32 v9, v3  }
0x3af: {  	p0 =	por !p0, !p0;
	s19 =	simm.s32 $0x1;
	v6 =	vld [tilespmem:s11+$0x19700]  }
0x3b0: {  	s19 =	simm.s32 @!p0 $0x0;
	s10 =	sadd.s32 $0x40, s10;
	s8 =	sadd.s32 $0x40, s8;
	v4 =	vadd.f32 v14, v4;
	v9 =	vld.idx.msk [tilespmem:v15+s2+$0x0], $0xffff;
	v12 =	vmov v13  }
0x3b1: {  	_ =	sdelay $0x2  }
0x3b2: {  	v13 =	vld [tilespmem:s8+$0x0]  }
0x3b3: {  	v11 =	vld.idx.msk [tilespmem:v11+s2+$0x0], $0xffff  }
0x3b4: {  	v10 =	vld.idx.msk [tilespmem:v10+s2+$0x0], $0xffff  }
0x3b5: {  	s10 =	sshll.u32 s19, $0x6;
	s9 =	sadd.s32 $0x80, s9;
	v12 =	vld.idx.msk [tilespmem:v12+s2+$0x0], $0xffff  }
0x3b6: {  	v18 =	vld [tilespmem:s8+$0xFFFFFFE0];
	s9 =	sadd.s32 s10, s9  }
0x3b7: {  	v19 =	vld [tilespmem:s8+$0xFFFFFFF0];
	s10 =	sor.u32 $0xB0, s9  }
0x3b8: {  	s11 =	sor.u32 $0x80, s9;
	v14 =	vld [tilespmem:s10+$0x1C700]  }
0x3b9: {  	s29 =	sor.u32 $0x90, s9;
	v15 =	vld [tilespmem:s11+$0x1C700]  }
0x3ba: {  	s9 =	sor.u32 $0xA0, s9;
	v16 =	vld [tilespmem:s29+$0x1C700]  }
0x3bb: {  	s7 =	sand.u32 $0xFC0, s7;
	v17 =	vld [tilespmem:s9+$0x1C700]  }
0x3bc: {  	s8 =	sadd.s32 $0x40, s8;
	v20 =	vld [tilespmem:s7+$0x19700]  }
0x3bd: {  	v21 =	vld [tilespmem:s8+$0x0]  }
0x3be: {  	v22 =	vld [tilespmem:s8+$0xFFFFFFE0]  }
0x3bf: {  	v23 =	vld [tilespmem:s8+$0xFFFFFFF0]  }
0x3c0: {  	v14 =	vld.idx.msk [tilespmem:v14+s2+$0x0], $0xffff  }
0x3c1: {  	v15 =	vld.idx.msk [tilespmem:v15+s2+$0x0], $0xffff  }
0x3c2: {  	v16 =	vld.idx.msk [tilespmem:v16+s2+$0x0], $0xffff  }
0x3c3: {  	v17 =	vld.idx.msk [tilespmem:v17+s2+$0x0], $0xffff;
	_ =	swait.ge [sflag:s18], $0x1000  }
0x3c4: {  	[sflag:s18] =	ssyncset.done $0x0;
	s9 =	rddreg [dreg:$0xf]  }
0x3c5: {  	s10 =	simm.s32 $0x1C780;
	s11 =	sld [smem:$0x7DF];
	[sflag:s18] =	ssyncadd.s32 $0xFFFFF000  }
0x3c6: {  	[tilespmem:s10], [sflag:$0x6] =	stream.linear.gather [spmem:s9], $0x80, $0x38;
	[tilespmem:$0x1EB80] =	vst v63  }
0x3c7: {  	s12 =	simm.s32 $0x1C880;
	s13 =	sld [smem:$0x7E0]  }
0x3c8: {  	[tilespmem:s12], [sflag:$0x6] =	stream.linear.gather [spmem:s11], $0x80, $0x38;
	[tilespmem:$0x1EB80] =	vst v63  }
0x3c9: {  	s19 =	simm.s32 $0x1C980;
	s20 =	sld [smem:$0x7E1]  }
0x3ca: {  	[tilespmem:s19], [sflag:$0x6] =	stream.linear.gather [spmem:s13], $0x80, $0x38;
	[tilespmem:$0x1EB80] =	vst v63  }
0x3cb: {  	s29 =	simm.s32 $0x1CA80;
	s9 =	sld [smem:$0x7E2]  }
0x3cc: {  	[tilespmem:s29], [sflag:$0x6] =	stream.linear.gather [spmem:s20], $0x80, $0x38;
	[tilespmem:$0x1EB80] =	vst v63  }
0x3cd: {  	s10 =	simm.s32 $0x1CB80;
	s11 =	sld [smem:$0x7E3]  }
0x3ce: {  	[tilespmem:s10], [sflag:$0x6] =	stream.linear.gather [spmem:s9], $0x80, $0x38;
	[tilespmem:$0x1EB80] =	vst v63  }
0x3cf: {  	s12 =	simm.s32 $0x1CC80;
	s13 =	sld [smem:$0x7E4]  }
0x3d0: {  	[tilespmem:s12], [sflag:$0x6] =	stream.linear.gather [spmem:s11], $0x80, $0x38;
	[tilespmem:$0x1EB80] =	vst v63  }
0x3d1: {  	s19 =	simm.s32 $0x1CD80;
	s20 =	sld [smem:$0x7E5]  }
0x3d2: {  	[tilespmem:s19], [sflag:$0x6] =	stream.linear.gather [spmem:s13], $0x80, $0x38;
	[tilespmem:$0x1EB80] =	vst v63  }
0x3d3: {  	s29 =	simm.s32 $0x1CE80;
	s9 =	sld [smem:$0x7E6]  }
0x3d4: {  	[tilespmem:s29], [sflag:$0x6] =	stream.linear.gather [spmem:s20], $0x80, $0x38;
	[tilespmem:$0x1EB80] =	vst v63  }
0x3d5: {  	s10 =	simm.s32 $0x1CF80;
	s11 =	sld [smem:$0x7E7]  }
0x3d6: {  	[tilespmem:s10], [sflag:$0x6] =	stream.linear.gather [spmem:s9], $0x80, $0x38;
	[tilespmem:$0x1EB80] =	vst v63  }
0x3d7: {  	s12 =	simm.s32 $0x1D080;
	s13 =	sld [smem:$0x7E8]  }
0x3d8: {  	[tilespmem:s12], [sflag:$0x6] =	stream.linear.gather [spmem:s11], $0x80, $0x38;
	[tilespmem:$0x1EB80] =	vst v63  }
0x3d9: {  	s19 =	simm.s32 $0x1D180;
	s20 =	sld [smem:$0x7E9]  }
0x3da: {  	[tilespmem:s19], [sflag:$0x6] =	stream.linear.gather [spmem:s13], $0x80, $0x38;
	[tilespmem:$0x1EB80] =	vst v63  }
0x3db: {  	s29 =	simm.s32 $0x1D280;
	s9 =	sld [smem:$0x7EA]  }
0x3dc: {  	[tilespmem:s29], [sflag:$0x6] =	stream.linear.gather [spmem:s20], $0x80, $0x38;
	[tilespmem:$0x1EB80] =	vst v63  }
0x3dd: {  	s10 =	simm.s32 $0x1D380;
	s11 =	sld [smem:$0x7EB]  }
0x3de: {  	[tilespmem:s10], [sflag:$0x6] =	stream.linear.gather [spmem:s9], $0x80, $0x38;
	[tilespmem:$0x1EB80] =	vst v63  }
0x3df: {  	s12 =	simm.s32 $0x1D480;
	s13 =	sld [smem:$0x7EC]  }
0x3e0: {  	[tilespmem:s12], [sflag:$0x6] =	stream.linear.gather [spmem:s11], $0x80, $0x38;
	[tilespmem:$0x1EB80] =	vst v63  }
0x3e1: {  	s19 =	simm.s32 $0x1D580;
	s20 =	sld [smem:$0x7ED]  }
0x3e2: {  	[tilespmem:s19], [sflag:$0x6] =	stream.linear.gather [spmem:s13], $0x80, $0x38;
	[tilespmem:$0x1EB80] =	vst v63  }
0x3e3: {  	s29 =	simm.s32 $0x1D680;
	s9 =	sld [smem:$0x7EE]  }
0x3e4: {  	[tilespmem:s29], [sflag:$0x6] =	stream.linear.gather [spmem:s20], $0x80, $0x38;
	[tilespmem:$0x1EB80] =	vst v63  }
0x3e5: {  	s10 =	simm.s32 $0x1D780;
	s11 =	sld [smem:$0x7EF]  }
0x3e6: {  	[tilespmem:s10], [sflag:$0x6] =	stream.linear.gather [spmem:s9], $0x80, $0x38;
	[tilespmem:$0x1EB80] =	vst v63  }
0x3e7: {  	s12 =	simm.s32 $0x1D880;
	s13 =	sld [smem:$0x7F0]  }
0x3e8: {  	[tilespmem:s12], [sflag:$0x6] =	stream.linear.gather [spmem:s11], $0x80, $0x38;
	[tilespmem:$0x1EB80] =	vst v63  }
0x3e9: {  	s19 =	simm.s32 $0x1D980;
	s20 =	sld [smem:$0x7F1]  }
0x3ea: {  	[tilespmem:s19], [sflag:$0x6] =	stream.linear.gather [spmem:s13], $0x80, $0x38;
	[tilespmem:$0x1EB80] =	vst v63  }
0x3eb: {  	s29 =	simm.s32 $0x1DA80;
	s9 =	sld [smem:$0x7F2]  }
0x3ec: {  	[tilespmem:s29], [sflag:$0x6] =	stream.linear.gather [spmem:s20], $0x80, $0x38;
	[tilespmem:$0x1EB80] =	vst v63  }
0x3ed: {  	s10 =	simm.s32 $0x1DB80;
	s11 =	sld [smem:$0x7F3]  }
0x3ee: {  	[tilespmem:s10], [sflag:$0x6] =	stream.linear.gather [spmem:s9], $0x80, $0x38;
	[tilespmem:$0x1EB80] =	vst v63  }
0x3ef: {  	s12 =	simm.s32 $0x1DC80;
	s13 =	sld [smem:$0x7F4]  }
0x3f0: {  	[tilespmem:s12], [sflag:$0x6] =	stream.linear.gather [spmem:s11], $0x80, $0x38;
	[tilespmem:$0x1EB80] =	vst v63  }
0x3f1: {  	s19 =	simm.s32 $0x1DD80;
	s20 =	sld [smem:$0x7F5]  }
0x3f2: {  	[tilespmem:s19], [sflag:$0x6] =	stream.linear.gather [spmem:s13], $0x80, $0x38;
	[tilespmem:$0x1EB80] =	vst v63  }
0x3f3: {  	s8 =	sld [smem:$0x7F6];
	s29 =	simm.s32 $0x1DE80  }
0x3f4: {  	[tilespmem:s29], [sflag:$0x6] =	stream.linear.gather [spmem:s20], $0x80, $0x38;
	[tilespmem:$0x1EB80] =	vst v63  }
0x3f5: {  	s9 =	simm.s32 $0x1DF80;
	s10 =	sld [smem:$0x7F7]  }
0x3f6: {  	[tilespmem:s9], [sflag:$0x6] =	stream.linear.gather [spmem:s8], $0x80, $0x38;
	[tilespmem:$0x1EB80] =	vst v63  }
0x3f7: {  	s11 =	simm.s32 $0x1E080;
	s12 =	sld [smem:$0x7F8]  }
0x3f8: {  	[tilespmem:s11], [sflag:$0x6] =	stream.linear.gather [spmem:s10], $0x80, $0x38;
	[tilespmem:$0x1EB80] =	vst v63  }
0x3f9: {  	s13 =	simm.s32 $0x1E180;
	s19 =	sld [smem:$0x7F9]  }
0x3fa: {  	[tilespmem:s13], [sflag:$0x6] =	stream.linear.gather [spmem:s12], $0x80, $0x38;
	[tilespmem:$0x1EB80] =	vst v63  }
0x3fb: {  	s20 =	sld [smem:$0x7FA]  }
0x3fc: {  	[tilespmem:s4], [sflag:$0x6] =	stream.linear.gather [spmem:s19], $0x80, $0x38;
	[tilespmem:$0x1EB80] =	vst v63  }
0x3fd: {  	s29 =	sld [smem:$0x7FB]  }
0x3fe: {  	[tilespmem:s22], [sflag:$0x6] =	stream.linear.gather [spmem:s20], $0x80, $0x38;
	[tilespmem:$0x1EB80] =	vst v63  }
0x3ff: {  	s8 =	sld [smem:$0x7FC];
	s10 =	simm.s32 $0x0  }
0x400: {  	[tilespmem:s5], [sflag:$0x6] =	stream.linear.gather [spmem:s29], $0x80, $0x38;
	[tilespmem:$0x1EB80] =	vst v63  }
0x401: {  	s9 =	sld [smem:$0x7FD];
	s11 =	sand.u32 $0x40, s10;
	s12 =	sand.u32 $0x1F00, s10  }
0x402: {  	[tilespmem:s23], [sflag:$0x6] =	stream.linear.gather [spmem:s8], $0x80, $0x38;
	[tilespmem:$0x1EB80] =	vst v63  }
0x403: {  	s8 =	sor.u32 s11, s12  }
0x404: {  	[tilespmem:s6], [sflag:$0x6] =	stream.linear.gather [spmem:s9], $0x80, $0x38;
	[tilespmem:$0x1EB80] =	vst v63  }
0x405: {  	s9 =	sadd.s32 $0x1C700, s8;
	v24 =	vld [tilespmem:s8+$0x1C700]  }
0x406: {  	v25 =	vld [tilespmem:s9+$0x30]  }
0x407: {  	v26 =	vld [tilespmem:s9+$0x10]  }
0x408: {  	v0 =	vsub.f32 v7, v0;
	s7 =	sand.u32 $0xFC0, s10;
	v27 =	vld [tilespmem:s9+$0x20]  }
0x409: {  	v5 =	vsub.f32 v8, v5;
	v8 =	vsub.f32 v13, v9;
	s13 =	simm.s32 $0x1A730;
	s19 =	simm.s32 $0x40;
	s20 =	simm.s32 $0x80;
	v28 =	vld [tilespmem:s7+$0x1A700]  }
0x40a: {  	v0 =	vmul.f32 v0, v0;
	v6 =	vsub.f32 v6, v11;
	s29 =	sand.u32 $0x40, s19;
	s9 =	sand.u32 $0x1F00, s20;
	v11 =	vld [tilespmem:s13+$0x0]  }
0x40b: {  	v8 =	vmul.f32 v8, v8;
	v62 =	vld [tilespmem:s13+$0xFFFFFFE0];
	s9 =	sor.u32 s29, s9  }
0x40c: {  	v0 =	vadd.f32 v0, v2;
	v2 =	vmul.f32 v6, v6;
	v6 =	vsub.f32 v19, v12;
	s10 =	sadd.s32 $0x1C700, s9;
	v12 =	vld [tilespmem:s9+$0x1C700]  }
0x40d: {  	v5 =	vmul.f32 v5, v5;
	v9 =	vsub.f32 v18, v10;
	v3 =	vadd.f32 v8, v3;
	v8 =	vld [tilespmem:s10+$0x30]  }
0x40e: {  	v2 =	vadd.f32 v2, v4;
	v4 =	vmul.f32 v6, v6;
	v6 =	vsub.f32 v21, v14;
	v7 =	vld.idx.msk [tilespmem:v24+s2+$0x0], $0xffff  }
0x40f: {  	v1 =	vadd.f32 v5, v1;
	v5 =	vmul.f32 v9, v9;
	v13 =	vld.idx.msk [tilespmem:v25+s2+$0x0], $0xffff  }
0x410: {  	v63 =	vmul.f32 v6, v6;
	v6 =	vld [tilespmem:s13+$0xFFFFFFF0]  }
0x411: {  	v0 =	vadd.f32 v5, v0;
	v5 =	vsub.f32 v20, v15;
	v9 =	vld [tilespmem:s10+$0x10]  }
0x412: {  	v14 =	vsub.f32 v22, v16;
	v61 =	vld.idx.msk [tilespmem:v26+s2+$0x0], $0xffff  }
0x413: {  	v1 =	vadd.f32 v4, v1;
	v15 =	vsub.f32 v23, v17;
	v5 =	vmul.f32 v5, v5;
	v10 =	vld [tilespmem:s10+$0x20]  }
0x414: {  	v14 =	vmul.f32 v14, v14;
	v4 =	vld.idx.msk [tilespmem:v27+s2+$0x0], $0xffff;
	v7 =	vsub.f32 v28, v7;
	v11 =	vsub.f32 v11, v13  }
0x415: {  	v3 =	vadd.f32 v63, v3;
	s8 =	sand.u32 $0xFC0, s19;
	v8 =	vld.idx.msk [tilespmem:v8+s2+$0x0], $0xffff;
	v13 =	vadd.f32 v5, v2;
	v2 =	vmul.f32 v15, v15  }
0x416: {  	v0 =	vadd.f32 v14, v0;
	v5 =	vld [tilespmem:s8+$0x1A700];
	v15 =	vmul.f32 v7, v7;
	v11 =	vmul.f32 v11, v11  }
0x417: {  	s7 =	simm.s32 $0x1A770;
	s9 =	simm.s32 $0x100;
	s8 =	simm.s32 $0x80;
	v7 =	vld.idx.msk [tilespmem:v12+s2+$0x0], $0xffff;
	v2 =	vadd.f32 v2, v1;
	v12 =	vsub.f32 v62, v61  }
0x418: {  	s20 =	sand.u32 $0x1F00, s9;
	s10 =	simm.s32 $0xC0;
	s19 =	sand.u32 $0x40, s8;
	v1 =	vadd.f32 v15, v13;
	v3 =	vadd.f32 v11, v3;
	v11 =	vld [tilespmem:s7+$0x0]  }
.LBB2_14:
0x419: {  	p0 =	sne.s32 s10, $0xFC0;
	s11 =	sor.u32 s19, s20;
	v13 =	vld.idx.msk [tilespmem:v9+s2+$0x0], $0xffff;
	v4 =	vsub.f32 v6, v4  }
0x41a: {  	s12 =	sadd.s32 $0x1C700, s11;
	v14 =	vld [tilespmem:s11+$0x1C700];
	v6 =	vmul.f32 v12, v12  }
0x41b: {  	v12 =	vld [tilespmem:s12+$0x30];
	v4 =	vmul.f32 v4, v4  }
0x41c: {  	v5 =	vsub.f32 v5, v7;
	v9 =	vld [tilespmem:s12+$0x10];
	v0 =	vadd.f32 v6, v0  }
0x41d: {  	v15 =	vld [tilespmem:s12+$0x20];
	v6 =	vsub.f32 v11, v8;
	v2 =	vadd.f32 v4, v2  }
0x41e: {  	v5 =	vmul.f32 v5, v5;
	v4 =	vld.idx.msk [tilespmem:v10+s2+$0x0], $0xffff  }
0x41f: {  	v16 =	vld [tilespmem:s7+$0xFFFFFFE0];
	v7 =	vmul.f32 v6, v6  }
.Ltmp6:
0x420: {  	s11 =	sand.u32 $0xFC0, s8;
	s8 =	smov.u32 s10;
	v1 =	vadd.f32 v5, v1;
	v6 =	vld [tilespmem:s7+$0xFFFFFFF0];
	(pc) =	sbr.rel @p0 .LBB2_14-.Ltmp6, $4  }
0x421: {  	v5 =	vld [tilespmem:s11+$0x1A700];
	v3 =	vadd.f32 v7, v3  }
0x422: {  	v7 =	vld.idx.msk [tilespmem:v14+s2+$0x0], $0xffff;
	v10 =	vmov v15  }
0x423: {  	s9 =	sadd.s32 $0x80, s9;
	s7 =	sadd.s32 $0x40, s7;
	v8 =	vld.idx.msk [tilespmem:v12+s2+$0x0], $0xffff  }
0x424: {  	s20 =	sand.u32 $0x1F00, s9;
	s10 =	sadd.s32 $0x40, s10;
	s19 =	sand.u32 $0x40, s8;
	v11 =	vld [tilespmem:s7+$0x0];
	v12 =	vsub.f32 v16, v13  }
0x425: {  	_ =	sdelay $0x3  }
0x426: {  	v9 =	vld.idx.msk [tilespmem:v9+s2+$0x0], $0xffff  }
0x427: {  	v10 =	vld.idx.msk [tilespmem:v10+s2+$0x0], $0xffff  }
0x428: {  	v17 =	vld [tilespmem:s7+$0xFFFFFFE0]  }
0x429: {  	s9 =	sor.u32 s19, s20;
	v18 =	vld [tilespmem:s7+$0xFFFFFFF0]  }
0x42a: {  	s10 =	sadd.s32 $0x1C700, s9;
	v13 =	vld [tilespmem:s9+$0x1C700]  }
0x42b: {  	v14 =	vld [tilespmem:s10+$0x30]  }
0x42c: {  	v15 =	vld [tilespmem:s10+$0x10]  }
0x42d: {  	s8 =	sand.u32 $0xFC0, s8;
	v16 =	vld [tilespmem:s10+$0x20]  }
0x42e: {  	s12 =	sadd.s32 $0x40, s7;
	v19 =	vld [tilespmem:s8+$0x1A700]  }
0x42f: {  	v20 =	vld [tilespmem:s12+$0x0]  }
0x430: {  	v21 =	vld [tilespmem:s12+$0xFFFFFFE0]  }
0x431: {  	v22 =	vld [tilespmem:s12+$0xFFFFFFF0]  }
0x432: {  	v13 =	vld.idx.msk [tilespmem:v13+s2+$0x0], $0xffff  }
0x433: {  	p0 =	por $0x0, $0x0;
	s8 =	simm.s32 $0x1;
	v14 =	vld.idx.msk [tilespmem:v14+s2+$0x0], $0xffff  }
0x434: {  	s8 =	simm.s32 @!p0 $0x0;
	v15 =	vld.idx.msk [tilespmem:v15+s2+$0x0], $0xffff  }
0x435: {  	s13 =	sshll.u32 s8, $0x6;
	v16 =	vld.idx.msk [tilespmem:v16+s2+$0x0], $0xffff;
	_ =	swait.ge [sflag:s18], $0x1000  }
0x436: {  	s7 =	sadd.s32 $0x0, s13;
	[sflag:s18] =	ssyncset.done $0x0  }
0x437: {  	s19 =	sor.u32 $0xB0, s7;
	[sflag:s18] =	ssyncadd.s32 $0xFFFFF000  }
0x438: {  	s20 =	sor.u32 $0x80, s7;
	v23 =	vld [tilespmem:s19+$0x1C700]  }
0x439: {  	s29 =	sor.u32 $0x90, s7;
	s7 =	sor.u32 $0xA0, s7;
	v24 =	vld [tilespmem:s20+$0x1C700]  }
0x43a: {  	p0 =	por !p0, !p0;
	v26 =	vld [tilespmem:s7+$0x1C700];
	s7 =	simm.s32 $0x1  }
0x43b: {  	s9 =	simm.s32 $0x0;
	s7 =	simm.s32 @!p0 $0x0  }
0x43c: {  	v4 =	vsub.f32 v6, v4;
	s10 =	sand.u32 $0xFC0, s9;
	v25 =	vld [tilespmem:s29+$0x1C700];
	s7 =	sshll.u32 s7, $0x6  }
0x43d: {  	s11 =	simm.s32 $0x1B730;
	v5 =	vsub.f32 v5, v7;
	v7 =	vmul.f32 v12, v12;
	v27 =	vld [tilespmem:s10+$0x1B700];
	s7 =	sadd.s32 $0x80, s7  }
0x43e: {  	v4 =	vmul.f32 v4, v4;
	v6 =	vsub.f32 v11, v8;
	v9 =	vsub.f32 v17, v9;
	v11 =	vld [tilespmem:s11+$0x0];
	s12 =	sor.u32 $0xB0, s7  }
0x43f: {  	v5 =	vmul.f32 v5, v5;
	v7 =	vadd.f32 v7, v0;
	v63 =	vld [tilespmem:s12+$0x1C700]  }
0x440: {  	v2 =	vadd.f32 v4, v2;
	v10 =	vsub.f32 v18, v10;
	v4 =	vmul.f32 v9, v9;
	v8 =	vld.idx.msk [tilespmem:v23+s2+$0x0], $0xffff  }
0x441: {  	v6 =	vmul.f32 v6, v6;
	v1 =	vadd.f32 v5, v1;
	s13 =	sor.u32 $0x80, s7;
	v12 =	vld.idx.msk [tilespmem:v24+s2+$0x0], $0xffff  }
0x442: {  	v5 =	vmul.f32 v10, v10;
	v4 =	vadd.f32 v4, v7;
	v9 =	vsub.f32 v19, v13;
	s19 =	sor.u32 $0x90, s7;
	v7 =	vld [tilespmem:s13+$0x1C700]  }
0x443: {  	v3 =	vadd.f32 v6, v3;
	s7 =	sor.u32 $0xA0, s7;
	v6 =	vld [tilespmem:s19+$0x1C700]  }
0x444: {  	v2 =	vadd.f32 v5, v2;
	v10 =	vsub.f32 v20, v14;
	v14 =	vmul.f32 v9, v9;
	v9 =	vld [tilespmem:s7+$0x1C700]  }
0x445: {  	v13 =	vsub.f32 v21, v15;
	v15 =	vsub.f32 v22, v16;
	v0 =	vld.idx.msk [tilespmem:v25+s2+$0x0], $0xffff  }
0x446: {  	v5 =	vld.idx.msk [tilespmem:v26+s2+$0x0], $0xffff;
	v8 =	vsub.f32 v11, v8;
	v11 =	vsub.f32 v27, v12;
	v12 =	vmul.f32 v10, v10  }
0x447: {  	s20 =	simm.s32 $0x40;
	v14 =	vadd.f32 v14, v1;
	v1 =	vmul.f32 v13, v13;
	v13 =	vmul.f32 v15, v15;
	v10 =	vld [tilespmem:s11+$0xFFFFFFE0]  }
0x448: {  	s9 =	simm.s32 $0x80;
	s29 =	sand.u32 $0xFC0, s20;
	v3 =	vadd.f32 v12, v3;
	v12 =	vmul.f32 v8, v8;
	v15 =	vmul.f32 v11, v11;
	v11 =	vld [tilespmem:s11+$0xFFFFFFF0]  }
0x449: {  	s8 =	simm.s32 $0x1B770;
	p0 =	por !p0, !p0;
	s19 =	simm.s32 $0x1;
	v1 =	vadd.f32 v1, v4;
	v2 =	vadd.f32 v13, v2;
	v8 =	vld [tilespmem:s29+$0x1B700]  }
0x44a: {  	s10 =	simm.s32 $0xC0;
	s7 =	simm.s32 $0x80;
	s19 =	simm.s32 @!p0 $0x0;
	v3 =	vadd.f32 v12, v3;
	v12 =	vld.idx.msk [tilespmem:v63+s2+$0x0], $0xffff;
	v4 =	vadd.f32 v15, v14  }
.LBB2_16:
0x44b: {  	p1 =	sne.s32 s10, $0xFC0;
	s11 =	sshll.u32 s19, $0x6;
	v13 =	vld [tilespmem:s8+$0x0];
	s9 =	sadd.s32 $0x80, s9  }
0x44c: {  	s11 =	sadd.s32 s11, s9;
	v14 =	vld.idx.msk [tilespmem:v7+s2+$0x0], $0xffff;
	v7 =	vsub.f32 v10, v0  }
0x44d: {  	s12 =	sor.u32 $0x80, s11;
	s13 =	sor.u32 $0x90, s11;
	s19 =	sor.u32 $0xB0, s11;
	v0 =	vld.idx.msk [tilespmem:v6+s2+$0x0], $0xffff;
	v5 =	vsub.f32 v11, v5  }
0x44e: {  	s11 =	sor.u32 $0xA0, s11;
	v15 =	vld [tilespmem:s19+$0x1C700];
	v10 =	vmul.f32 v7, v7  }
0x44f: {  	v7 =	vld [tilespmem:s12+$0x1C700];
	v5 =	vmul.f32 v5, v5  }
0x450: {  	v6 =	vld [tilespmem:s13+$0x1C700];
	v11 =	vsub.f32 v13, v12;
	v1 =	vadd.f32 v10, v1  }
0x451: {  	v13 =	vld [tilespmem:s11+$0x1C700];
	v2 =	vadd.f32 v5, v2  }
.Ltmp7:
0x452: {  	v8 =	vsub.f32 v8, v14;
	v5 =	vld.idx.msk [tilespmem:v9+s2+$0x0], $0xffff;
	v9 =	vmul.f32 v11, v11;
	(pc) =	sbr.rel @p1 .LBB2_16-.Ltmp7, $4  }
0x453: {  	v10 =	vld [tilespmem:s8+$0xFFFFFFE0]  }
0x454: {  	s11 =	sand.u32 $0xFC0, s7;
	s7 =	smov.u32 s10;
	v14 =	vmul.f32 v8, v8;
	v11 =	vld [tilespmem:s8+$0xFFFFFFF0];
	v3 =	vadd.f32 v9, v3  }
0x455: {  	p0 =	por !p0, !p0;
	s19 =	simm.s32 $0x1;
	v8 =	vld [tilespmem:s11+$0x1B700]  }
0x456: {  	s19 =	simm.s32 @!p0 $0x0;
	s10 =	sadd.s32 $0x40, s10;
	s8 =	sadd.s32 $0x40, s8;
	v4 =	vadd.f32 v14, v4;
	v12 =	vld.idx.msk [tilespmem:v15+s2+$0x0], $0xffff;
	v9 =	vmov v13  }
0x457: {  	_ =	sdelay $0x2  }
0x458: {  	v13 =	vld [tilespmem:s8+$0x0]  }
0x459: {  	v7 =	vld.idx.msk [tilespmem:v7+s2+$0x0], $0xffff  }
0x45a: {  	v6 =	vld.idx.msk [tilespmem:v6+s2+$0x0], $0xffff  }
0x45b: {  	s10 =	sshll.u32 s19, $0x6;
	s9 =	sadd.s32 $0x80, s9;
	v9 =	vld.idx.msk [tilespmem:v9+s2+$0x0], $0xffff  }
0x45c: {  	v18 =	vld [tilespmem:s8+$0xFFFFFFE0];
	s9 =	sadd.s32 s10, s9  }
0x45d: {  	v19 =	vld [tilespmem:s8+$0xFFFFFFF0];
	s10 =	sor.u32 $0xB0, s9  }
0x45e: {  	s11 =	sor.u32 $0x80, s9;
	v14 =	vld [tilespmem:s10+$0x1C700]  }
0x45f: {  	s12 =	sor.u32 $0x90, s9;
	v15 =	vld [tilespmem:s11+$0x1C700]  }
0x460: {  	s9 =	sor.u32 $0xA0, s9;
	v16 =	vld [tilespmem:s12+$0x1C700]  }
0x461: {  	s7 =	sand.u32 $0xFC0, s7;
	v17 =	vld [tilespmem:s9+$0x1C700]  }
0x462: {  	s13 =	sadd.s32 $0x40, s8;
	v20 =	vld [tilespmem:s7+$0x1B700]  }
0x463: {  	v21 =	vld [tilespmem:s13+$0x0]  }
0x464: {  	v51 =	vld [tilespmem:s13+$0xFFFFFFE0]  }
0x465: {  	v0 =	vsub.f32 v10, v0;
	v52 =	vld [tilespmem:s13+$0xFFFFFFF0]  }
0x466: {  	v14 =	vld.idx.msk [tilespmem:v14+s2+$0x0], $0xffff  }
0x467: {  	v5 =	vsub.f32 v11, v5;
	v0 =	vmul.f32 v0, v0;
	v15 =	vld.idx.msk [tilespmem:v15+s2+$0x0], $0xffff  }
0x468: {  	v49 =	vsub.f32 v13, v12;
	v7 =	vsub.f32 v8, v7;
	v48 =	vld.idx.msk [tilespmem:v16+s2+$0x0], $0xffff  }
0x469: {  	v5 =	vmul.f32 v5, v5;
	v0 =	vadd.f32 v0, v1;
	v50 =	vld.idx.msk [tilespmem:v17+s2+$0x0], $0xffff  }
0x46a: {  	v55 =	vsub.f32 v18, v6;
	v11 =	vmul.f32 v49, v49;
	v54 =	vmul.f32 v7, v7  }
0x46b: {  	v56 =	vsub.f32 v19, v9;
	v53 =	vadd.f32 v5, v2  }
0x46c: {  	v3 =	vadd.f32 v11, v3;
	v2 =	vadd.f32 v54, v4  }
0x46d: {  	v5 =	vmul.f32 v55, v55;
	v57 =	vsub.f32 v21, v14;
	v58 =	vsub.f32 v20, v15  }
0x46e: {  	v4 =	vmul.f32 v56, v56;
	v8 =	vsub.f32 v51, v48;
	v59 =	vsub.f32 v52, v50  }
0x46f: {  	v0 =	vadd.f32 v5, v0;
	v60 =	vmul.f32 v57, v57;
	v61 =	vmul.f32 v58, v58  }
0x470: {  	v1 =	vadd.f32 v4, v53;
	v62 =	vmul.f32 v8, v8;
	v63 =	vmul.f32 v59, v59  }
0x471: {  	v3 =	vadd.f32 v60, v3;
	v2 =	vadd.f32 v61, v2  }
0x472: {  	v0 =	vadd.f32 v62, v0;
	v1 =	vadd.f32 v63, v1;
	_ =	sdelay $0x1  }
0x473: {  	v0 =	vadd.f32 v0, v2;
	v1 =	vadd.f32 v3, v1;
	_ =	sdelay $0x1  }
0x474: {  	v0 =	vadd.f32 v1, v0;
	_ =	sdelay $0x1  }
0x475: {  	v0 =	vmul.f32 $3.051757810e-05, v0;
	_ =	sdelay $0x1  }
0x476: {  	s19 =	rddreg [dreg:$0x15];
	s20 =	simm.s32 $0x1E700;
	[tilespmem:$0x1E700] =	vst v0  }
0x477: {  	[hbm4b:s19+s2] =	stream.linear.scatter [tilespmem:s20], [sflag:$0x7], $0x80, $0x38;
	[tilespmem:$0x1EB80] =	vst v63  }
0x478: {  	_ =	swait.ge [sflag:s31], $0x80  }
0x479: {  	s24 =	sadd.s32 $0x1, s24;
	s29 =	rddreg [dreg:$0x16]  }
0x47a: {  	p0 =	sne.s32 s24, s29  }
.Ltmp8:
0x47b: {  	_ = 	snop;
	(pc) =	sbr.rel @p0 .LBB2_1-.Ltmp8, $3  }
0x47c: {  	_ =	sdelay $0x1  }
0x47d: {  	[sflag:s31] =	ssyncset.done $0x0  }
0x47e: {  	[sflag:s31] =	ssyncadd.s32 $0xFFFFFF80  }
0x47f: {  	_ =	sfence.sel $0x180000  }
0x480: {  	[bflag:$0x0] =	sbarrier.arrive $0xFFFF  }
0x481: {  	_ =	strace $0x90000047  }
0x482: {  	s0 =	stileid.u32;
	[bflag:$0x2] =	sbarrier.arrive $0xFFFF  }
0x483: {  	p0 =	sne.s32 s0, $0x0;
	s0 =	rddreg [dreg:$0x5]  }
0x484: {  	s0 =	sadd.s32 @!p0 $0x100000, s0  }
0x485: {  	[sflag:s0] =	ssyncadd.tile.s32 @!p0 $0x1;
	_ =	shalt  }
.Lfunc_end2:
_tile_overlayer_lowered:
.L_overlay_start_2:
0x486: {  	(tag) =	ssettag $0x2  }
0x487: {  	s0 =	rddreg [dreg:$0x0];
	s2 =	stileid.u32  }
0x488: {  	s1 =	rddreg [dreg:$0x1];
	p0 =	sne.s32 s2, $0x0  }
0x489: {  	s3 =	rddreg [dreg:$0x2];
	[bflag:$0x3] =	sbarrier.arrive $0xFFFF;
	s2 =	simm.s32 @!p0 $0x1C07  }
0x48a: {  	[timem:s3], [sflag:s2] =	dma.local @!p0 [hbm:s0], s1  }
0x48b: {  	s0 =	simm.s32 @!p0 $0x7  }
0x48c: {  	_ =	swait.ge @!p0 [sflag:s0], s1  }
0x48d: {  	s1 =	ssub.s32 @!p0 $0x0, s1;
	[sflag:s0] =	ssyncset.done @!p0 $0x0  }
0x48e: {  	[sflag:s0] =	ssyncadd.s32 @!p0 s1  }
0x48f: {  	[bflag:$0x3] =	sbarrier.arrive $0xFFFF  }
0x490: {  	_ =	shalt  }

</sc_bundles>
